<compile_context>
chip_gen: v7x
topology: tpu7x:2x2x1
jax: 0.10.2.dev20260603
libtpu: 0.0.44.dev20260713+nightly
codegen_flags: <defaults>
</compile_context>

<pallas_src>
import functools

import jax
import jax.numpy as jnp
from jax import lax
from jax.experimental import pallas as pl
from jax.experimental.pallas import tpu as pltpu
from jax.experimental.pallas import tpu_sc as plsc

S, D = 2048, 768
E, K, H = 8, 2, 1536
P = K * S
BK = 256
NB = P // BK + (E - 1)
NBK = NB * BK
NBKD = NBK
NBPAD = 24
NC, NS = 2, 16
NW = NC * NS
RPT = NBKD // NW
GCH = ((0, 64), (64, 64), (128, 56))
GB = 64
TPB = S // NW
CH = 512


def _router_kernel(x_ref, wg_ref, bg_ref, gate_ref, pos_ref, qpair_ref,
                   beid_ref, oh_ref):
    xv = x_ref[0]
    logits = jnp.dot(xv, wg_ref[...], preferred_element_type=jnp.float32)
    logits = logits + bg_ref[...]
    m = jnp.max(logits, axis=1, keepdims=True)
    ex = jnp.exp(logits - m)
    probs = ex / jnp.sum(ex, axis=1, keepdims=True)
    gate_ref[...] = probs

    idx = lax.broadcasted_iota(jnp.int32, (S, E), 1)
    p1 = jnp.max(probs, axis=1, keepdims=True)
    i1 = jnp.min(jnp.where(probs == p1, idx, E), axis=1, keepdims=True)
    pm = jnp.where(idx == i1, -jnp.inf, probs)
    p2 = jnp.max(pm, axis=1, keepdims=True)
    i2 = jnp.min(jnp.where(pm == p2, idx, E), axis=1, keepdims=True)
    t = jnp.exp(p2 - p1)
    q1 = 1.0 / (1.0 + t)
    q2 = t / (1.0 + t)

    i12 = jnp.concatenate([i1, i2], axis=0)
    qpair_ref[...] = jnp.concatenate([q1, q2], axis=0)
    lane8 = lax.broadcasted_iota(jnp.int32, (P, E), 1)
    oh = (i12 == lane8).astype(jnp.float32)
    oh_ref[...] = oh

    cnt = jnp.sum(oh, axis=0, keepdims=True)
    npad = jnp.ceil(cnt / BK) * BK
    r8 = lax.broadcasted_iota(jnp.int32, (E, E), 0)
    c8 = lax.broadcasted_iota(jnp.int32, (E, E), 1)
    excl8 = (r8 < c8).astype(jnp.float32)
    poff = jnp.dot(npad, excl8, preferred_element_type=jnp.float32)

    rr = lax.broadcasted_iota(jnp.int32, (CH, CH), 0)
    cc = lax.broadcasted_iota(jnp.int32, (CH, CH), 1)
    ltri = (rr > cc).astype(jnp.float32)

    def body(i, base):
        blk = oh_ref[pl.ds(i * CH, CH), :]
        rank = jnp.dot(ltri, blk, preferred_element_type=jnp.float32)
        row = jnp.sum((rank + base + poff) * blk, axis=1, keepdims=True)
        pos_ref[pl.ds(i * CH, CH), :] = row.astype(jnp.int32)
        return base + jnp.sum(blk, axis=0, keepdims=True)

    lax.fori_loop(0, P // CH, body, jnp.zeros((1, E), jnp.float32))

    nblk = npad / BK
    blkoff = jnp.dot(nblk, excl8, preferred_element_type=jnp.float32)
    biota = lax.broadcasted_iota(jnp.int32, (NBPAD, E), 0).astype(jnp.float32)
    ge = (biota >= blkoff).astype(jnp.float32)
    beid_ref[...] = (jnp.sum(ge, axis=1, keepdims=True) - 1.0).astype(jnp.int32)


PPT = P // NS
ZPT = NBKD // NS
ZPT16 = ZPT


def _sc_dispatch(pos_hbm, q_hbm, x_hbm, xg_hbm, wr_hbm,
                 myidx, tokv, qv, zbi, zbf, idx_v, buf_a, buf_b, rt_sh, wr_sh,
                 sga, sgb, swa, swb):
    bufs = (buf_a, buf_b)
    gsems = (sga, sgb)
    wsems = (swa, swb)
    cid = lax.axis_index("c")
    sid = lax.axis_index("s")
    pb = sid * PPT

    with jax.named_scope("disp_load"):
        for j in range(2):
            pltpu.sync_copy(pos_hbm.at[pl.ds(pb + j * 128, 128)], myidx.at[j])
            pltpu.sync_copy(q_hbm.at[pl.ds(pb + j * 128, 128)], qv.at[j])

    def tbody(i, _):
        for j in range(2):
            sl = pl.ds(i * 16, 16)
            tok = (lax.iota(jnp.int32, 16) + (pb + j * 128 + i * 16)) & (S - 1)
            tokv[j, sl] = tok - (myidx[j, sl] & (S - 1))
        return 0

    lax.fori_loop(0, 8, tbody, 0)

    zf = jnp.zeros((16,), jnp.float32)
    zb = sid * ZPT

    def zbody(i, _):
        zbi[pl.ds(i * 16, 16)] = (lax.iota(jnp.int32, 16) + (zb + i * 16)) & (S - 1)
        zbf[pl.ds(i * 16, 16)] = zf
        return 0

    with jax.named_scope("disp_zero"):
        lax.fori_loop(0, ZPT16 // 16, zbody, 0)
        pltpu.sync_copy(zbi.at[pl.ds(0, ZPT)], rt_sh.at[pl.ds(zb, ZPT)])
        pltpu.sync_copy(zbf.at[pl.ds(0, ZPT)], wr_sh.at[pl.ds(zb, ZPT)])
        plsc.subcore_barrier()
    with jax.named_scope("disp_scatter"):
        for j in range(2):
            pltpu.sync_copy(tokv.at[j], rt_sh.at[myidx.at[j]], add=True)
            pltpu.sync_copy(qv.at[j], wr_sh.at[myidx.at[j]], add=True)
        plsc.subcore_barrier()

    @pl.when(cid == 0)
    def _():
        pltpu.sync_copy(wr_sh.at[pl.ds(zb, ZPT)], zbf.at[pl.ds(0, ZPT)])
        pltpu.sync_copy(zbf.at[pl.ds(0, ZPT)], wr_hbm.at[pl.ds(zb, ZPT)])

    with jax.named_scope("disp_gather"):
        tid = cid * NS + sid
        base = tid * RPT
        pltpu.sync_copy(rt_sh.at[pl.ds(base, RPT)], idx_v)

        def gather(ci):
            off, n = GCH[ci]
            return pltpu.async_copy(x_hbm.at[idx_v.at[pl.ds(off, n)]],
                                    bufs[ci % 2].at[pl.ds(0, n)], gsems[ci % 2])

        def write(ci, sem):
            off, n = GCH[ci]
            return pltpu.async_copy(bufs[ci % 2].at[pl.ds(0, n)],
                                    xg_hbm.at[pl.ds(base + off, n)], sem)

        g0 = gather(0)
        g1 = gather(1)
        g0.wait()
        w0 = write(0, wsems[0])
        w0.wait()
        g2 = gather(2)
        g1.wait()
        w1 = write(1, wsems[1])
        g2.wait()
        w2 = write(2, wsems[0])
        w1.wait()
        w2.wait()


def _gmm_kernel(beid_ref, xg_ref, w1_ref, b1_ref, w2_ref, b2_ref, wr_ref,
                y_ref):
    del beid_ref
    xv = xg_ref[...].astype(jnp.bfloat16)
    acc = jnp.zeros((BK, D), jnp.float32)
    for hc in range(2):
        sl = slice(hc * (H // 2), (hc + 1) * (H // 2))
        h = jnp.maximum(
            jnp.dot(xv, w1_ref[0, :, sl].astype(jnp.bfloat16),
                    preferred_element_type=jnp.float32)
            + b1_ref[0, :, sl], 0.0)
        acc = acc + jnp.dot(h.astype(jnp.bfloat16),
                            w2_ref[0, sl, :].astype(jnp.bfloat16),
                            preferred_element_type=jnp.float32)
    y_ref[...] = (acc + b2_ref[0]) * wr_ref[...]


def _sc_combine(pos_hbm, y_hbm, out_hbm, idx1_v, idx2_v, buf1, buf2, sem):
    cid = lax.axis_index("c")
    sid = lax.axis_index("s")
    tid = cid * NS + sid
    tb = tid * TPB
    pltpu.sync_copy(pos_hbm.at[pl.ds(tb, TPB)], idx1_v)
    pltpu.sync_copy(pos_hbm.at[pl.ds(S + tb, TPB)], idx2_v)
    c1 = pltpu.async_copy(y_hbm.at[idx1_v], buf1, sem)
    c2 = pltpu.async_copy(y_hbm.at[idx2_v], buf2, sem)
    c1.wait()
    c2.wait()

    def rbody(r, _):
        for c in range(D // 16):
            sl = pl.ds(c * 16, 16)
            buf1[r, sl] = buf1[r, sl] + buf2[r, sl]
        return 0

    lax.fori_loop(0, TPB, rbody, 0)
    pltpu.sync_copy(buf1, out_hbm.at[0, pl.ds(tb, TPB)])


@functools.lru_cache(maxsize=None)
def _sc_calls():
    mesh = plsc.VectorSubcoreMesh(core_axis_name="c", subcore_axis_name="s",
                                  num_cores=NC, num_subcores=NS)
    dispatch = pl.kernel(
        _sc_dispatch,
        out_type=[jax.ShapeDtypeStruct((NBKD, D), jnp.float32),
                  jax.ShapeDtypeStruct((NBKD,), jnp.float32)],
        mesh=mesh,
        scratch_types=[
            pltpu.VMEM((2, 128), jnp.int32),
            pltpu.VMEM((2, 128), jnp.int32),
            pltpu.VMEM((2, 128), jnp.float32),
            pltpu.VMEM((ZPT16,), jnp.int32),
            pltpu.VMEM((ZPT16,), jnp.float32),
            pltpu.VMEM((RPT,), jnp.int32),
            pltpu.VMEM((GB, D), jnp.float32),
            pltpu.VMEM((GB, D), jnp.float32),
            pltpu.VMEM_SHARED((NBKD,), jnp.int32),
            pltpu.VMEM_SHARED((NBKD,), jnp.float32),
            pltpu.SemaphoreType.DMA,
            pltpu.SemaphoreType.DMA,
            pltpu.SemaphoreType.DMA,
            pltpu.SemaphoreType.DMA,
        ],
        compiler_params=pltpu.CompilerParams(needs_layout_passes=False),
    )
    combine = pl.kernel(
        _sc_combine,
        out_type=jax.ShapeDtypeStruct((1, S, D), jnp.float32),
        mesh=mesh,
        scratch_types=[
            pltpu.VMEM((TPB,), jnp.int32),
            pltpu.VMEM((TPB,), jnp.int32),
            pltpu.VMEM((TPB, D), jnp.float32),
            pltpu.VMEM((TPB, D), jnp.float32),
            pltpu.SemaphoreType.DMA,
        ],
        compiler_params=pltpu.CompilerParams(needs_layout_passes=False),
    )
    return dispatch, combine


@jax.jit
def kernel(x, Wg, bg, W1, b1, W2, b2):
    B = x.shape[0]

    gate, pos, qpair, beid = pl.pallas_call(
        _router_kernel,
        out_shape=[
            jax.ShapeDtypeStruct((S, E), jnp.float32),
            jax.ShapeDtypeStruct((P, 1), jnp.int32),
            jax.ShapeDtypeStruct((P, 1), jnp.float32),
            jax.ShapeDtypeStruct((NBPAD, 1), jnp.int32),
        ],
        scratch_shapes=[pltpu.VMEM((P, E), jnp.float32)],
    )(x.reshape(1, S, D), Wg, bg.reshape(1, E))

    dispatch_call, combine_call = _sc_calls()
    pos1 = pos.reshape(P)
    xg, wrow = dispatch_call(pos1, qpair.reshape(P), x.reshape(S, D))

    y = pl.pallas_call(
        _gmm_kernel,
        grid_spec=pltpu.PrefetchScalarGridSpec(
            num_scalar_prefetch=1,
            grid=(NB,),
            in_specs=[
                pl.BlockSpec((BK, D), lambda i, beid: (i, 0)),
                pl.BlockSpec((1, D, H), lambda i, beid: (beid[i], 0, 0)),
                pl.BlockSpec((1, 1, H), lambda i, beid: (beid[i], 0, 0)),
                pl.BlockSpec((1, H, D), lambda i, beid: (beid[i], 0, 0)),
                pl.BlockSpec((1, 1, D), lambda i, beid: (beid[i], 0, 0)),
                pl.BlockSpec((BK, 1), lambda i, beid: (i, 0)),
            ],
            out_specs=pl.BlockSpec((BK, D), lambda i, beid: (i, 0)),
        ),
        out_shape=jax.ShapeDtypeStruct((NBK, D), jnp.float32),
    )(beid.reshape(NBPAD), xg, W1, b1.reshape(E, 1, H), W2,
      b2.reshape(E, 1, D), wrow.reshape(NBKD, 1))

    out = combine_call(pos1, y)
    return out.reshape(B, S, D), gate.reshape(B, S, E)

# --- scband reference (transcript-rebuilt; emitter-appended) ---
"""Pipeline reference for scband-mo-elayer-10204842295374 (READ-ONLY COPY).

The authoritative reference and input builder live on the scoring server;
editing this copy changes nothing except your own understanding.
"""

import jax, jax.numpy as jnp
import numpy as np

B, S, D = 1, 2048, 768
E, K, H = 8, 2, 1536


def setup_inputs(seed: int = 0) -> dict:
    key = jax.random.key(seed)
    ks = jax.random.split(key, 8)
    x = jax.random.normal(ks[0], (B, S, D), dtype=jnp.float32)
    Wg = jax.random.normal(ks[1], (D, E), dtype=jnp.float32) * 0.02
    bg = jnp.zeros((E,), dtype=jnp.float32)
    W1 = jax.random.normal(ks[2], (E, D, H), dtype=jnp.float32) * 0.02
    b1 = jnp.zeros((E, H), dtype=jnp.float32)
    W2 = jax.random.normal(ks[3], (E, H, D), dtype=jnp.float32) * 0.02
    b2 = jnp.zeros((E, D), dtype=jnp.float32)
    return {"x": x, "Wg": Wg, "bg": bg, "W1": W1, "b1": b1, "W2": W2, "b2": b2}


def _expert(xm, W1j, b1j, W2j, b2j):
    h = jax.nn.relu(jnp.einsum('bsd,dh->bsh', xm, W1j) + b1j)
    # dropout is identity in eval/reference mode
    return jnp.einsum('bsh,hd->bsd', h, W2j) + b2j


def reference(x, Wg, bg, W1, b1, W2, b2):
    gate_logits = jnp.einsum('bsd,de->bse', x, Wg) + bg
    gate_probs = jax.nn.softmax(gate_logits, axis=-1)
    top_k_probs, top_k_indices = jax.lax.top_k(gate_probs, K)
    top_k_probs = jax.nn.softmax(top_k_probs, axis=-1)
    output = jnp.zeros_like(x)
    for i in range(K):
        expert_idx = top_k_indices[:, :, i]
        expert_probs = top_k_probs[:, :, i][..., None]
        expert_output = jnp.zeros_like(x)
        for j in range(E):
            mask = (expert_idx == j).astype(x.dtype)[..., None]
            expert_input = x * mask
            expert_output = expert_output + _expert(expert_input, W1[j], b1[j], W2[j], b2[j]) * mask
        output = output + expert_output * expert_probs
    return (output, gate_probs)

if __name__ == "__main__":
    import jax
    _d = setup_inputs()
    print(jax.jit(kernel)(*tuple(_d.values())))

</pallas_src>

<mosaic_0001>
#map = affine_map<(d0, d1) -> (0)>
#map1 = affine_map<(d0, d1) -> (0, 0)>
#map2 = affine_map<(d0, d1) -> (0, 0, 0)>
module attributes {stable_mosaic.version = 14 : i64} {
  func.func @_sc_combine(%arg0: i32, %arg1: i32, %arg2: memref<4096xi32, #tpu.memory_space<hbm>>, %arg3: memref<5888x768xf32, #tpu.memory_space<hbm>>, %arg4: memref<1x2048x768xf32, #tpu.memory_space<hbm>>, %arg5: memref<64xi32, #tpu.memory_space<vmem>>, %arg6: memref<64xi32, #tpu.memory_space<vmem>>, %arg7: memref<64x768xf32, #tpu.memory_space<vmem>>, %arg8: memref<64x768xf32, #tpu.memory_space<vmem>>, %arg9: memref<!tpu.dma_semaphore, #tpu.memory_space<semaphore_mem>>) attributes {dimension_semantics = [#tpu.dimension_semantics<core_parallel>, #tpu.dimension_semantics<subcore_parallel>], iteration_bounds = array<i64: 2, 16>, scalar_prefetch = 0 : i64, scratch_operands = 5 : i64, tpu.core_type = #tpu.core_type<sc_vector_subcore>, window_params = [{transform_indices = #map}, {transform_indices = #map1}, {transform_indices = #map2}]} {
    %mul3A = arith.constant 16 : i32
    %mul3A_0 = arith.muli %arg0, %mul3A : i32
    %add3A = arith.addi %mul3A_0, %arg1 : i32
    %mul3A_1 = arith.constant 64 : i32
    %mul3A_2 = arith.muli %add3A, %mul3A_1 : i32
    "tpu.region"() ({
      %run_scoped3A_21 = tpu.sem_alloc : memref<!tpu.dma_semaphore, #tpu.memory_space<semaphore_mem>>
      %dma_start3A_22 = tpu.memref_slice %arg2[%mul3A_2] : memref<4096xi32, #tpu.memory_space<hbm>> -> memref<64xi32, #tpu.memory_space<hbm>>
      %dma_start3A_23 = tpu.memref_slice %arg2[%mul3A_2] : memref<4096xi32, #tpu.memory_space<hbm>> -> memref<64xi32, #tpu.memory_space<hbm>>
      tpu.enqueue_dma source(%dma_start3A_23 : memref<64xi32, #tpu.memory_space<hbm>>) target(%arg5 : memref<64xi32, #tpu.memory_space<vmem>>) target_semaphore(%run_scoped3A_21 : memref<!tpu.dma_semaphore, #tpu.memory_space<semaphore_mem>>)
      %dma_wait3A_24 = tpu.memref_slice %arg2[%mul3A_2] : memref<4096xi32, #tpu.memory_space<hbm>> -> memref<64xi32, #tpu.memory_space<hbm>>
      %dma_wait3A_25 = tpu.memref_slice %arg2[%mul3A_2] : memref<4096xi32, #tpu.memory_space<hbm>> -> memref<64xi32, #tpu.memory_space<hbm>>
      tpu.wait_dma2 semaphore(%run_scoped3A_21 : memref<!tpu.dma_semaphore, #tpu.memory_space<semaphore_mem>>) src(%dma_wait3A_25 : memref<64xi32, #tpu.memory_space<hbm>>) dst(%arg5 : memref<64xi32, #tpu.memory_space<vmem>>)
      tpu.yield
    }) : () -> ()
    %add3A_3 = arith.constant 2048 : i32
    %add3A_4 = arith.addi %add3A_3, %mul3A_2 : i32
    "tpu.region"() ({
      %run_scoped3A_21 = tpu.sem_alloc : memref<!tpu.dma_semaphore, #tpu.memory_space<semaphore_mem>>
      %dma_start3A_22 = tpu.memref_slice %arg2[%add3A_4] : memref<4096xi32, #tpu.memory_space<hbm>> -> memref<64xi32, #tpu.memory_space<hbm>>
      %dma_start3A_23 = tpu.memref_slice %arg2[%add3A_4] : memref<4096xi32, #tpu.memory_space<hbm>> -> memref<64xi32, #tpu.memory_space<hbm>>
      tpu.enqueue_dma source(%dma_start3A_23 : memref<64xi32, #tpu.memory_space<hbm>>) target(%arg6 : memref<64xi32, #tpu.memory_space<vmem>>) target_semaphore(%run_scoped3A_21 : memref<!tpu.dma_semaphore, #tpu.memory_space<semaphore_mem>>)
      %dma_wait3A_24 = tpu.memref_slice %arg2[%add3A_4] : memref<4096xi32, #tpu.memory_space<hbm>> -> memref<64xi32, #tpu.memory_space<hbm>>
      %dma_wait3A_25 = tpu.memref_slice %arg2[%add3A_4] : memref<4096xi32, #tpu.memory_space<hbm>> -> memref<64xi32, #tpu.memory_space<hbm>>
      tpu.wait_dma2 semaphore(%run_scoped3A_21 : memref<!tpu.dma_semaphore, #tpu.memory_space<semaphore_mem>>) src(%dma_wait3A_25 : memref<64xi32, #tpu.memory_space<hbm>>) dst(%arg6 : memref<64xi32, #tpu.memory_space<vmem>>)
      tpu.yield
    }) : () -> ()
    %dma_start3A = arith.constant 0 : i32
    %dma_start3A_5 = arith.constant 0 : i32
    %dma_start3A_6 = tpu.memref_slice %arg3[%dma_start3A, %dma_start3A_5] : memref<5888x768xf32, #tpu.memory_space<hbm>> -> memref<5888x768xf32, #tpu.memory_space<hbm>>
    tpu.enqueue_indirect_dma source(%dma_start3A_6 : memref<5888x768xf32, #tpu.memory_space<hbm>>) target(%arg7 : memref<64x768xf32, #tpu.memory_space<vmem>>) offsets(%arg5 : memref<64xi32, #tpu.memory_space<vmem>>) semaphore(%arg9 : memref<!tpu.dma_semaphore, #tpu.memory_space<semaphore_mem>>)
    %dma_start3A_7 = arith.constant 0 : i32
    %dma_start3A_8 = arith.constant 0 : i32
    %dma_start3A_9 = tpu.memref_slice %arg3[%dma_start3A_7, %dma_start3A_8] : memref<5888x768xf32, #tpu.memory_space<hbm>> -> memref<5888x768xf32, #tpu.memory_space<hbm>>
    tpu.enqueue_indirect_dma source(%dma_start3A_9 : memref<5888x768xf32, #tpu.memory_space<hbm>>) target(%arg8 : memref<64x768xf32, #tpu.memory_space<vmem>>) offsets(%arg6 : memref<64xi32, #tpu.memory_space<vmem>>) semaphore(%arg9 : memref<!tpu.dma_semaphore, #tpu.memory_space<semaphore_mem>>)
    %dma_wait3A = arith.constant 0 : i32
    %dma_wait3A_10 = arith.constant 0 : i32
    %dma_wait3A_11 = tpu.memref_slice %arg3[%dma_wait3A, %dma_wait3A_10] : memref<5888x768xf32, #tpu.memory_space<hbm>> -> memref<5888x768xf32, #tpu.memory_space<hbm>>
    tpu.wait_indirect_dma semaphore(%arg9 : memref<!tpu.dma_semaphore, #tpu.memory_space<semaphore_mem>>) src(%dma_wait3A_11 : memref<5888x768xf32, #tpu.memory_space<hbm>>) dst(%arg7 : memref<64x768xf32, #tpu.memory_space<vmem>>)
    %dma_wait3A_12 = arith.constant 0 : i32
    %dma_wait3A_13 = arith.constant 0 : i32
    %dma_wait3A_14 = tpu.memref_slice %arg3[%dma_wait3A_12, %dma_wait3A_13] : memref<5888x768xf32, #tpu.memory_space<hbm>> -> memref<5888x768xf32, #tpu.memory_space<hbm>>
    tpu.wait_indirect_dma semaphore(%arg9 : memref<!tpu.dma_semaphore, #tpu.memory_space<semaphore_mem>>) src(%dma_wait3A_14 : memref<5888x768xf32, #tpu.memory_space<hbm>>) dst(%arg8 : memref<64x768xf32, #tpu.memory_space<vmem>>)
    %scan3A = arith.constant 0 : i32
    %scan3A_15 = arith.constant 0 : i32
    %scan3A_16 = arith.constant 64 : i32
    %scan3A_17 = arith.addi %scan3A_15, %scan3A_16 : i32
    %scan3A_18 = arith.constant 1 : i32
    %scan3A_19 = scf.for %scan3A_21 = %scan3A_15 to %scan3A_17 step %scan3A_18 iter_args(%scan3A_22 = %scan3A) -> (i32)  : i32 {
      %get3A = arith.index_cast %scan3A_21 : i32 to index
      %get3A_23 = arith.constant 0 : index
      %get3A_24 = tpu.vector_load %arg7[%get3A, %get3A_23] {strides = array<i32>} : memref<64x768xf32, #tpu.memory_space<vmem>>, vector<16xf32>,
      %get3A_25 = arith.index_cast %scan3A_21 : i32 to index
      %get3A_26 = arith.constant 0 : index
      %get3A_27 = tpu.vector_load %arg8[%get3A_25, %get3A_26] {strides = array<i32>} : memref<64x768xf32, #tpu.memory_space<vmem>>, vector<16xf32>,
      %add3A_28 = arith.addf %get3A_24, %get3A_27 : vector<16xf32>
      %swap3A = arith.index_cast %scan3A_21 : i32 to index
      %swap3A_29 = arith.constant 0 : index
      %swap3A_30 = tpu.vector_load %arg7[%swap3A, %swap3A_29] {strides = array<i32>} : memref<64x768xf32, #tpu.memory_space<vmem>>, vector<16xf32>,
      tpu.vector_store %arg7[%swap3A, %swap3A_29], %add3A_28 {strides = array<i32>} : memref<64x768xf32, #tpu.memory_space<vmem>>, vector<16xf32>,
      %get3A_31 = arith.index_cast %scan3A_21 : i32 to index
      %get3A_32 = arith.constant 16 : index
      %get3A_33 = tpu.vector_load %arg7[%get3A_31, %get3A_32] {strides = array<i32>} : memref<64x768xf32, #tpu.memory_space<vmem>>, vector<16xf32>,
      %get3A_34 = arith.index_cast %scan3A_21 : i32 to index
      %get3A_35 = arith.constant 16 : index
      %get3A_36 = tpu.vector_load %arg8[%get3A_34, %get3A_35] {strides = array<i32>} : memref<64x768xf32, #tpu.memory_space<vmem>>, vector<16xf32>,
      %add3A_37 = arith.addf %get3A_33, %get3A_36 : vector<16xf32>
      %swap3A_38 = arith.index_cast %scan3A_21 : i32 to index
      %swap3A_39 = arith.constant 16 : index
      %swap3A_40 = tpu.vector_load %arg7[%swap3A_38, %swap3A_39] {strides = array<i32>} : memref<64x768xf32, #tpu.memory_space<vmem>>, vector<16xf32>,
      tpu.vector_store %arg7[%swap3A_38, %swap3A_39], %add3A_37 {strides = array<i32>} : memref<64x768xf32, #tpu.memory_space<vmem>>, vector<16xf32>,
      %get3A_41 = arith.index_cast %scan3A_21 : i32 to index
      %get3A_42 = arith.constant 32 : index
      %get3A_43 = tpu.vector_load %arg7[%get3A_41, %get3A_42] {strides = array<i32>} : memref<64x768xf32, #tpu.memory_space<vmem>>, vector<16xf32>,
      %get3A_44 = arith.index_cast %scan3A_21 : i32 to index
      %get3A_45 = arith.constant 32 : index
      %get3A_46 = tpu.vector_load %arg8[%get3A_44, %get3A_45] {strides = array<i32>} : memref<64x768xf32, #tpu.memory_space<vmem>>, vector<16xf32>,
      %add3A_47 = arith.addf %get3A_43, %get3A_46 : vector<16xf32>
      %swap3A_48 = arith.index_cast %scan3A_21 : i32 to index
      %swap3A_49 = arith.constant 32 : index
      %swap3A_50 = tpu.vector_load %arg7[%swap3A_48, %swap3A_49] {strides = array<i32>} : memref<64x768xf32, #tpu.memory_space<vmem>>, vector<16xf32>,
      tpu.vector_store %arg7[%swap3A_48, %swap3A_49], %add3A_47 {strides = array<i32>} : memref<64x768xf32, #tpu.memory_space<vmem>>, vector<16xf32>,
      %get3A_51 = arith.index_cast %scan3A_21 : i32 to index
      %get3A_52 = arith.constant 48 : index
      %get3A_53 = tpu.vector_load %arg7[%get3A_51, %get3A_52] {strides = array<i32>} : memref<64x768xf32, #tpu.memory_space<vmem>>, vector<16xf32>,
      %get3A_54 = arith.index_cast %scan3A_21 : i32 to index
      %get3A_55 = arith.constant 48 : index
      %get3A_56 = tpu.vector_load %arg8[%get3A_54, %get3A_55] {strides = array<i32>} : memref<64x768xf32, #tpu.memory_space<vmem>>, vector<16xf32>,
      %add3A_57 = arith.addf %get3A_53, %get3A_56 : vector<16xf32>
      %swap3A_58 = arith.index_cast %scan3A_21 : i32 to index
      %swap3A_59 = arith.constant 48 : index
      %swap3A_60 = tpu.vector_load %arg7[%swap3A_58, %swap3A_59] {strides = array<i32>} : memref<64x768xf32, #tpu.memory_space<vmem>>, vector<16xf32>,
      tpu.vector_store %arg7[%swap3A_58, %swap3A_59], %add3A_57 {strides = array<i32>} : memref<64x768xf32, #tpu.memory_space<vmem>>, vector<16xf32>,
      %get3A_61 = arith.index_cast %scan3A_21 : i32 to index
      %get3A_62 = arith.constant 64 : index
      %get3A_63 = tpu.vector_load %arg7[%get3A_61, %get3A_62] {strides = array<i32>} : memref<64x768xf32, #tpu.memory_space<vmem>>, vector<16xf32>,
      %get3A_64 = arith.index_cast %scan3A_21 : i32 to index
      %get3A_65 = arith.constant 64 : index
      %get3A_66 = tpu.vector_load %arg8[%get3A_64, %get3A_65] {strides = array<i32>} : memref<64x768xf32, #tpu.memory_space<vmem>>, vector<16xf32>,
      %add3A_67 = arith.addf %get3A_63, %get3A_66 : vector<16xf32>
      %swap3A_68 = arith.index_cast %scan3A_21 : i32 to index
      %swap3A_69 = arith.constant 64 : index
      %swap3A_70 = tpu.vector_load %arg7[%swap3A_68, %swap3A_69] {strides = array<i32>} : memref<64x768xf32, #tpu.memory_space<vmem>>, vector<16xf32>,
      tpu.vector_store %arg7[%swap3A_68, %swap3A_69], %add3A_67 {strides = array<i32>} : memref<64x768xf32, #tpu.memory_space<vmem>>, vector<16xf32>,
      %get3A_71 = arith.index_cast %scan3A_21 : i32 to index
      %get3A_72 = arith.constant 80 : index
      %get3A_73 = tpu.vector_load %arg7[%get3A_71, %get3A_72] {strides = array<i32>} : memref<64x768xf32, #tpu.memory_space<vmem>>, vector<16xf32>,
      %get3A_74 = arith.index_cast %scan3A_21 : i32 to index
      %get3A_75 = arith.constant 80 : index
      %get3A_76 = tpu.vector_load %arg8[%get3A_74, %get3A_75] {strides = array<i32>} : memref<64x768xf32, #tpu.memory_space<vmem>>, vector<16xf32>,
      %add3A_77 = arith.addf %get3A_73, %get3A_76 : vector<16xf32>
      %swap3A_78 = arith.index_cast %scan3A_21 : i32 to index
      %swap3A_79 = arith.constant 80 : index
      %swap3A_80 = tpu.vector_load %arg7[%swap3A_78, %swap3A_79] {strides = array<i32>} : memref<64x768xf32, #tpu.memory_space<vmem>>, vector<16xf32>,
      tpu.vector_store %arg7[%swap3A_78, %swap3A_79], %add3A_77 {strides = array<i32>} : memref<64x768xf32, #tpu.memory_space<vmem>>, vector<16xf32>,
      %get3A_81 = arith.index_cast %scan3A_21 : i32 to index
      %get3A_82 = arith.constant 96 : index
      %get3A_83 = tpu.vector_load %arg7[%get3A_81, %get3A_82] {strides = array<i32>} : memref<64x768xf32, #tpu.memory_space<vmem>>, vector<16xf32>,
      %get3A_84 = arith.index_cast %scan3A_21 : i32 to index
      %get3A_85 = arith.constant 96 : index
      %get3A_86 = tpu.vector_load %arg8[%get3A_84, %get3A_85] {strides = array<i32>} : memref<64x768xf32, #tpu.memory_space<vmem>>, vector<16xf32>,
      %add3A_87 = arith.addf %get3A_83, %get3A_86 : vector<16xf32>
      %swap3A_88 = arith.index_cast %scan3A_21 : i32 to index
      %swap3A_89 = arith.constant 96 : index
      %swap3A_90 = tpu.vector_load %arg7[%swap3A_88, %swap3A_89] {strides = array<i32>} : memref<64x768xf32, #tpu.memory_space<vmem>>, vector<16xf32>,
      tpu.vector_store %arg7[%swap3A_88, %swap3A_89], %add3A_87 {strides = array<i32>} : memref<64x768xf32, #tpu.memory_space<vmem>>, vector<16xf32>,
      %get3A_91 = arith.index_cast %scan3A_21 : i32 to index
      %get3A_92 = arith.constant 112 : index
      %get3A_93 = tpu.vector_load %arg7[%get3A_91, %get3A_92] {strides = array<i32>} : memref<64x768xf32, #tpu.memory_space<vmem>>, vector<16xf32>,
      %get3A_94 = arith.index_cast %scan3A_21 : i32 to index
      %get3A_95 = arith.constant 112 : index
      %get3A_96 = tpu.vector_load %arg8[%get3A_94, %get3A_95] {strides = array<i32>} : memref<64x768xf32, #tpu.memory_space<vmem>>, vector<16xf32>,
      %add3A_97 = arith.addf %get3A_93, %get3A_96 : vector<16xf32>
      %swap3A_98 = arith.index_cast %scan3A_21 : i32 to index
      %swap3A_99 = arith.constant 112 : index
      %swap3A_100 = tpu.vector_load %arg7[%swap3A_98, %swap3A_99] {strides = array<i32>} : memref<64x768xf32, #tpu.memory_space<vmem>>, vector<16xf32>,
      tpu.vector_store %arg7[%swap3A_98, %swap3A_99], %add3A_97 {strides = array<i32>} : memref<64x768xf32, #tpu.memory_space<vmem>>, vector<16xf32>,
      %get3A_101 = arith.index_cast %scan3A_21 : i32 to index
      %get3A_102 = arith.constant 128 : index
      %get3A_103 = tpu.vector_load %arg7[%get3A_101, %get3A_102] {strides = array<i32>} : memref<64x768xf32, #tpu.memory_space<vmem>>, vector<16xf32>,
      %get3A_104 = arith.index_cast %scan3A_21 : i32 to index
      %get3A_105 = arith.constant 128 : index
      %get3A_106 = tpu.vector_load %arg8[%get3A_104, %get3A_105] {strides = array<i32>} : memref<64x768xf32, #tpu.memory_space<vmem>>, vector<16xf32>,
      %add3A_107 = arith.addf %get3A_103, %get3A_106 : vector<16xf32>
      %swap3A_108 = arith.index_cast %scan3A_21 : i32 to index
      %swap3A_109 = arith.constant 128 : index
      %swap3A_110 = tpu.vector_load %arg7[%swap3A_108, %swap3A_109] {strides = array<i32>} : memref<64x768xf32, #tpu.memory_space<vmem>>, vector<16xf32>,
      tpu.vector_store %arg7[%swap3A_108, %swap3A_109], %add3A_107 {strides = array<i32>} : memref<64x768xf32, #tpu.memory_space<vmem>>, vector<16xf32>,
      %get3A_111 = arith.index_cast %scan3A_21 : i32 to index
      %get3A_112 = arith.constant 144 : index
      %get3A_113 = tpu.vector_load %arg7[%get3A_111, %get3A_112] {strides = array<i32>} : memref<64x768xf32, #tpu.memory_space<vmem>>, vector<16xf32>,
      %get3A_114 = arith.index_cast %scan3A_21 : i32 to index
      %get3A_115 = arith.constant 144 : index
      %get3A_116 = tpu.vector_load %arg8[%get3A_114, %get3A_115] {strides = array<i32>} : memref<64x768xf32, #tpu.memory_space<vmem>>, vector<16xf32>,
      %add3A_117 = arith.addf %get3A_113, %get3A_116 : vector<16xf32>
      %swap3A_118 = arith.index_cast %scan3A_21 : i32 to index
      %swap3A_119 = arith.constant 144 : index
      %swap3A_120 = tpu.vector_load %arg7[%swap3A_118, %swap3A_119] {strides = array<i32>} : memref<64x768xf32, #tpu.memory_space<vmem>>, vector<16xf32>,
      tpu.vector_store %arg7[%swap3A_118, %swap3A_119], %add3A_117 {strides = array<i32>} : memref<64x768xf32, #tpu.memory_space<vmem>>, vector<16xf32>,
      %get3A_121 = arith.index_cast %scan3A_21 : i32 to index
      %get3A_122 = arith.constant 160 : index
      %get3A_123 = tpu.vector_load %arg7[%get3A_121, %get3A_122] {strides = array<i32>} : memref<64x768xf32, #tpu.memory_space<vmem>>, vector<16xf32>,
      %get3A_124 = arith.index_cast %scan3A_21 : i32 to index
      %get3A_125 = arith.constant 160 : index
      %get3A_126 = tpu.vector_load %arg8[%get3A_124, %get3A_125] {strides = array<i32>} : memref<64x768xf32, #tpu.memory_space<vmem>>, vector<16xf32>,
      %add3A_127 = arith.addf %get3A_123, %get3A_126 : vector<16xf32>
      %swap3A_128 = arith.index_cast %scan3A_21 : i32 to index
      %swap3A_129 = arith.constant 160 : index
      %swap3A_130 = tpu.vector_load %arg7[%swap3A_128, %swap3A_129] {strides = array<i32>} : memref<64x768xf32, #tpu.memory_space<vmem>>, vector<16xf32>,
      tpu.vector_store %arg7[%swap3A_128, %swap3A_129], %add3A_127 {strides = array<i32>} : memref<64x768xf32, #tpu.memory_space<vmem>>, vector<16xf32>,
      %get3A_131 = arith.index_cast %scan3A_21 : i32 to index
      %get3A_132 = arith.constant 176 : index
      %get3A_133 = tpu.vector_load %arg7[%get3A_131, %get3A_132] {strides = array<i32>} : memref<64x768xf32, #tpu.memory_space<vmem>>, vector<16xf32>,
      %get3A_134 = arith.index_cast %scan3A_21 : i32 to index
      %get3A_135 = arith.constant 176 : index
      %get3A_136 = tpu.vector_load %arg8[%get3A_134, %get3A_135] {strides = array<i32>} : memref<64x768xf32, #tpu.memory_space<vmem>>, vector<16xf32>,
      %add3A_137 = arith.addf %get3A_133, %get3A_136 : vector<16xf32>
      %swap3A_138 = arith.index_cast %scan3A_21 : i32 to index
      %swap3A_139 = arith.constant 176 : index
      %swap3A_140 = tpu.vector_load %arg7[%swap3A_138, %swap3A_139] {strides = array<i32>} : memref<64x768xf32, #tpu.memory_space<vmem>>, vector<16xf32>,
      tpu.vector_store %arg7[%swap3A_138, %swap3A_139], %add3A_137 {strides = array<i32>} : memref<64x768xf32, #tpu.memory_space<vmem>>, vector<16xf32>,
      %get3A_141 = arith.index_cast %scan3A_21 : i32 to index
      %get3A_142 = arith.constant 192 : index
      %get3A_143 = tpu.vector_load %arg7[%get3A_141, %get3A_142] {strides = array<i32>} : memref<64x768xf32, #tpu.memory_space<vmem>>, vector<16xf32>,
      %get3A_144 = arith.index_cast %scan3A_21 : i32 to index
      %get3A_145 = arith.constant 192 : index
      %get3A_146 = tpu.vector_load %arg8[%get3A_144, %get3A_145] {strides = array<i32>} : memref<64x768xf32, #tpu.memory_space<vmem>>, vector<16xf32>,
      %add3A_147 = arith.addf %get3A_143, %get3A_146 : vector<16xf32>
      %swap3A_148 = arith.index_cast %scan3A_21 : i32 to index
      %swap3A_149 = arith.constant 192 : index
      %swap3A_150 = tpu.vector_load %arg7[%swap3A_148, %swap3A_149] {strides = array<i32>} : memref<64x768xf32, #tpu.memory_space<vmem>>, vector<16xf32>,
      tpu.vector_store %arg7[%swap3A_148, %swap3A_149], %add3A_147 {strides = array<i32>} : memref<64x768xf32, #tpu.memory_space<vmem>>, vector<16xf32>,
      %get3A_151 = arith.index_cast %scan3A_21 : i32 to index
      %get3A_152 = arith.constant 208 : index
      %get3A_153 = tpu.vector_load %arg7[%get3A_151, %get3A_152] {strides = array<i32>} : memref<64x768xf32, #tpu.memory_space<vmem>>, vector<16xf32>,
      %get3A_154 = arith.index_cast %scan3A_21 : i32 to index
      %get3A_155 = arith.constant 208 : index
      %get3A_156 = tpu.vector_load %arg8[%get3A_154, %get3A_155] {strides = array<i32>} : memref<64x768xf32, #tpu.memory_space<vmem>>, vector<16xf32>,
      %add3A_157 = arith.addf %get3A_153, %get3A_156 : vector<16xf32>
      %swap3A_158 = arith.index_cast %scan3A_21 : i32 to index
      %swap3A_159 = arith.constant 208 : index
      %swap3A_160 = tpu.vector_load %arg7[%swap3A_158, %swap3A_159] {strides = array<i32>} : memref<64x768xf32, #tpu.memory_space<vmem>>, vector<16xf32>,
      tpu.vector_store %arg7[%swap3A_158, %swap3A_159], %add3A_157 {strides = array<i32>} : memref<64x768xf32, #tpu.memory_space<vmem>>, vector<16xf32>,
      %get3A_161 = arith.index_cast %scan3A_21 : i32 to index
      %get3A_162 = arith.constant 224 : index
      %get3A_163 = tpu.vector_load %arg7[%get3A_161, %get3A_162] {strides = array<i32>} : memref<64x768xf32, #tpu.memory_space<vmem>>, vector<16xf32>,
      %get3A_164 = arith.index_cast %scan3A_21 : i32 to index
      %get3A_165 = arith.constant 224 : index
      %get3A_166 = tpu.vector_load %arg8[%get3A_164, %get3A_165] {strides = array<i32>} : memref<64x768xf32, #tpu.memory_space<vmem>>, vector<16xf32>,
      %add3A_167 = arith.addf %get3A_163, %get3A_166 : vector<16xf32>
      %swap3A_168 = arith.index_cast %scan3A_21 : i32 to index
      %swap3A_169 = arith.constant 224 : index
      %swap3A_170 = tpu.vector_load %arg7[%swap3A_168, %swap3A_169] {strides = array<i32>} : memref<64x768xf32, #tpu.memory_space<vmem>>, vector<16xf32>,
      tpu.vector_store %arg7[%swap3A_168, %swap3A_169], %add3A_167 {strides = array<i32>} : memref<64x768xf32, #tpu.memory_space<vmem>>, vector<16xf32>,
      %get3A_171 = arith.index_cast %scan3A_21 : i32 to index
      %get3A_172 = arith.constant 240 : index
      %get3A_173 = tpu.vector_load %arg7[%get3A_171, %get3A_172] {strides = array<i32>} : memref<64x768xf32, #tpu.memory_space<vmem>>, vector<16xf32>,
      %get3A_174 = arith.index_cast %scan3A_21 : i32 to index
      %get3A_175 = arith.constant 240 : index
      %get3A_176 = tpu.vector_load %arg8[%get3A_174, %get3A_175] {strides = array<i32>} : memref<64x768xf32, #tpu.memory_space<vmem>>, vector<16xf32>,
      %add3A_177 = arith.addf %get3A_173, %get3A_176 : vector<16xf32>
      %swap3A_178 = arith.index_cast %scan3A_21 : i32 to index
      %swap3A_179 = arith.constant 240 : index
      %swap3A_180 = tpu.vector_load %arg7[%swap3A_178, %swap3A_179] {strides = array<i32>} : memref<64x768xf32, #tpu.memory_space<vmem>>, vector<16xf32>,
      tpu.vector_store %arg7[%swap3A_178, %swap3A_179], %add3A_177 {strides = array<i32>} : memref<64x768xf32, #tpu.memory_space<vmem>>, vector<16xf32>,
      %get3A_181 = arith.index_cast %scan3A_21 : i32 to index
      %get3A_182 = arith.constant 256 : index
      %get3A_183 = tpu.vector_load %arg7[%get3A_181, %get3A_182] {strides = array<i32>} : memref<64x768xf32, #tpu.memory_space<vmem>>, vector<16xf32>,
      %get3A_184 = arith.index_cast %scan3A_21 : i32 to index
      %get3A_185 = arith.constant 256 : index
      %get3A_186 = tpu.vector_load %arg8[%get3A_184, %get3A_185] {strides = array<i32>} : memref<64x768xf32, #tpu.memory_space<vmem>>, vector<16xf32>,
      %add3A_187 = arith.addf %get3A_183, %get3A_186 : vector<16xf32>
      %swap3A_188 = arith.index_cast %scan3A_21 : i32 to index
      %swap3A_189 = arith.constant 256 : index
      %swap3A_190 = tpu.vector_load %arg7[%swap3A_188, %swap3A_189] {strides = array<i32>} : memref<64x768xf32, #tpu.memory_space<vmem>>, vector<16xf32>,
      tpu.vector_store %arg7[%swap3A_188, %swap3A_189], %add3A_187 {strides = array<i32>} : memref<64x768xf32, #tpu.memory_space<vmem>>, vector<16xf32>,
      %get3A_191 = arith.index_cast %scan3A_21 : i32 to index
      %get3A_192 = arith.constant 272 : index
      %get3A_193 = tpu.vector_load %arg7[%get3A_191, %get3A_192] {strides = array<i32>} : memref<64x768xf32, #tpu.memory_space<vmem>>, vector<16xf32>,
      %get3A_194 = arith.index_cast %scan3A_21 : i32 to index
      %get3A_195 = arith.constant 272 : index
      %get3A_196 = tpu.vector_load %arg8[%get3A_194, %get3A_195] {strides = array<i32>} : memref<64x768xf32, #tpu.memory_space<vmem>>, vector<16xf32>,
      %add3A_197 = arith.addf %get3A_193, %get3A_196 : vector<16xf32>
      %swap3A_198 = arith.index_cast %scan3A_21 : i32 to index
      %swap3A_199 = arith.constant 272 : index
      %swap3A_200 = tpu.vector_load %arg7[%swap3A_198, %swap3A_199] {strides = array<i32>} : memref<64x768xf32, #tpu.memory_space<vmem>>, vector<16xf32>,
      tpu.vector_store %arg7[%swap3A_198, %swap3A_199], %add3A_197 {strides = array<i32>} : memref<64x768xf32, #tpu.memory_space<vmem>>, vector<16xf32>,
      %get3A_201 = arith.index_cast %scan3A_21 : i32 to index
      %get3A_202 = arith.constant 288 : index
      %get3A_203 = tpu.vector_load %arg7[%get3A_201, %get3A_202] {strides = array<i32>} : memref<64x768xf32, #tpu.memory_space<vmem>>, vector<16xf32>,
      %get3A_204 = arith.index_cast %scan3A_21 : i32 to index
      %get3A_205 = arith.constant 288 : index
      %get3A_206 = tpu.vector_load %arg8[%get3A_204, %get3A_205] {strides = array<i32>} : memref<64x768xf32, #tpu.memory_space<vmem>>, vector<16xf32>,
      %add3A_207 = arith.addf %get3A_203, %get3A_206 : vector<16xf32>
      %swap3A_208 = arith.index_cast %scan3A_21 : i32 to index
      %swap3A_209 = arith.constant 288 : index
      %swap3A_210 = tpu.vector_load %arg7[%swap3A_208, %swap3A_209] {strides = array<i32>} : memref<64x768xf32, #tpu.memory_space<vmem>>, vector<16xf32>,
      tpu.vector_store %arg7[%swap3A_208, %swap3A_209], %add3A_207 {strides = array<i32>} : memref<64x768xf32, #tpu.memory_space<vmem>>, vector<16xf32>,
      %get3A_211 = arith.index_cast %scan3A_21 : i32 to index
      %get3A_212 = arith.constant 304 : index
      %get3A_213 = tpu.vector_load %arg7[%get3A_211, %get3A_212] {strides = array<i32>} : memref<64x768xf32, #tpu.memory_space<vmem>>, vector<16xf32>,
      %get3A_214 = arith.index_cast %scan3A_21 : i32 to index
      %get3A_215 = arith.constant 304 : index
      %get3A_216 = tpu.vector_load %arg8[%get3A_214, %get3A_215] {strides = array<i32>} : memref<64x768xf32, #tpu.memory_space<vmem>>, vector<16xf32>,
      %add3A_217 = arith.addf %get3A_213, %get3A_216 : vector<16xf32>
      %swap3A_218 = arith.index_cast %scan3A_21 : i32 to index
      %swap3A_219 = arith.constant 304 : index
      %swap3A_220 = tpu.vector_load %arg7[%swap3A_218, %swap3A_219] {strides = array<i32>} : memref<64x768xf32, #tpu.memory_space<vmem>>, vector<16xf32>,
      tpu.vector_store %arg7[%swap3A_218, %swap3A_219], %add3A_217 {strides = array<i32>} : memref<64x768xf32, #tpu.memory_space<vmem>>, vector<16xf32>,
      %get3A_221 = arith.index_cast %scan3A_21 : i32 to index
      %get3A_222 = arith.constant 320 : index
      %get3A_223 = tpu.vector_load %arg7[%get3A_221, %get3A_222] {strides = array<i32>} : memref<64x768xf32, #tpu.memory_space<vmem>>, vector<16xf32>,
      %get3A_224 = arith.index_cast %scan3A_21 : i32 to index
      %get3A_225 = arith.constant 320 : index
      %get3A_226 = tpu.vector_load %arg8[%get3A_224, %get3A_225] {strides = array<i32>} : memref<64x768xf32, #tpu.memory_space<vmem>>, vector<16xf32>,
      %add3A_227 = arith.addf %get3A_223, %get3A_226 : vector<16xf32>
      %swap3A_228 = arith.index_cast %scan3A_21 : i32 to index
      %swap3A_229 = arith.constant 320 : index
      %swap3A_230 = tpu.vector_load %arg7[%swap3A_228, %swap3A_229] {strides = array<i32>} : memref<64x768xf32, #tpu.memory_space<vmem>>, vector<16xf32>,
      tpu.vector_store %arg7[%swap3A_228, %swap3A_229], %add3A_227 {strides = array<i32>} : memref<64x768xf32, #tpu.memory_space<vmem>>, vector<16xf32>,
      %get3A_231 = arith.index_cast %scan3A_21 : i32 to index
      %get3A_232 = arith.constant 336 : index
      %get3A_233 = tpu.vector_load %arg7[%get3A_231, %get3A_232] {strides = array<i32>} : memref<64x768xf32, #tpu.memory_space<vmem>>, vector<16xf32>,
      %get3A_234 = arith.index_cast %scan3A_21 : i32 to index
      %get3A_235 = arith.constant 336 : index
      %get3A_236 = tpu.vector_load %arg8[%get3A_234, %get3A_235] {strides = array<i32>} : memref<64x768xf32, #tpu.memory_space<vmem>>, vector<16xf32>,
      %add3A_237 = arith.addf %get3A_233, %get3A_236 : vector<16xf32>
      %swap3A_238 = arith.index_cast %scan3A_21 : i32 to index
      %swap3A_239 = arith.constant 336 : index
      %swap3A_240 = tpu.vector_load %arg7[%swap3A_238, %swap3A_239] {strides = array<i32>} : memref<64x768xf32, #tpu.memory_space<vmem>>, vector<16xf32>,
      tpu.vector_store %arg7[%swap3A_238, %swap3A_239], %add3A_237 {strides = array<i32>} : memref<64x768xf32, #tpu.memory_space<vmem>>, vector<16xf32>,
      %get3A_241 = arith.index_cast %scan3A_21 : i32 to index
      %get3A_242 = arith.constant 352 : index
      %get3A_243 = tpu.vector_load %arg7[%get3A_241, %get3A_242] {strides = array<i32>} : memref<64x768xf32, #tpu.memory_space<vmem>>, vector<16xf32>,
      %get3A_244 = arith.index_cast %scan3A_21 : i32 to index
      %get3A_245 = arith.constant 352 : index
      %get3A_246 = tpu.vector_load %arg8[%get3A_244, %get3A_245] {strides = array<i32>} : memref<64x768xf32, #tpu.memory_space<vmem>>, vector<16xf32>,
      %add3A_247 = arith.addf %get3A_243, %get3A_246 : vector<16xf32>
      %swap3A_248 = arith.index_cast %scan3A_21 : i32 to index
      %swap3A_249 = arith.constant 352 : index
      %swap3A_250 = tpu.vector_load %arg7[%swap3A_248, %swap3A_249] {strides = array<i32>} : memref<64x768xf32, #tpu.memory_space<vmem>>, vector<16xf32>,
      tpu.vector_store %arg7[%swap3A_248, %swap3A_249], %add3A_247 {strides = array<i32>} : memref<64x768xf32, #tpu.memory_space<vmem>>, vector<16xf32>,
      %get3A_251 = arith.index_cast %scan3A_21 : i32 to index
      %get3A_252 = arith.constant 368 : index
      %get3A_253 = tpu.vector_load %arg7[%get3A_251, %get3A_252] {strides = array<i32>} : memref<64x768xf32, #tpu.memory_space<vmem>>, vector<16xf32>,
      %get3A_254 = arith.index_cast %scan3A_21 : i32 to index
      %get3A_255 = arith.constant 368 : index
      %get3A_256 = tpu.vector_load %arg8[%get3A_254, %get3A_255] {strides = array<i32>} : memref<64x768xf32, #tpu.memory_space<vmem>>, vector<16xf32>,
      %add3A_257 = arith.addf %get3A_253, %get3A_256 : vector<16xf32>
      %swap3A_258 = arith.index_cast %scan3A_21 : i32 to index
      %swap3A_259 = arith.constant 368 : index
      %swap3A_260 = tpu.vector_load %arg7[%swap3A_258, %swap3A_259] {strides = array<i32>} : memref<64x768xf32, #tpu.memory_space<vmem>>, vector<16xf32>,
      tpu.vector_store %arg7[%swap3A_258, %swap3A_259], %add3A_257 {strides = array<i32>} : memref<64x768xf32, #tpu.memory_space<vmem>>, vector<16xf32>,
      %get3A_261 = arith.index_cast %scan3A_21 : i32 to index
      %get3A_262 = arith.constant 384 : index
      %get3A_263 = tpu.vector_load %arg7[%get3A_261, %get3A_262] {strides = array<i32>} : memref<64x768xf32, #tpu.memory_space<vmem>>, vector<16xf32>,
      %get3A_264 = arith.index_cast %scan3A_21 : i32 to index
      %get3A_265 = arith.constant 384 : index
      %get3A_266 = tpu.vector_load %arg8[%get3A_264, %get3A_265] {strides = array<i32>} : memref<64x768xf32, #tpu.memory_space<vmem>>, vector<16xf32>,
      %add3A_267 = arith.addf %get3A_263, %get3A_266 : vector<16xf32>
      %swap3A_268 = arith.index_cast %scan3A_21 : i32 to index
      %swap3A_269 = arith.constant 384 : index
      %swap3A_270 = tpu.vector_load %arg7[%swap3A_268, %swap3A_269] {strides = array<i32>} : memref<64x768xf32, #tpu.memory_space<vmem>>, vector<16xf32>,
      tpu.vector_store %arg7[%swap3A_268, %swap3A_269], %add3A_267 {strides = array<i32>} : memref<64x768xf32, #tpu.memory_space<vmem>>, vector<16xf32>,
      %get3A_271 = arith.index_cast %scan3A_21 : i32 to index
      %get3A_272 = arith.constant 400 : index
      %get3A_273 = tpu.vector_load %arg7[%get3A_271, %get3A_272] {strides = array<i32>} : memref<64x768xf32, #tpu.memory_space<vmem>>, vector<16xf32>,
      %get3A_274 = arith.index_cast %scan3A_21 : i32 to index
      %get3A_275 = arith.constant 400 : index
      %get3A_276 = tpu.vector_load %arg8[%get3A_274, %get3A_275] {strides = array<i32>} : memref<64x768xf32, #tpu.memory_space<vmem>>, vector<16xf32>,
      %add3A_277 = arith.addf %get3A_273, %get3A_276 : vector<16xf32>
      %swap3A_278 = arith.index_cast %scan3A_21 : i32 to index
      %swap3A_279 = arith.constant 400 : index
      %swap3A_280 = tpu.vector_load %arg7[%swap3A_278, %swap3A_279] {strides = array<i32>} : memref<64x768xf32, #tpu.memory_space<vmem>>, vector<16xf32>,
      tpu.vector_store %arg7[%swap3A_278, %swap3A_279], %add3A_277 {strides = array<i32>} : memref<64x768xf32, #tpu.memory_space<vmem>>, vector<16xf32>,
      %get3A_281 = arith.index_cast %scan3A_21 : i32 to index
      %get3A_282 = arith.constant 416 : index
      %get3A_283 = tpu.vector_load %arg7[%get3A_281, %get3A_282] {strides = array<i32>} : memref<64x768xf32, #tpu.memory_space<vmem>>, vector<16xf32>,
      %get3A_284 = arith.index_cast %scan3A_21 : i32 to index
      %get3A_285 = arith.constant 416 : index
      %get3A_286 = tpu.vector_load %arg8[%get3A_284, %get3A_285] {strides = array<i32>} : memref<64x768xf32, #tpu.memory_space<vmem>>, vector<16xf32>,
      %add3A_287 = arith.addf %get3A_283, %get3A_286 : vector<16xf32>
      %swap3A_288 = arith.index_cast %scan3A_21 : i32 to index
      %swap3A_289 = arith.constant 416 : index
      %swap3A_290 = tpu.vector_load %arg7[%swap3A_288, %swap3A_289] {strides = array<i32>} : memref<64x768xf32, #tpu.memory_space<vmem>>, vector<16xf32>,
      tpu.vector_store %arg7[%swap3A_288, %swap3A_289], %add3A_287 {strides = array<i32>} : memref<64x768xf32, #tpu.memory_space<vmem>>, vector<16xf32>,
      %get3A_291 = arith.index_cast %scan3A_21 : i32 to index
      %get3A_292 = arith.constant 432 : index
      %get3A_293 = tpu.vector_load %arg7[%get3A_291, %get3A_292] {strides = array<i32>} : memref<64x768xf32, #tpu.memory_space<vmem>>, vector<16xf32>,
      %get3A_294 = arith.index_cast %scan3A_21 : i32 to index
      %get3A_295 = arith.constant 432 : index
      %get3A_296 = tpu.vector_load %arg8[%get3A_294, %get3A_295] {strides = array<i32>} : memref<64x768xf32, #tpu.memory_space<vmem>>, vector<16xf32>,
      %add3A_297 = arith.addf %get3A_293, %get3A_296 : vector<16xf32>
      %swap3A_298 = arith.index_cast %scan3A_21 : i32 to index
      %swap3A_299 = arith.constant 432 : index
      %swap3A_300 = tpu.vector_load %arg7[%swap3A_298, %swap3A_299] {strides = array<i32>} : memref<64x768xf32, #tpu.memory_space<vmem>>, vector<16xf32>,
      tpu.vector_store %arg7[%swap3A_298, %swap3A_299], %add3A_297 {strides = array<i32>} : memref<64x768xf32, #tpu.memory_space<vmem>>, vector<16xf32>,
      %get3A_301 = arith.index_cast %scan3A_21 : i32 to index
      %get3A_302 = arith.constant 448 : index
      %get3A_303 = tpu.vector_load %arg7[%get3A_301, %get3A_302] {strides = array<i32>} : memref<64x768xf32, #tpu.memory_space<vmem>>, vector<16xf32>,
      %get3A_304 = arith.index_cast %scan3A_21 : i32 to index
      %get3A_305 = arith.constant 448 : index
      %get3A_306 = tpu.vector_load %arg8[%get3A_304, %get3A_305] {strides = array<i32>} : memref<64x768xf32, #tpu.memory_space<vmem>>, vector<16xf32>,
      %add3A_307 = arith.addf %get3A_303, %get3A_306 : vector<16xf32>
      %swap3A_308 = arith.index_cast %scan3A_21 : i32 to index
      %swap3A_309 = arith.constant 448 : index
      %swap3A_310 = tpu.vector_load %arg7[%swap3A_308, %swap3A_309] {strides = array<i32>} : memref<64x768xf32, #tpu.memory_space<vmem>>, vector<16xf32>,
      tpu.vector_store %arg7[%swap3A_308, %swap3A_309], %add3A_307 {strides = array<i32>} : memref<64x768xf32, #tpu.memory_space<vmem>>, vector<16xf32>,
      %get3A_311 = arith.index_cast %scan3A_21 : i32 to index
      %get3A_312 = arith.constant 464 : index
      %get3A_313 = tpu.vector_load %arg7[%get3A_311, %get3A_312] {strides = array<i32>} : memref<64x768xf32, #tpu.memory_space<vmem>>, vector<16xf32>,
      %get3A_314 = arith.index_cast %scan3A_21 : i32 to index
      %get3A_315 = arith.constant 464 : index
      %get3A_316 = tpu.vector_load %arg8[%get3A_314, %get3A_315] {strides = array<i32>} : memref<64x768xf32, #tpu.memory_space<vmem>>, vector<16xf32>,
      %add3A_317 = arith.addf %get3A_313, %get3A_316 : vector<16xf32>
      %swap3A_318 = arith.index_cast %scan3A_21 : i32 to index
      %swap3A_319 = arith.constant 464 : index
      %swap3A_320 = tpu.vector_load %arg7[%swap3A_318, %swap3A_319] {strides = array<i32>} : memref<64x768xf32, #tpu.memory_space<vmem>>, vector<16xf32>,
      tpu.vector_store %arg7[%swap3A_318, %swap3A_319], %add3A_317 {strides = array<i32>} : memref<64x768xf32, #tpu.memory_space<vmem>>, vector<16xf32>,
      %get3A_321 = arith.index_cast %scan3A_21 : i32 to index
      %get3A_322 = arith.constant 480 : index
      %get3A_323 = tpu.vector_load %arg7[%get3A_321, %get3A_322] {strides = array<i32>} : memref<64x768xf32, #tpu.memory_space<vmem>>, vector<16xf32>,
      %get3A_324 = arith.index_cast %scan3A_21 : i32 to index
      %get3A_325 = arith.constant 480 : index
      %get3A_326 = tpu.vector_load %arg8[%get3A_324, %get3A_325] {strides = array<i32>} : memref<64x768xf32, #tpu.memory_space<vmem>>, vector<16xf32>,
      %add3A_327 = arith.addf %get3A_323, %get3A_326 : vector<16xf32>
      %swap3A_328 = arith.index_cast %scan3A_21 : i32 to index
      %swap3A_329 = arith.constant 480 : index
      %swap3A_330 = tpu.vector_load %arg7[%swap3A_328, %swap3A_329] {strides = array<i32>} : memref<64x768xf32, #tpu.memory_space<vmem>>, vector<16xf32>,
      tpu.vector_store %arg7[%swap3A_328, %swap3A_329], %add3A_327 {strides = array<i32>} : memref<64x768xf32, #tpu.memory_space<vmem>>, vector<16xf32>,
      %get3A_331 = arith.index_cast %scan3A_21 : i32 to index
      %get3A_332 = arith.constant 496 : index
      %get3A_333 = tpu.vector_load %arg7[%get3A_331, %get3A_332] {strides = array<i32>} : memref<64x768xf32, #tpu.memory_space<vmem>>, vector<16xf32>,
      %get3A_334 = arith.index_cast %scan3A_21 : i32 to index
      %get3A_335 = arith.constant 496 : index
      %get3A_336 = tpu.vector_load %arg8[%get3A_334, %get3A_335] {strides = array<i32>} : memref<64x768xf32, #tpu.memory_space<vmem>>, vector<16xf32>,
      %add3A_337 = arith.addf %get3A_333, %get3A_336 : vector<16xf32>
      %swap3A_338 = arith.index_cast %scan3A_21 : i32 to index
      %swap3A_339 = arith.constant 496 : index
      %swap3A_340 = tpu.vector_load %arg7[%swap3A_338, %swap3A_339] {strides = array<i32>} : memref<64x768xf32, #tpu.memory_space<vmem>>, vector<16xf32>,
      tpu.vector_store %arg7[%swap3A_338, %swap3A_339], %add3A_337 {strides = array<i32>} : memref<64x768xf32, #tpu.memory_space<vmem>>, vector<16xf32>,
      %get3A_341 = arith.index_cast %scan3A_21 : i32 to index
      %get3A_342 = arith.constant 512 : index
      %get3A_343 = tpu.vector_load %arg7[%get3A_341, %get3A_342] {strides = array<i32>} : memref<64x768xf32, #tpu.memory_space<vmem>>, vector<16xf32>,
      %get3A_344 = arith.index_cast %scan3A_21 : i32 to index
      %get3A_345 = arith.constant 512 : index
      %get3A_346 = tpu.vector_load %arg8[%get3A_344, %get3A_345] {strides = array<i32>} : memref<64x768xf32, #tpu.memory_space<vmem>>, vector<16xf32>,
      %add3A_347 = arith.addf %get3A_343, %get3A_346 : vector<16xf32>
      %swap3A_348 = arith.index_cast %scan3A_21 : i32 to index
      %swap3A_349 = arith.constant 512 : index
      %swap3A_350 = tpu.vector_load %arg7[%swap3A_348, %swap3A_349] {strides = array<i32>} : memref<64x768xf32, #tpu.memory_space<vmem>>, vector<16xf32>,
      tpu.vector_store %arg7[%swap3A_348, %swap3A_349], %add3A_347 {strides = array<i32>} : memref<64x768xf32, #tpu.memory_space<vmem>>, vector<16xf32>,
      %get3A_351 = arith.index_cast %scan3A_21 : i32 to index
      %get3A_352 = arith.constant 528 : index
      %get3A_353 = tpu.vector_load %arg7[%get3A_351, %get3A_352] {strides = array<i32>} : memref<64x768xf32, #tpu.memory_space<vmem>>, vector<16xf32>,
      %get3A_354 = arith.index_cast %scan3A_21 : i32 to index
      %get3A_355 = arith.constant 528 : index
      %get3A_356 = tpu.vector_load %arg8[%get3A_354, %get3A_355] {strides = array<i32>} : memref<64x768xf32, #tpu.memory_space<vmem>>, vector<16xf32>,
      %add3A_357 = arith.addf %get3A_353, %get3A_356 : vector<16xf32>
      %swap3A_358 = arith.index_cast %scan3A_21 : i32 to index
      %swap3A_359 = arith.constant 528 : index
      %swap3A_360 = tpu.vector_load %arg7[%swap3A_358, %swap3A_359] {strides = array<i32>} : memref<64x768xf32, #tpu.memory_space<vmem>>, vector<16xf32>,
      tpu.vector_store %arg7[%swap3A_358, %swap3A_359], %add3A_357 {strides = array<i32>} : memref<64x768xf32, #tpu.memory_space<vmem>>, vector<16xf32>,
      %get3A_361 = arith.index_cast %scan3A_21 : i32 to index
      %get3A_362 = arith.constant 544 : index
      %get3A_363 = tpu.vector_load %arg7[%get3A_361, %get3A_362] {strides = array<i32>} : memref<64x768xf32, #tpu.memory_space<vmem>>, vector<16xf32>,
      %get3A_364 = arith.index_cast %scan3A_21 : i32 to index
      %get3A_365 = arith.constant 544 : index
      %get3A_366 = tpu.vector_load %arg8[%get3A_364, %get3A_365] {strides = array<i32>} : memref<64x768xf32, #tpu.memory_space<vmem>>, vector<16xf32>,
      %add3A_367 = arith.addf %get3A_363, %get3A_366 : vector<16xf32>
      %swap3A_368 = arith.index_cast %scan3A_21 : i32 to index
      %swap3A_369 = arith.constant 544 : index
      %swap3A_370 = tpu.vector_load %arg7[%swap3A_368, %swap3A_369] {strides = array<i32>} : memref<64x768xf32, #tpu.memory_space<vmem>>, vector<16xf32>,
      tpu.vector_store %arg7[%swap3A_368, %swap3A_369], %add3A_367 {strides = array<i32>} : memref<64x768xf32, #tpu.memory_space<vmem>>, vector<16xf32>,
      %get3A_371 = arith.index_cast %scan3A_21 : i32 to index
      %get3A_372 = arith.constant 560 : index
      %get3A_373 = tpu.vector_load %arg7[%get3A_371, %get3A_372] {strides = array<i32>} : memref<64x768xf32, #tpu.memory_space<vmem>>, vector<16xf32>,
      %get3A_374 = arith.index_cast %scan3A_21 : i32 to index
      %get3A_375 = arith.constant 560 : index
      %get3A_376 = tpu.vector_load %arg8[%get3A_374, %get3A_375] {strides = array<i32>} : memref<64x768xf32, #tpu.memory_space<vmem>>, vector<16xf32>,
      %add3A_377 = arith.addf %get3A_373, %get3A_376 : vector<16xf32>
      %swap3A_378 = arith.index_cast %scan3A_21 : i32 to index
      %swap3A_379 = arith.constant 560 : index
      %swap3A_380 = tpu.vector_load %arg7[%swap3A_378, %swap3A_379] {strides = array<i32>} : memref<64x768xf32, #tpu.memory_space<vmem>>, vector<16xf32>,
      tpu.vector_store %arg7[%swap3A_378, %swap3A_379], %add3A_377 {strides = array<i32>} : memref<64x768xf32, #tpu.memory_space<vmem>>, vector<16xf32>,
      %get3A_381 = arith.index_cast %scan3A_21 : i32 to index
      %get3A_382 = arith.constant 576 : index
      %get3A_383 = tpu.vector_load %arg7[%get3A_381, %get3A_382] {strides = array<i32>} : memref<64x768xf32, #tpu.memory_space<vmem>>, vector<16xf32>,
      %get3A_384 = arith.index_cast %scan3A_21 : i32 to index
      %get3A_385 = arith.constant 576 : index
      %get3A_386 = tpu.vector_load %arg8[%get3A_384, %get3A_385] {strides = array<i32>} : memref<64x768xf32, #tpu.memory_space<vmem>>, vector<16xf32>,
      %add3A_387 = arith.addf %get3A_383, %get3A_386 : vector<16xf32>
      %swap3A_388 = arith.index_cast %scan3A_21 : i32 to index
      %swap3A_389 = arith.constant 576 : index
      %swap3A_390 = tpu.vector_load %arg7[%swap3A_388, %swap3A_389] {strides = array<i32>} : memref<64x768xf32, #tpu.memory_space<vmem>>, vector<16xf32>,
      tpu.vector_store %arg7[%swap3A_388, %swap3A_389], %add3A_387 {strides = array<i32>} : memref<64x768xf32, #tpu.memory_space<vmem>>, vector<16xf32>,
      %get3A_391 = arith.index_cast %scan3A_21 : i32 to index
      %get3A_392 = arith.constant 592 : index
      %get3A_393 = tpu.vector_load %arg7[%get3A_391, %get3A_392] {strides = array<i32>} : memref<64x768xf32, #tpu.memory_space<vmem>>, vector<16xf32>,
      %get3A_394 = arith.index_cast %scan3A_21 : i32 to index
      %get3A_395 = arith.constant 592 : index
      %get3A_396 = tpu.vector_load %arg8[%get3A_394, %get3A_395] {strides = array<i32>} : memref<64x768xf32, #tpu.memory_space<vmem>>, vector<16xf32>,
      %add3A_397 = arith.addf %get3A_393, %get3A_396 : vector<16xf32>
      %swap3A_398 = arith.index_cast %scan3A_21 : i32 to index
      %swap3A_399 = arith.constant 592 : index
      %swap3A_400 = tpu.vector_load %arg7[%swap3A_398, %swap3A_399] {strides = array<i32>} : memref<64x768xf32, #tpu.memory_space<vmem>>, vector<16xf32>,
      tpu.vector_store %arg7[%swap3A_398, %swap3A_399], %add3A_397 {strides = array<i32>} : memref<64x768xf32, #tpu.memory_space<vmem>>, vector<16xf32>,
      %get3A_401 = arith.index_cast %scan3A_21 : i32 to index
      %get3A_402 = arith.constant 608 : index
      %get3A_403 = tpu.vector_load %arg7[%get3A_401, %get3A_402] {strides = array<i32>} : memref<64x768xf32, #tpu.memory_space<vmem>>, vector<16xf32>,
      %get3A_404 = arith.index_cast %scan3A_21 : i32 to index
      %get3A_405 = arith.constant 608 : index
      %get3A_406 = tpu.vector_load %arg8[%get3A_404, %get3A_405] {strides = array<i32>} : memref<64x768xf32, #tpu.memory_space<vmem>>, vector<16xf32>,
      %add3A_407 = arith.addf %get3A_403, %get3A_406 : vector<16xf32>
      %swap3A_408 = arith.index_cast %scan3A_21 : i32 to index
      %swap3A_409 = arith.constant 608 : index
      %swap3A_410 = tpu.vector_load %arg7[%swap3A_408, %swap3A_409] {strides = array<i32>} : memref<64x768xf32, #tpu.memory_space<vmem>>, vector<16xf32>,
      tpu.vector_store %arg7[%swap3A_408, %swap3A_409], %add3A_407 {strides = array<i32>} : memref<64x768xf32, #tpu.memory_space<vmem>>, vector<16xf32>,
      %get3A_411 = arith.index_cast %scan3A_21 : i32 to index
      %get3A_412 = arith.constant 624 : index
      %get3A_413 = tpu.vector_load %arg7[%get3A_411, %get3A_412] {strides = array<i32>} : memref<64x768xf32, #tpu.memory_space<vmem>>, vector<16xf32>,
      %get3A_414 = arith.index_cast %scan3A_21 : i32 to index
      %get3A_415 = arith.constant 624 : index
      %get3A_416 = tpu.vector_load %arg8[%get3A_414, %get3A_415] {strides = array<i32>} : memref<64x768xf32, #tpu.memory_space<vmem>>, vector<16xf32>,
      %add3A_417 = arith.addf %get3A_413, %get3A_416 : vector<16xf32>
      %swap3A_418 = arith.index_cast %scan3A_21 : i32 to index
      %swap3A_419 = arith.constant 624 : index
      %swap3A_420 = tpu.vector_load %arg7[%swap3A_418, %swap3A_419] {strides = array<i32>} : memref<64x768xf32, #tpu.memory_space<vmem>>, vector<16xf32>,
      tpu.vector_store %arg7[%swap3A_418, %swap3A_419], %add3A_417 {strides = array<i32>} : memref<64x768xf32, #tpu.memory_space<vmem>>, vector<16xf32>,
      %get3A_421 = arith.index_cast %scan3A_21 : i32 to index
      %get3A_422 = arith.constant 640 : index
      %get3A_423 = tpu.vector_load %arg7[%get3A_421, %get3A_422] {strides = array<i32>} : memref<64x768xf32, #tpu.memory_space<vmem>>, vector<16xf32>,
      %get3A_424 = arith.index_cast %scan3A_21 : i32 to index
      %get3A_425 = arith.constant 640 : index
      %get3A_426 = tpu.vector_load %arg8[%get3A_424, %get3A_425] {strides = array<i32>} : memref<64x768xf32, #tpu.memory_space<vmem>>, vector<16xf32>,
      %add3A_427 = arith.addf %get3A_423, %get3A_426 : vector<16xf32>
      %swap3A_428 = arith.index_cast %scan3A_21 : i32 to index
      %swap3A_429 = arith.constant 640 : index
      %swap3A_430 = tpu.vector_load %arg7[%swap3A_428, %swap3A_429] {strides = array<i32>} : memref<64x768xf32, #tpu.memory_space<vmem>>, vector<16xf32>,
      tpu.vector_store %arg7[%swap3A_428, %swap3A_429], %add3A_427 {strides = array<i32>} : memref<64x768xf32, #tpu.memory_space<vmem>>, vector<16xf32>,
      %get3A_431 = arith.index_cast %scan3A_21 : i32 to index
      %get3A_432 = arith.constant 656 : index
      %get3A_433 = tpu.vector_load %arg7[%get3A_431, %get3A_432] {strides = array<i32>} : memref<64x768xf32, #tpu.memory_space<vmem>>, vector<16xf32>,
      %get3A_434 = arith.index_cast %scan3A_21 : i32 to index
      %get3A_435 = arith.constant 656 : index
      %get3A_436 = tpu.vector_load %arg8[%get3A_434, %get3A_435] {strides = array<i32>} : memref<64x768xf32, #tpu.memory_space<vmem>>, vector<16xf32>,
      %add3A_437 = arith.addf %get3A_433, %get3A_436 : vector<16xf32>
      %swap3A_438 = arith.index_cast %scan3A_21 : i32 to index
      %swap3A_439 = arith.constant 656 : index
      %swap3A_440 = tpu.vector_load %arg7[%swap3A_438, %swap3A_439] {strides = array<i32>} : memref<64x768xf32, #tpu.memory_space<vmem>>, vector<16xf32>,
      tpu.vector_store %arg7[%swap3A_438, %swap3A_439], %add3A_437 {strides = array<i32>} : memref<64x768xf32, #tpu.memory_space<vmem>>, vector<16xf32>,
      %get3A_441 = arith.index_cast %scan3A_21 : i32 to index
      %get3A_442 = arith.constant 672 : index
      %get3A_443 = tpu.vector_load %arg7[%get3A_441, %get3A_442] {strides = array<i32>} : memref<64x768xf32, #tpu.memory_space<vmem>>, vector<16xf32>,
      %get3A_444 = arith.index_cast %scan3A_21 : i32 to index
      %get3A_445 = arith.constant 672 : index
      %get3A_446 = tpu.vector_load %arg8[%get3A_444, %get3A_445] {strides = array<i32>} : memref<64x768xf32, #tpu.memory_space<vmem>>, vector<16xf32>,
      %add3A_447 = arith.addf %get3A_443, %get3A_446 : vector<16xf32>
      %swap3A_448 = arith.index_cast %scan3A_21 : i32 to index
      %swap3A_449 = arith.constant 672 : index
      %swap3A_450 = tpu.vector_load %arg7[%swap3A_448, %swap3A_449] {strides = array<i32>} : memref<64x768xf32, #tpu.memory_space<vmem>>, vector<16xf32>,
      tpu.vector_store %arg7[%swap3A_448, %swap3A_449], %add3A_447 {strides = array<i32>} : memref<64x768xf32, #tpu.memory_space<vmem>>, vector<16xf32>,
      %get3A_451 = arith.index_cast %scan3A_21 : i32 to index
      %get3A_452 = arith.constant 688 : index
      %get3A_453 = tpu.vector_load %arg7[%get3A_451, %get3A_452] {strides = array<i32>} : memref<64x768xf32, #tpu.memory_space<vmem>>, vector<16xf32>,
      %get3A_454 = arith.index_cast %scan3A_21 : i32 to index
      %get3A_455 = arith.constant 688 : index
      %get3A_456 = tpu.vector_load %arg8[%get3A_454, %get3A_455] {strides = array<i32>} : memref<64x768xf32, #tpu.memory_space<vmem>>, vector<16xf32>,
      %add3A_457 = arith.addf %get3A_453, %get3A_456 : vector<16xf32>
      %swap3A_458 = arith.index_cast %scan3A_21 : i32 to index
      %swap3A_459 = arith.constant 688 : index
      %swap3A_460 = tpu.vector_load %arg7[%swap3A_458, %swap3A_459] {strides = array<i32>} : memref<64x768xf32, #tpu.memory_space<vmem>>, vector<16xf32>,
      tpu.vector_store %arg7[%swap3A_458, %swap3A_459], %add3A_457 {strides = array<i32>} : memref<64x768xf32, #tpu.memory_space<vmem>>, vector<16xf32>,
      %get3A_461 = arith.index_cast %scan3A_21 : i32 to index
      %get3A_462 = arith.constant 704 : index
      %get3A_463 = tpu.vector_load %arg7[%get3A_461, %get3A_462] {strides = array<i32>} : memref<64x768xf32, #tpu.memory_space<vmem>>, vector<16xf32>,
      %get3A_464 = arith.index_cast %scan3A_21 : i32 to index
      %get3A_465 = arith.constant 704 : index
      %get3A_466 = tpu.vector_load %arg8[%get3A_464, %get3A_465] {strides = array<i32>} : memref<64x768xf32, #tpu.memory_space<vmem>>, vector<16xf32>,
      %add3A_467 = arith.addf %get3A_463, %get3A_466 : vector<16xf32>
      %swap3A_468 = arith.index_cast %scan3A_21 : i32 to index
      %swap3A_469 = arith.constant 704 : index
      %swap3A_470 = tpu.vector_load %arg7[%swap3A_468, %swap3A_469] {strides = array<i32>} : memref<64x768xf32, #tpu.memory_space<vmem>>, vector<16xf32>,
      tpu.vector_store %arg7[%swap3A_468, %swap3A_469], %add3A_467 {strides = array<i32>} : memref<64x768xf32, #tpu.memory_space<vmem>>, vector<16xf32>,
      %get3A_471 = arith.index_cast %scan3A_21 : i32 to index
      %get3A_472 = arith.constant 720 : index
      %get3A_473 = tpu.vector_load %arg7[%get3A_471, %get3A_472] {strides = array<i32>} : memref<64x768xf32, #tpu.memory_space<vmem>>, vector<16xf32>,
      %get3A_474 = arith.index_cast %scan3A_21 : i32 to index
      %get3A_475 = arith.constant 720 : index
      %get3A_476 = tpu.vector_load %arg8[%get3A_474, %get3A_475] {strides = array<i32>} : memref<64x768xf32, #tpu.memory_space<vmem>>, vector<16xf32>,
      %add3A_477 = arith.addf %get3A_473, %get3A_476 : vector<16xf32>
      %swap3A_478 = arith.index_cast %scan3A_21 : i32 to index
      %swap3A_479 = arith.constant 720 : index
      %swap3A_480 = tpu.vector_load %arg7[%swap3A_478, %swap3A_479] {strides = array<i32>} : memref<64x768xf32, #tpu.memory_space<vmem>>, vector<16xf32>,
      tpu.vector_store %arg7[%swap3A_478, %swap3A_479], %add3A_477 {strides = array<i32>} : memref<64x768xf32, #tpu.memory_space<vmem>>, vector<16xf32>,
      %get3A_481 = arith.index_cast %scan3A_21 : i32 to index
      %get3A_482 = arith.constant 736 : index
      %get3A_483 = tpu.vector_load %arg7[%get3A_481, %get3A_482] {strides = array<i32>} : memref<64x768xf32, #tpu.memory_space<vmem>>, vector<16xf32>,
      %get3A_484 = arith.index_cast %scan3A_21 : i32 to index
      %get3A_485 = arith.constant 736 : index
      %get3A_486 = tpu.vector_load %arg8[%get3A_484, %get3A_485] {strides = array<i32>} : memref<64x768xf32, #tpu.memory_space<vmem>>, vector<16xf32>,
      %add3A_487 = arith.addf %get3A_483, %get3A_486 : vector<16xf32>
      %swap3A_488 = arith.index_cast %scan3A_21 : i32 to index
      %swap3A_489 = arith.constant 736 : index
      %swap3A_490 = tpu.vector_load %arg7[%swap3A_488, %swap3A_489] {strides = array<i32>} : memref<64x768xf32, #tpu.memory_space<vmem>>, vector<16xf32>,
      tpu.vector_store %arg7[%swap3A_488, %swap3A_489], %add3A_487 {strides = array<i32>} : memref<64x768xf32, #tpu.memory_space<vmem>>, vector<16xf32>,
      %get3A_491 = arith.index_cast %scan3A_21 : i32 to index
      %get3A_492 = arith.constant 752 : index
      %get3A_493 = tpu.vector_load %arg7[%get3A_491, %get3A_492] {strides = array<i32>} : memref<64x768xf32, #tpu.memory_space<vmem>>, vector<16xf32>,
      %get3A_494 = arith.index_cast %scan3A_21 : i32 to index
      %get3A_495 = arith.constant 752 : index
      %get3A_496 = tpu.vector_load %arg8[%get3A_494, %get3A_495] {strides = array<i32>} : memref<64x768xf32, #tpu.memory_space<vmem>>, vector<16xf32>,
      %add3A_497 = arith.addf %get3A_493, %get3A_496 : vector<16xf32>
      %swap3A_498 = arith.index_cast %scan3A_21 : i32 to index
      %swap3A_499 = arith.constant 752 : index
      %swap3A_500 = tpu.vector_load %arg7[%swap3A_498, %swap3A_499] {strides = array<i32>} : memref<64x768xf32, #tpu.memory_space<vmem>>, vector<16xf32>,
      tpu.vector_store %arg7[%swap3A_498, %swap3A_499], %add3A_497 {strides = array<i32>} : memref<64x768xf32, #tpu.memory_space<vmem>>, vector<16xf32>,
      %scan3A_501 = arith.constant 0 : i32
      scf.yield %scan3A_501 : i32
    }
    %scan3A_20 = arith.constant 64 : i32
    %run_scoped3A = arith.constant 0 : i32
    "tpu.region"() ({
      %run_scoped3A_21 = tpu.sem_alloc : memref<!tpu.dma_semaphore, #tpu.memory_space<semaphore_mem>>
      %dma_start3A_22 = arith.constant 0 : i32
      %dma_start3A_23 = tpu.memref_slice %arg4[%run_scoped3A, %mul3A_2, %dma_start3A_22] : memref<1x2048x768xf32, #tpu.memory_space<hbm>> -> memref<1x64x768xf32, #tpu.memory_space<hbm>>
      %dma_start3A_24 = tpu.memref_squeeze %dma_start3A_23 : memref<1x64x768xf32, #tpu.memory_space<hbm>> -> memref<64x768xf32, #tpu.memory_space<hbm>>
      %dma_start3A_25 = arith.constant 0 : i32
      %dma_start3A_26 = tpu.memref_slice %arg4[%run_scoped3A, %mul3A_2, %dma_start3A_25] : memref<1x2048x768xf32, #tpu.memory_space<hbm>> -> memref<1x64x768xf32, #tpu.memory_space<hbm>>
      %dma_start3A_27 = tpu.memref_squeeze %dma_start3A_26 : memref<1x64x768xf32, #tpu.memory_space<hbm>> -> memref<64x768xf32, #tpu.memory_space<hbm>>
      tpu.enqueue_dma source(%arg7 : memref<64x768xf32, #tpu.memory_space<vmem>>) target(%dma_start3A_27 : memref<64x768xf32, #tpu.memory_space<hbm>>) target_semaphore(%run_scoped3A_21 : memref<!tpu.dma_semaphore, #tpu.memory_space<semaphore_mem>>)
      %dma_wait3A_28 = arith.constant 0 : i32
      %dma_wait3A_29 = tpu.memref_slice %arg4[%run_scoped3A, %mul3A_2, %dma_wait3A_28] : memref<1x2048x768xf32, #tpu.memory_space<hbm>> -> memref<1x64x768xf32, #tpu.memory_space<hbm>>
      %dma_wait3A_30 = tpu.memref_squeeze %dma_wait3A_29 : memref<1x64x768xf32, #tpu.memory_space<hbm>> -> memref<64x768xf32, #tpu.memory_space<hbm>>
      %dma_wait3A_31 = arith.constant 0 : i32
      %dma_wait3A_32 = tpu.memref_slice %arg4[%run_scoped3A, %mul3A_2, %dma_wait3A_31] : memref<1x2048x768xf32, #tpu.memory_space<hbm>> -> memref<1x64x768xf32, #tpu.memory_space<hbm>>
      %dma_wait3A_33 = tpu.memref_squeeze %dma_wait3A_32 : memref<1x64x768xf32, #tpu.memory_space<hbm>> -> memref<64x768xf32, #tpu.memory_space<hbm>>
      tpu.wait_dma2 semaphore(%run_scoped3A_21 : memref<!tpu.dma_semaphore, #tpu.memory_space<semaphore_mem>>) src(%arg7 : memref<64x768xf32, #tpu.memory_space<vmem>>) dst(%dma_wait3A_33 : memref<64x768xf32, #tpu.memory_space<hbm>>)
      tpu.yield
    }) : () -> ()
    return
  }
}

#map = affine_map<(d0, d1) -> (0)>
#map1 = affine_map<(d0, d1) -> (0, 0)>
module attributes {stable_mosaic.version = 14 : i64} {
  func.func @_sc_dispatch(%arg0: i32, %arg1: i32, %arg2: memref<4096xi32, #tpu.memory_space<hbm>>, %arg3: memref<4096xf32, #tpu.memory_space<hbm>>, %arg4: memref<2048x768xf32, #tpu.memory_space<hbm>>, %arg5: memref<5888x768xf32, #tpu.memory_space<hbm>>, %arg6: memref<5888xf32, #tpu.memory_space<hbm>>, %arg7: memref<2x128xi32, #tpu.memory_space<vmem>>, %arg8: memref<2x128xi32, #tpu.memory_space<vmem>>, %arg9: memref<2x128xf32, #tpu.memory_space<vmem>>, %arg10: memref<368xi32, #tpu.memory_space<vmem>>, %arg11: memref<368xf32, #tpu.memory_space<vmem>>, %arg12: memref<184xi32, #tpu.memory_space<vmem>>, %arg13: memref<64x768xf32, #tpu.memory_space<vmem>>, %arg14: memref<64x768xf32, #tpu.memory_space<vmem>>, %arg15: memref<5888xi32, #tpu.memory_space<vmem_shared>>, %arg16: memref<5888xf32, #tpu.memory_space<vmem_shared>>, %arg17: memref<!tpu.dma_semaphore, #tpu.memory_space<semaphore_mem>>, %arg18: memref<!tpu.dma_semaphore, #tpu.memory_space<semaphore_mem>>, %arg19: memref<!tpu.dma_semaphore, #tpu.memory_space<semaphore_mem>>, %arg20: memref<!tpu.dma_semaphore, #tpu.memory_space<semaphore_mem>>) attributes {dimension_semantics = [#tpu.dimension_semantics<core_parallel>, #tpu.dimension_semantics<subcore_parallel>], iteration_bounds = array<i64: 2, 16>, scalar_prefetch = 0 : i64, scratch_operands = 14 : i64, tpu.core_type = #tpu.core_type<sc_vector_subcore>, window_params = [{transform_indices = #map}, {transform_indices = #map}, {transform_indices = #map1}, {transform_indices = #map1}, {transform_indices = #map}]} {
    %mul3A = arith.constant 256 : i32
    %mul3A_0 = arith.muli %arg1, %mul3A : i32
    "tpu.trace_start"() <{level = 10 : i32, message = "disp_load"}> : () -> ()
    %add3A = arith.constant 0 : i32
    %add3A_1 = arith.addi %mul3A_0, %add3A : i32
    %run_scoped3A = arith.constant 0 : i32
    "tpu.region"() ({
      %run_scoped3A_155 = tpu.sem_alloc : memref<!tpu.dma_semaphore, #tpu.memory_space<semaphore_mem>>
      %dma_start3A_156 = arith.constant 0 : i32
      %dma_start3A_157 = tpu.memref_slice %arg7[%run_scoped3A, %dma_start3A_156] : memref<2x128xi32, #tpu.memory_space<vmem>> -> memref<1x128xi32, #tpu.memory_space<vmem>>
      %dma_start3A_158 = tpu.memref_squeeze %dma_start3A_157 : memref<1x128xi32, #tpu.memory_space<vmem>> -> memref<128xi32, #tpu.memory_space<vmem>>
      %dma_start3A_159 = tpu.memref_slice %arg2[%add3A_1] : memref<4096xi32, #tpu.memory_space<hbm>> -> memref<128xi32, #tpu.memory_space<hbm>>
      %dma_start3A_160 = arith.constant 0 : i32
      %dma_start3A_161 = tpu.memref_slice %arg7[%run_scoped3A, %dma_start3A_160] : memref<2x128xi32, #tpu.memory_space<vmem>> -> memref<1x128xi32, #tpu.memory_space<vmem>>
      %dma_start3A_162 = tpu.memref_squeeze %dma_start3A_161 : memref<1x128xi32, #tpu.memory_space<vmem>> -> memref<128xi32, #tpu.memory_space<vmem>>
      %dma_start3A_163 = tpu.memref_slice %arg2[%add3A_1] : memref<4096xi32, #tpu.memory_space<hbm>> -> memref<128xi32, #tpu.memory_space<hbm>>
      tpu.enqueue_dma source(%dma_start3A_163 : memref<128xi32, #tpu.memory_space<hbm>>) target(%dma_start3A_162 : memref<128xi32, #tpu.memory_space<vmem>>) target_semaphore(%run_scoped3A_155 : memref<!tpu.dma_semaphore, #tpu.memory_space<semaphore_mem>>)
      %dma_wait3A_164 = arith.constant 0 : i32
      %dma_wait3A_165 = tpu.memref_slice %arg7[%run_scoped3A, %dma_wait3A_164] : memref<2x128xi32, #tpu.memory_space<vmem>> -> memref<1x128xi32, #tpu.memory_space<vmem>>
      %dma_wait3A_166 = tpu.memref_squeeze %dma_wait3A_165 : memref<1x128xi32, #tpu.memory_space<vmem>> -> memref<128xi32, #tpu.memory_space<vmem>>
      %dma_wait3A_167 = tpu.memref_slice %arg2[%add3A_1] : memref<4096xi32, #tpu.memory_space<hbm>> -> memref<128xi32, #tpu.memory_space<hbm>>
      %dma_wait3A_168 = arith.constant 0 : i32
      %dma_wait3A_169 = tpu.memref_slice %arg7[%run_scoped3A, %dma_wait3A_168] : memref<2x128xi32, #tpu.memory_space<vmem>> -> memref<1x128xi32, #tpu.memory_space<vmem>>
      %dma_wait3A_170 = tpu.memref_squeeze %dma_wait3A_169 : memref<1x128xi32, #tpu.memory_space<vmem>> -> memref<128xi32, #tpu.memory_space<vmem>>
      %dma_wait3A_171 = tpu.memref_slice %arg2[%add3A_1] : memref<4096xi32, #tpu.memory_space<hbm>> -> memref<128xi32, #tpu.memory_space<hbm>>
      tpu.wait_dma2 semaphore(%run_scoped3A_155 : memref<!tpu.dma_semaphore, #tpu.memory_space<semaphore_mem>>) src(%dma_wait3A_171 : memref<128xi32, #tpu.memory_space<hbm>>) dst(%dma_wait3A_170 : memref<128xi32, #tpu.memory_space<vmem>>)
      tpu.yield
    }) : () -> ()
    %add3A_2 = arith.constant 0 : i32
    %add3A_3 = arith.addi %mul3A_0, %add3A_2 : i32
    %run_scoped3A_4 = arith.constant 0 : i32
    "tpu.region"() ({
      %run_scoped3A_155 = tpu.sem_alloc : memref<!tpu.dma_semaphore, #tpu.memory_space<semaphore_mem>>
      %dma_start3A_156 = arith.constant 0 : i32
      %dma_start3A_157 = tpu.memref_slice %arg9[%run_scoped3A_4, %dma_start3A_156] : memref<2x128xf32, #tpu.memory_space<vmem>> -> memref<1x128xf32, #tpu.memory_space<vmem>>
      %dma_start3A_158 = tpu.memref_squeeze %dma_start3A_157 : memref<1x128xf32, #tpu.memory_space<vmem>> -> memref<128xf32, #tpu.memory_space<vmem>>
      %dma_start3A_159 = tpu.memref_slice %arg3[%add3A_3] : memref<4096xf32, #tpu.memory_space<hbm>> -> memref<128xf32, #tpu.memory_space<hbm>>
      %dma_start3A_160 = arith.constant 0 : i32
      %dma_start3A_161 = tpu.memref_slice %arg9[%run_scoped3A_4, %dma_start3A_160] : memref<2x128xf32, #tpu.memory_space<vmem>> -> memref<1x128xf32, #tpu.memory_space<vmem>>
      %dma_start3A_162 = tpu.memref_squeeze %dma_start3A_161 : memref<1x128xf32, #tpu.memory_space<vmem>> -> memref<128xf32, #tpu.memory_space<vmem>>
      %dma_start3A_163 = tpu.memref_slice %arg3[%add3A_3] : memref<4096xf32, #tpu.memory_space<hbm>> -> memref<128xf32, #tpu.memory_space<hbm>>
      tpu.enqueue_dma source(%dma_start3A_163 : memref<128xf32, #tpu.memory_space<hbm>>) target(%dma_start3A_162 : memref<128xf32, #tpu.memory_space<vmem>>) target_semaphore(%run_scoped3A_155 : memref<!tpu.dma_semaphore, #tpu.memory_space<semaphore_mem>>)
      %dma_wait3A_164 = arith.constant 0 : i32
      %dma_wait3A_165 = tpu.memref_slice %arg9[%run_scoped3A_4, %dma_wait3A_164] : memref<2x128xf32, #tpu.memory_space<vmem>> -> memref<1x128xf32, #tpu.memory_space<vmem>>
      %dma_wait3A_166 = tpu.memref_squeeze %dma_wait3A_165 : memref<1x128xf32, #tpu.memory_space<vmem>> -> memref<128xf32, #tpu.memory_space<vmem>>
      %dma_wait3A_167 = tpu.memref_slice %arg3[%add3A_3] : memref<4096xf32, #tpu.memory_space<hbm>> -> memref<128xf32, #tpu.memory_space<hbm>>
      %dma_wait3A_168 = arith.constant 0 : i32
      %dma_wait3A_169 = tpu.memref_slice %arg9[%run_scoped3A_4, %dma_wait3A_168] : memref<2x128xf32, #tpu.memory_space<vmem>> -> memref<1x128xf32, #tpu.memory_space<vmem>>
      %dma_wait3A_170 = tpu.memref_squeeze %dma_wait3A_169 : memref<1x128xf32, #tpu.memory_space<vmem>> -> memref<128xf32, #tpu.memory_space<vmem>>
      %dma_wait3A_171 = tpu.memref_slice %arg3[%add3A_3] : memref<4096xf32, #tpu.memory_space<hbm>> -> memref<128xf32, #tpu.memory_space<hbm>>
      tpu.wait_dma2 semaphore(%run_scoped3A_155 : memref<!tpu.dma_semaphore, #tpu.memory_space<semaphore_mem>>) src(%dma_wait3A_171 : memref<128xf32, #tpu.memory_space<hbm>>) dst(%dma_wait3A_170 : memref<128xf32, #tpu.memory_space<vmem>>)
      tpu.yield
    }) : () -> ()
    %add3A_5 = arith.constant 128 : i32
    %add3A_6 = arith.addi %mul3A_0, %add3A_5 : i32
    %run_scoped3A_7 = arith.constant 1 : i32
    "tpu.region"() ({
      %run_scoped3A_155 = tpu.sem_alloc : memref<!tpu.dma_semaphore, #tpu.memory_space<semaphore_mem>>
      %dma_start3A_156 = arith.constant 0 : i32
      %dma_start3A_157 = tpu.memref_slice %arg7[%run_scoped3A_7, %dma_start3A_156] : memref<2x128xi32, #tpu.memory_space<vmem>> -> memref<1x128xi32, #tpu.memory_space<vmem>>
      %dma_start3A_158 = tpu.memref_squeeze %dma_start3A_157 : memref<1x128xi32, #tpu.memory_space<vmem>> -> memref<128xi32, #tpu.memory_space<vmem>>
      %dma_start3A_159 = tpu.memref_slice %arg2[%add3A_6] : memref<4096xi32, #tpu.memory_space<hbm>> -> memref<128xi32, #tpu.memory_space<hbm>>
      %dma_start3A_160 = arith.constant 0 : i32
      %dma_start3A_161 = tpu.memref_slice %arg7[%run_scoped3A_7, %dma_start3A_160] : memref<2x128xi32, #tpu.memory_space<vmem>> -> memref<1x128xi32, #tpu.memory_space<vmem>>
      %dma_start3A_162 = tpu.memref_squeeze %dma_start3A_161 : memref<1x128xi32, #tpu.memory_space<vmem>> -> memref<128xi32, #tpu.memory_space<vmem>>
      %dma_start3A_163 = tpu.memref_slice %arg2[%add3A_6] : memref<4096xi32, #tpu.memory_space<hbm>> -> memref<128xi32, #tpu.memory_space<hbm>>
      tpu.enqueue_dma source(%dma_start3A_163 : memref<128xi32, #tpu.memory_space<hbm>>) target(%dma_start3A_162 : memref<128xi32, #tpu.memory_space<vmem>>) target_semaphore(%run_scoped3A_155 : memref<!tpu.dma_semaphore, #tpu.memory_space<semaphore_mem>>)
      %dma_wait3A_164 = arith.constant 0 : i32
      %dma_wait3A_165 = tpu.memref_slice %arg7[%run_scoped3A_7, %dma_wait3A_164] : memref<2x128xi32, #tpu.memory_space<vmem>> -> memref<1x128xi32, #tpu.memory_space<vmem>>
      %dma_wait3A_166 = tpu.memref_squeeze %dma_wait3A_165 : memref<1x128xi32, #tpu.memory_space<vmem>> -> memref<128xi32, #tpu.memory_space<vmem>>
      %dma_wait3A_167 = tpu.memref_slice %arg2[%add3A_6] : memref<4096xi32, #tpu.memory_space<hbm>> -> memref<128xi32, #tpu.memory_space<hbm>>
      %dma_wait3A_168 = arith.constant 0 : i32
      %dma_wait3A_169 = tpu.memref_slice %arg7[%run_scoped3A_7, %dma_wait3A_168] : memref<2x128xi32, #tpu.memory_space<vmem>> -> memref<1x128xi32, #tpu.memory_space<vmem>>
      %dma_wait3A_170 = tpu.memref_squeeze %dma_wait3A_169 : memref<1x128xi32, #tpu.memory_space<vmem>> -> memref<128xi32, #tpu.memory_space<vmem>>
      %dma_wait3A_171 = tpu.memref_slice %arg2[%add3A_6] : memref<4096xi32, #tpu.memory_space<hbm>> -> memref<128xi32, #tpu.memory_space<hbm>>
      tpu.wait_dma2 semaphore(%run_scoped3A_155 : memref<!tpu.dma_semaphore, #tpu.memory_space<semaphore_mem>>) src(%dma_wait3A_171 : memref<128xi32, #tpu.memory_space<hbm>>) dst(%dma_wait3A_170 : memref<128xi32, #tpu.memory_space<vmem>>)
      tpu.yield
    }) : () -> ()
    %add3A_8 = arith.constant 128 : i32
    %add3A_9 = arith.addi %mul3A_0, %add3A_8 : i32
    %run_scoped3A_10 = arith.constant 1 : i32
    "tpu.region"() ({
      %run_scoped3A_155 = tpu.sem_alloc : memref<!tpu.dma_semaphore, #tpu.memory_space<semaphore_mem>>
      %dma_start3A_156 = arith.constant 0 : i32
      %dma_start3A_157 = tpu.memref_slice %arg9[%run_scoped3A_10, %dma_start3A_156] : memref<2x128xf32, #tpu.memory_space<vmem>> -> memref<1x128xf32, #tpu.memory_space<vmem>>
      %dma_start3A_158 = tpu.memref_squeeze %dma_start3A_157 : memref<1x128xf32, #tpu.memory_space<vmem>> -> memref<128xf32, #tpu.memory_space<vmem>>
      %dma_start3A_159 = tpu.memref_slice %arg3[%add3A_9] : memref<4096xf32, #tpu.memory_space<hbm>> -> memref<128xf32, #tpu.memory_space<hbm>>
      %dma_start3A_160 = arith.constant 0 : i32
      %dma_start3A_161 = tpu.memref_slice %arg9[%run_scoped3A_10, %dma_start3A_160] : memref<2x128xf32, #tpu.memory_space<vmem>> -> memref<1x128xf32, #tpu.memory_space<vmem>>
      %dma_start3A_162 = tpu.memref_squeeze %dma_start3A_161 : memref<1x128xf32, #tpu.memory_space<vmem>> -> memref<128xf32, #tpu.memory_space<vmem>>
      %dma_start3A_163 = tpu.memref_slice %arg3[%add3A_9] : memref<4096xf32, #tpu.memory_space<hbm>> -> memref<128xf32, #tpu.memory_space<hbm>>
      tpu.enqueue_dma source(%dma_start3A_163 : memref<128xf32, #tpu.memory_space<hbm>>) target(%dma_start3A_162 : memref<128xf32, #tpu.memory_space<vmem>>) target_semaphore(%run_scoped3A_155 : memref<!tpu.dma_semaphore, #tpu.memory_space<semaphore_mem>>)
      %dma_wait3A_164 = arith.constant 0 : i32
      %dma_wait3A_165 = tpu.memref_slice %arg9[%run_scoped3A_10, %dma_wait3A_164] : memref<2x128xf32, #tpu.memory_space<vmem>> -> memref<1x128xf32, #tpu.memory_space<vmem>>
      %dma_wait3A_166 = tpu.memref_squeeze %dma_wait3A_165 : memref<1x128xf32, #tpu.memory_space<vmem>> -> memref<128xf32, #tpu.memory_space<vmem>>
      %dma_wait3A_167 = tpu.memref_slice %arg3[%add3A_9] : memref<4096xf32, #tpu.memory_space<hbm>> -> memref<128xf32, #tpu.memory_space<hbm>>
      %dma_wait3A_168 = arith.constant 0 : i32
      %dma_wait3A_169 = tpu.memref_slice %arg9[%run_scoped3A_10, %dma_wait3A_168] : memref<2x128xf32, #tpu.memory_space<vmem>> -> memref<1x128xf32, #tpu.memory_space<vmem>>
      %dma_wait3A_170 = tpu.memref_squeeze %dma_wait3A_169 : memref<1x128xf32, #tpu.memory_space<vmem>> -> memref<128xf32, #tpu.memory_space<vmem>>
      %dma_wait3A_171 = tpu.memref_slice %arg3[%add3A_9] : memref<4096xf32, #tpu.memory_space<hbm>> -> memref<128xf32, #tpu.memory_space<hbm>>
      tpu.wait_dma2 semaphore(%run_scoped3A_155 : memref<!tpu.dma_semaphore, #tpu.memory_space<semaphore_mem>>) src(%dma_wait3A_171 : memref<128xf32, #tpu.memory_space<hbm>>) dst(%dma_wait3A_170 : memref<128xf32, #tpu.memory_space<vmem>>)
      tpu.yield
    }) : () -> ()
    "tpu.trace_stop"() : () -> ()
    %scan3A = arith.constant 0 : i32
    %scan3A_11 = arith.constant 0 : i32
    %scan3A_12 = arith.constant 8 : i32
    %scan3A_13 = arith.addi %scan3A_11, %scan3A_12 : i32
    %scan3A_14 = arith.constant 1 : i32
    %scan3A_15 = scf.for %scan3A_155 = %scan3A_11 to %scan3A_13 step %scan3A_14 iter_args(%scan3A_156 = %scan3A) -> (i32)  : i32 {
      %mul3A_157 = arith.constant 16 : i32
      %mul3A_158 = arith.muli %scan3A_155, %mul3A_157 : i32
      %iota3A = tpu.iota {dimensions = array<i32: 0>} : vector<16xi32>
      %add3A_159 = arith.constant 0 : i32
      %add3A_160 = arith.addi %mul3A_0, %add3A_159 : i32
      %mul3A_161 = arith.constant 16 : i32
      %mul3A_162 = arith.muli %scan3A_155, %mul3A_161 : i32
      %add3A_163 = arith.addi %add3A_160, %mul3A_162 : i32
      %add3A_164 = vector.broadcast %add3A_163 : i32 to vector<16xi32>
      %add3A_165 = arith.addi %iota3A, %add3A_164 : vector<16xi32>
      %and3A = arith.constant 2047 : i32
      %and3A_166 = vector.broadcast %and3A : i32 to vector<16xi32>
      %and3A_167 = arith.andi %add3A_165, %and3A_166 : vector<16xi32>
      %get3A = arith.constant 0 : i32
      %get3A_168 = arith.index_cast %get3A : i32 to index
      %get3A_169 = arith.index_cast %mul3A_158 : i32 to index
      %get3A_170 = tpu.vector_load %arg7[%get3A_168, %get3A_169] {strides = array<i32>} : memref<2x128xi32, #tpu.memory_space<vmem>>, vector<16xi32>,
      %and3A_171 = arith.constant 2047 : i32
      %and3A_172 = vector.broadcast %and3A_171 : i32 to vector<16xi32>
      %and3A_173 = arith.andi %get3A_170, %and3A_172 : vector<16xi32>
      %sub3A = arith.subi %and3A_167, %and3A_173 : vector<16xi32>
      %swap3A = arith.constant 0 : i32
      %swap3A_174 = arith.index_cast %swap3A : i32 to index
      %swap3A_175 = arith.index_cast %mul3A_158 : i32 to index
      %swap3A_176 = tpu.vector_load %arg8[%swap3A_174, %swap3A_175] {strides = array<i32>} : memref<2x128xi32, #tpu.memory_space<vmem>>, vector<16xi32>,
      tpu.vector_store %arg8[%swap3A_174, %swap3A_175], %sub3A {strides = array<i32>} : memref<2x128xi32, #tpu.memory_space<vmem>>, vector<16xi32>,
      %mul3A_177 = arith.constant 16 : i32
      %mul3A_178 = arith.muli %scan3A_155, %mul3A_177 : i32
      %iota3A_179 = tpu.iota {dimensions = array<i32: 0>} : vector<16xi32>
      %add3A_180 = arith.constant 128 : i32
      %add3A_181 = arith.addi %mul3A_0, %add3A_180 : i32
      %mul3A_182 = arith.constant 16 : i32
      %mul3A_183 = arith.muli %scan3A_155, %mul3A_182 : i32
      %add3A_184 = arith.addi %add3A_181, %mul3A_183 : i32
      %add3A_185 = vector.broadcast %add3A_184 : i32 to vector<16xi32>
      %add3A_186 = arith.addi %iota3A_179, %add3A_185 : vector<16xi32>
      %and3A_187 = arith.constant 2047 : i32
      %and3A_188 = vector.broadcast %and3A_187 : i32 to vector<16xi32>
      %and3A_189 = arith.andi %add3A_186, %and3A_188 : vector<16xi32>
      %get3A_190 = arith.constant 1 : i32
      %get3A_191 = arith.index_cast %get3A_190 : i32 to index
      %get3A_192 = arith.index_cast %mul3A_178 : i32 to index
      %get3A_193 = tpu.vector_load %arg7[%get3A_191, %get3A_192] {strides = array<i32>} : memref<2x128xi32, #tpu.memory_space<vmem>>, vector<16xi32>,
      %and3A_194 = arith.constant 2047 : i32
      %and3A_195 = vector.broadcast %and3A_194 : i32 to vector<16xi32>
      %and3A_196 = arith.andi %get3A_193, %and3A_195 : vector<16xi32>
      %sub3A_197 = arith.subi %and3A_189, %and3A_196 : vector<16xi32>
      %swap3A_198 = arith.constant 1 : i32
      %swap3A_199 = arith.index_cast %swap3A_198 : i32 to index
      %swap3A_200 = arith.index_cast %mul3A_178 : i32 to index
      %swap3A_201 = tpu.vector_load %arg8[%swap3A_199, %swap3A_200] {strides = array<i32>} : memref<2x128xi32, #tpu.memory_space<vmem>>, vector<16xi32>,
      tpu.vector_store %arg8[%swap3A_199, %swap3A_200], %sub3A_197 {strides = array<i32>} : memref<2x128xi32, #tpu.memory_space<vmem>>, vector<16xi32>,
      %scan3A_202 = arith.constant 0 : i32
      scf.yield %scan3A_202 : i32
    }
    %scan3A_16 = arith.constant 8 : i32
    %broadcast_in_dim3A = arith.constant 0.000000e+00 : f32
    %broadcast_in_dim3A_17 = vector.broadcast %broadcast_in_dim3A : f32 to vector<16xf32>
    %mul3A_18 = arith.constant 368 : i32
    %mul3A_19 = arith.muli %arg1, %mul3A_18 : i32
    "tpu.trace_start"() <{level = 10 : i32, message = "disp_zero"}> : () -> ()
    %scan3A_20 = arith.constant 0 : i32
    %scan3A_21 = arith.constant 0 : i32
    %scan3A_22 = arith.constant 23 : i32
    %scan3A_23 = arith.addi %scan3A_21, %scan3A_22 : i32
    %scan3A_24 = arith.constant 1 : i32
    %scan3A_25 = scf.for %scan3A_155 = %scan3A_21 to %scan3A_23 step %scan3A_24 iter_args(%scan3A_156 = %scan3A_20) -> (i32)  : i32 {
      %iota3A = tpu.iota {dimensions = array<i32: 0>} : vector<16xi32>
      %mul3A_157 = arith.constant 16 : i32
      %mul3A_158 = arith.muli %scan3A_155, %mul3A_157 : i32
      %add3A_159 = arith.addi %mul3A_19, %mul3A_158 : i32
      %add3A_160 = vector.broadcast %add3A_159 : i32 to vector<16xi32>
      %add3A_161 = arith.addi %iota3A, %add3A_160 : vector<16xi32>
      %and3A = arith.constant 2047 : i32
      %and3A_162 = vector.broadcast %and3A : i32 to vector<16xi32>
      %and3A_163 = arith.andi %add3A_161, %and3A_162 : vector<16xi32>
      %mul3A_164 = arith.constant 16 : i32
      %mul3A_165 = arith.muli %scan3A_155, %mul3A_164 : i32
      %swap3A = arith.index_cast %mul3A_165 : i32 to index
      %swap3A_166 = tpu.vector_load %arg10[%swap3A] {strides = array<i32>} : memref<368xi32, #tpu.memory_space<vmem>>, vector<16xi32>,
      tpu.vector_store %arg10[%swap3A], %and3A_163 {strides = array<i32>} : memref<368xi32, #tpu.memory_space<vmem>>, vector<16xi32>,
      %mul3A_167 = arith.constant 16 : i32
      %mul3A_168 = arith.muli %scan3A_155, %mul3A_167 : i32
      %swap3A_169 = arith.index_cast %mul3A_168 : i32 to index
      %swap3A_170 = tpu.vector_load %arg11[%swap3A_169] {strides = array<i32>} : memref<368xf32, #tpu.memory_space<vmem>>, vector<16xf32>,
      tpu.vector_store %arg11[%swap3A_169], %broadcast_in_dim3A_17 {strides = array<i32>} : memref<368xf32, #tpu.memory_space<vmem>>, vector<16xf32>,
      %scan3A_171 = arith.constant 0 : i32
      scf.yield %scan3A_171 : i32
    }
    %scan3A_26 = arith.constant 23 : i32
    "tpu.region"() ({
      %run_scoped3A_155 = tpu.sem_alloc : memref<!tpu.dma_semaphore, #tpu.memory_space<semaphore_mem>>
      %dma_start3A_156 = arith.constant 0 : i32
      %dma_start3A_157 = tpu.memref_slice %arg10[%dma_start3A_156] : memref<368xi32, #tpu.memory_space<vmem>> -> memref<368xi32, #tpu.memory_space<vmem>>
      %dma_start3A_158 = tpu.memref_slice %arg15[%mul3A_19] : memref<5888xi32, #tpu.memory_space<vmem_shared>> -> memref<368xi32, #tpu.memory_space<vmem_shared>>
      %dma_start3A_159 = tpu.memref_slice %arg15[%mul3A_19] : memref<5888xi32, #tpu.memory_space<vmem_shared>> -> memref<368xi32, #tpu.memory_space<vmem_shared>>
      %dma_start3A_160 = arith.constant 0 : i32
      %dma_start3A_161 = tpu.memref_slice %arg10[%dma_start3A_160] : memref<368xi32, #tpu.memory_space<vmem>> -> memref<368xi32, #tpu.memory_space<vmem>>
      tpu.enqueue_dma source(%dma_start3A_161 : memref<368xi32, #tpu.memory_space<vmem>>) target(%dma_start3A_159 : memref<368xi32, #tpu.memory_space<vmem_shared>>) target_semaphore(%run_scoped3A_155 : memref<!tpu.dma_semaphore, #tpu.memory_space<semaphore_mem>>)
      %dma_wait3A_162 = arith.constant 0 : i32
      %dma_wait3A_163 = tpu.memref_slice %arg10[%dma_wait3A_162] : memref<368xi32, #tpu.memory_space<vmem>> -> memref<368xi32, #tpu.memory_space<vmem>>
      %dma_wait3A_164 = tpu.memref_slice %arg15[%mul3A_19] : memref<5888xi32, #tpu.memory_space<vmem_shared>> -> memref<368xi32, #tpu.memory_space<vmem_shared>>
      %dma_wait3A_165 = tpu.memref_slice %arg15[%mul3A_19] : memref<5888xi32, #tpu.memory_space<vmem_shared>> -> memref<368xi32, #tpu.memory_space<vmem_shared>>
      %dma_wait3A_166 = arith.constant 0 : i32
      %dma_wait3A_167 = tpu.memref_slice %arg10[%dma_wait3A_166] : memref<368xi32, #tpu.memory_space<vmem>> -> memref<368xi32, #tpu.memory_space<vmem>>
      tpu.wait_dma2 semaphore(%run_scoped3A_155 : memref<!tpu.dma_semaphore, #tpu.memory_space<semaphore_mem>>) src(%dma_wait3A_167 : memref<368xi32, #tpu.memory_space<vmem>>) dst(%dma_wait3A_165 : memref<368xi32, #tpu.memory_space<vmem_shared>>)
      tpu.yield
    }) : () -> ()
    "tpu.region"() ({
      %run_scoped3A_155 = tpu.sem_alloc : memref<!tpu.dma_semaphore, #tpu.memory_space<semaphore_mem>>
      %dma_start3A_156 = arith.constant 0 : i32
      %dma_start3A_157 = tpu.memref_slice %arg11[%dma_start3A_156] : memref<368xf32, #tpu.memory_space<vmem>> -> memref<368xf32, #tpu.memory_space<vmem>>
      %dma_start3A_158 = tpu.memref_slice %arg16[%mul3A_19] : memref<5888xf32, #tpu.memory_space<vmem_shared>> -> memref<368xf32, #tpu.memory_space<vmem_shared>>
      %dma_start3A_159 = tpu.memref_slice %arg16[%mul3A_19] : memref<5888xf32, #tpu.memory_space<vmem_shared>> -> memref<368xf32, #tpu.memory_space<vmem_shared>>
      %dma_start3A_160 = arith.constant 0 : i32
      %dma_start3A_161 = tpu.memref_slice %arg11[%dma_start3A_160] : memref<368xf32, #tpu.memory_space<vmem>> -> memref<368xf32, #tpu.memory_space<vmem>>
      tpu.enqueue_dma source(%dma_start3A_161 : memref<368xf32, #tpu.memory_space<vmem>>) target(%dma_start3A_159 : memref<368xf32, #tpu.memory_space<vmem_shared>>) target_semaphore(%run_scoped3A_155 : memref<!tpu.dma_semaphore, #tpu.memory_space<semaphore_mem>>)
      %dma_wait3A_162 = arith.constant 0 : i32
      %dma_wait3A_163 = tpu.memref_slice %arg11[%dma_wait3A_162] : memref<368xf32, #tpu.memory_space<vmem>> -> memref<368xf32, #tpu.memory_space<vmem>>
      %dma_wait3A_164 = tpu.memref_slice %arg16[%mul3A_19] : memref<5888xf32, #tpu.memory_space<vmem_shared>> -> memref<368xf32, #tpu.memory_space<vmem_shared>>
      %dma_wait3A_165 = tpu.memref_slice %arg16[%mul3A_19] : memref<5888xf32, #tpu.memory_space<vmem_shared>> -> memref<368xf32, #tpu.memory_space<vmem_shared>>
      %dma_wait3A_166 = arith.constant 0 : i32
      %dma_wait3A_167 = tpu.memref_slice %arg11[%dma_wait3A_166] : memref<368xf32, #tpu.memory_space<vmem>> -> memref<368xf32, #tpu.memory_space<vmem>>
      tpu.wait_dma2 semaphore(%run_scoped3A_155 : memref<!tpu.dma_semaphore, #tpu.memory_space<semaphore_mem>>) src(%dma_wait3A_167 : memref<368xf32, #tpu.memory_space<vmem>>) dst(%dma_wait3A_165 : memref<368xf32, #tpu.memory_space<vmem_shared>>)
      tpu.yield
    }) : () -> ()
    %barrier3A = arith.constant 0 : index
    tpu.barrier barrier_id(%barrier3A)
    %run_scoped3A_27 = arith.constant 0 : i32
    %run_scoped3A_28 = arith.constant 0 : i32
    "tpu.trace_stop"() : () -> ()
    "tpu.trace_start"() <{level = 10 : i32, message = "disp_scatter"}> : () -> ()
    "tpu.region"() ({
      %run_scoped3A_155 = tpu.sem_alloc : memref<!tpu.dma_semaphore, #tpu.memory_space<semaphore_mem>>
      %dma_start3A_156 = arith.constant 0 : i32
      %dma_start3A_157 = tpu.memref_slice %arg8[%run_scoped3A_27, %dma_start3A_156] : memref<2x128xi32, #tpu.memory_space<vmem>> -> memref<1x128xi32, #tpu.memory_space<vmem>>
      %dma_start3A_158 = tpu.memref_squeeze %dma_start3A_157 : memref<1x128xi32, #tpu.memory_space<vmem>> -> memref<128xi32, #tpu.memory_space<vmem>>
      %dma_start3A_159 = arith.constant 0 : i32
      %dma_start3A_160 = tpu.memref_slice %arg7[%run_scoped3A_28, %dma_start3A_159] : memref<2x128xi32, #tpu.memory_space<vmem>> -> memref<1x128xi32, #tpu.memory_space<vmem>>
      %dma_start3A_161 = tpu.memref_squeeze %dma_start3A_160 : memref<1x128xi32, #tpu.memory_space<vmem>> -> memref<128xi32, #tpu.memory_space<vmem>>
      %dma_start3A_162 = arith.constant 0 : i32
      %dma_start3A_163 = tpu.memref_slice %arg15[%dma_start3A_162] : memref<5888xi32, #tpu.memory_space<vmem_shared>> -> memref<5888xi32, #tpu.memory_space<vmem_shared>>
      tpu.enqueue_indirect_dma source(%dma_start3A_158 : memref<128xi32, #tpu.memory_space<vmem>>) target(%dma_start3A_163 : memref<5888xi32, #tpu.memory_space<vmem_shared>>) offsets(%dma_start3A_161 : memref<128xi32, #tpu.memory_space<vmem>>) semaphore(%run_scoped3A_155 : memref<!tpu.dma_semaphore, #tpu.memory_space<semaphore_mem>>) {add = true}
      %dma_wait3A_164 = arith.constant 0 : i32
      %dma_wait3A_165 = tpu.memref_slice %arg8[%run_scoped3A_27, %dma_wait3A_164] : memref<2x128xi32, #tpu.memory_space<vmem>> -> memref<1x128xi32, #tpu.memory_space<vmem>>
      %dma_wait3A_166 = tpu.memref_squeeze %dma_wait3A_165 : memref<1x128xi32, #tpu.memory_space<vmem>> -> memref<128xi32, #tpu.memory_space<vmem>>
      %dma_wait3A_167 = arith.constant 0 : i32
      %dma_wait3A_168 = tpu.memref_slice %arg7[%run_scoped3A_28, %dma_wait3A_167] : memref<2x128xi32, #tpu.memory_space<vmem>> -> memref<1x128xi32, #tpu.memory_space<vmem>>
      %dma_wait3A_169 = tpu.memref_squeeze %dma_wait3A_168 : memref<1x128xi32, #tpu.memory_space<vmem>> -> memref<128xi32, #tpu.memory_space<vmem>>
      %dma_wait3A_170 = arith.constant 0 : i32
      %dma_wait3A_171 = tpu.memref_slice %arg15[%dma_wait3A_170] : memref<5888xi32, #tpu.memory_space<vmem_shared>> -> memref<5888xi32, #tpu.memory_space<vmem_shared>>
      tpu.wait_indirect_dma semaphore(%run_scoped3A_155 : memref<!tpu.dma_semaphore, #tpu.memory_space<semaphore_mem>>) src(%dma_wait3A_166 : memref<128xi32, #tpu.memory_space<vmem>>) dst(%dma_wait3A_171 : memref<5888xi32, #tpu.memory_space<vmem_shared>>)
      tpu.yield
    }) : () -> ()
    %run_scoped3A_29 = arith.constant 0 : i32
    %run_scoped3A_30 = arith.constant 0 : i32
    "tpu.region"() ({
      %run_scoped3A_155 = tpu.sem_alloc : memref<!tpu.dma_semaphore, #tpu.memory_space<semaphore_mem>>
      %dma_start3A_156 = arith.constant 0 : i32
      %dma_start3A_157 = tpu.memref_slice %arg9[%run_scoped3A_29, %dma_start3A_156] : memref<2x128xf32, #tpu.memory_space<vmem>> -> memref<1x128xf32, #tpu.memory_space<vmem>>
      %dma_start3A_158 = tpu.memref_squeeze %dma_start3A_157 : memref<1x128xf32, #tpu.memory_space<vmem>> -> memref<128xf32, #tpu.memory_space<vmem>>
      %dma_start3A_159 = arith.constant 0 : i32
      %dma_start3A_160 = tpu.memref_slice %arg7[%run_scoped3A_30, %dma_start3A_159] : memref<2x128xi32, #tpu.memory_space<vmem>> -> memref<1x128xi32, #tpu.memory_space<vmem>>
      %dma_start3A_161 = tpu.memref_squeeze %dma_start3A_160 : memref<1x128xi32, #tpu.memory_space<vmem>> -> memref<128xi32, #tpu.memory_space<vmem>>
      %dma_start3A_162 = arith.constant 0 : i32
      %dma_start3A_163 = tpu.memref_slice %arg16[%dma_start3A_162] : memref<5888xf32, #tpu.memory_space<vmem_shared>> -> memref<5888xf32, #tpu.memory_space<vmem_shared>>
      tpu.enqueue_indirect_dma source(%dma_start3A_158 : memref<128xf32, #tpu.memory_space<vmem>>) target(%dma_start3A_163 : memref<5888xf32, #tpu.memory_space<vmem_shared>>) offsets(%dma_start3A_161 : memref<128xi32, #tpu.memory_space<vmem>>) semaphore(%run_scoped3A_155 : memref<!tpu.dma_semaphore, #tpu.memory_space<semaphore_mem>>) {add = true}
      %dma_wait3A_164 = arith.constant 0 : i32
      %dma_wait3A_165 = tpu.memref_slice %arg9[%run_scoped3A_29, %dma_wait3A_164] : memref<2x128xf32, #tpu.memory_space<vmem>> -> memref<1x128xf32, #tpu.memory_space<vmem>>
      %dma_wait3A_166 = tpu.memref_squeeze %dma_wait3A_165 : memref<1x128xf32, #tpu.memory_space<vmem>> -> memref<128xf32, #tpu.memory_space<vmem>>
      %dma_wait3A_167 = arith.constant 0 : i32
      %dma_wait3A_168 = tpu.memref_slice %arg7[%run_scoped3A_30, %dma_wait3A_167] : memref<2x128xi32, #tpu.memory_space<vmem>> -> memref<1x128xi32, #tpu.memory_space<vmem>>
      %dma_wait3A_169 = tpu.memref_squeeze %dma_wait3A_168 : memref<1x128xi32, #tpu.memory_space<vmem>> -> memref<128xi32, #tpu.memory_space<vmem>>
      %dma_wait3A_170 = arith.constant 0 : i32
      %dma_wait3A_171 = tpu.memref_slice %arg16[%dma_wait3A_170] : memref<5888xf32, #tpu.memory_space<vmem_shared>> -> memref<5888xf32, #tpu.memory_space<vmem_shared>>
      tpu.wait_indirect_dma semaphore(%run_scoped3A_155 : memref<!tpu.dma_semaphore, #tpu.memory_space<semaphore_mem>>) src(%dma_wait3A_166 : memref<128xf32, #tpu.memory_space<vmem>>) dst(%dma_wait3A_171 : memref<5888xf32, #tpu.memory_space<vmem_shared>>)
      tpu.yield
    }) : () -> ()
    %run_scoped3A_31 = arith.constant 1 : i32
    %run_scoped3A_32 = arith.constant 1 : i32
    "tpu.region"() ({
      %run_scoped3A_155 = tpu.sem_alloc : memref<!tpu.dma_semaphore, #tpu.memory_space<semaphore_mem>>
      %dma_start3A_156 = arith.constant 0 : i32
      %dma_start3A_157 = tpu.memref_slice %arg8[%run_scoped3A_31, %dma_start3A_156] : memref<2x128xi32, #tpu.memory_space<vmem>> -> memref<1x128xi32, #tpu.memory_space<vmem>>
      %dma_start3A_158 = tpu.memref_squeeze %dma_start3A_157 : memref<1x128xi32, #tpu.memory_space<vmem>> -> memref<128xi32, #tpu.memory_space<vmem>>
      %dma_start3A_159 = arith.constant 0 : i32
      %dma_start3A_160 = tpu.memref_slice %arg7[%run_scoped3A_32, %dma_start3A_159] : memref<2x128xi32, #tpu.memory_space<vmem>> -> memref<1x128xi32, #tpu.memory_space<vmem>>
      %dma_start3A_161 = tpu.memref_squeeze %dma_start3A_160 : memref<1x128xi32, #tpu.memory_space<vmem>> -> memref<128xi32, #tpu.memory_space<vmem>>
      %dma_start3A_162 = arith.constant 0 : i32
      %dma_start3A_163 = tpu.memref_slice %arg15[%dma_start3A_162] : memref<5888xi32, #tpu.memory_space<vmem_shared>> -> memref<5888xi32, #tpu.memory_space<vmem_shared>>
      tpu.enqueue_indirect_dma source(%dma_start3A_158 : memref<128xi32, #tpu.memory_space<vmem>>) target(%dma_start3A_163 : memref<5888xi32, #tpu.memory_space<vmem_shared>>) offsets(%dma_start3A_161 : memref<128xi32, #tpu.memory_space<vmem>>) semaphore(%run_scoped3A_155 : memref<!tpu.dma_semaphore, #tpu.memory_space<semaphore_mem>>) {add = true}
      %dma_wait3A_164 = arith.constant 0 : i32
      %dma_wait3A_165 = tpu.memref_slice %arg8[%run_scoped3A_31, %dma_wait3A_164] : memref<2x128xi32, #tpu.memory_space<vmem>> -> memref<1x128xi32, #tpu.memory_space<vmem>>
      %dma_wait3A_166 = tpu.memref_squeeze %dma_wait3A_165 : memref<1x128xi32, #tpu.memory_space<vmem>> -> memref<128xi32, #tpu.memory_space<vmem>>
      %dma_wait3A_167 = arith.constant 0 : i32
      %dma_wait3A_168 = tpu.memref_slice %arg7[%run_scoped3A_32, %dma_wait3A_167] : memref<2x128xi32, #tpu.memory_space<vmem>> -> memref<1x128xi32, #tpu.memory_space<vmem>>
      %dma_wait3A_169 = tpu.memref_squeeze %dma_wait3A_168 : memref<1x128xi32, #tpu.memory_space<vmem>> -> memref<128xi32, #tpu.memory_space<vmem>>
      %dma_wait3A_170 = arith.constant 0 : i32
      %dma_wait3A_171 = tpu.memref_slice %arg15[%dma_wait3A_170] : memref<5888xi32, #tpu.memory_space<vmem_shared>> -> memref<5888xi32, #tpu.memory_space<vmem_shared>>
      tpu.wait_indirect_dma semaphore(%run_scoped3A_155 : memref<!tpu.dma_semaphore, #tpu.memory_space<semaphore_mem>>) src(%dma_wait3A_166 : memref<128xi32, #tpu.memory_space<vmem>>) dst(%dma_wait3A_171 : memref<5888xi32, #tpu.memory_space<vmem_shared>>)
      tpu.yield
    }) : () -> ()
    %run_scoped3A_33 = arith.constant 1 : i32
    %run_scoped3A_34 = arith.constant 1 : i32
    "tpu.region"() ({
      %run_scoped3A_155 = tpu.sem_alloc : memref<!tpu.dma_semaphore, #tpu.memory_space<semaphore_mem>>
      %dma_start3A_156 = arith.constant 0 : i32
      %dma_start3A_157 = tpu.memref_slice %arg9[%run_scoped3A_33, %dma_start3A_156] : memref<2x128xf32, #tpu.memory_space<vmem>> -> memref<1x128xf32, #tpu.memory_space<vmem>>
      %dma_start3A_158 = tpu.memref_squeeze %dma_start3A_157 : memref<1x128xf32, #tpu.memory_space<vmem>> -> memref<128xf32, #tpu.memory_space<vmem>>
      %dma_start3A_159 = arith.constant 0 : i32
      %dma_start3A_160 = tpu.memref_slice %arg7[%run_scoped3A_34, %dma_start3A_159] : memref<2x128xi32, #tpu.memory_space<vmem>> -> memref<1x128xi32, #tpu.memory_space<vmem>>
      %dma_start3A_161 = tpu.memref_squeeze %dma_start3A_160 : memref<1x128xi32, #tpu.memory_space<vmem>> -> memref<128xi32, #tpu.memory_space<vmem>>
      %dma_start3A_162 = arith.constant 0 : i32
      %dma_start3A_163 = tpu.memref_slice %arg16[%dma_start3A_162] : memref<5888xf32, #tpu.memory_space<vmem_shared>> -> memref<5888xf32, #tpu.memory_space<vmem_shared>>
      tpu.enqueue_indirect_dma source(%dma_start3A_158 : memref<128xf32, #tpu.memory_space<vmem>>) target(%dma_start3A_163 : memref<5888xf32, #tpu.memory_space<vmem_shared>>) offsets(%dma_start3A_161 : memref<128xi32, #tpu.memory_space<vmem>>) semaphore(%run_scoped3A_155 : memref<!tpu.dma_semaphore, #tpu.memory_space<semaphore_mem>>) {add = true}
      %dma_wait3A_164 = arith.constant 0 : i32
      %dma_wait3A_165 = tpu.memref_slice %arg9[%run_scoped3A_33, %dma_wait3A_164] : memref<2x128xf32, #tpu.memory_space<vmem>> -> memref<1x128xf32, #tpu.memory_space<vmem>>
      %dma_wait3A_166 = tpu.memref_squeeze %dma_wait3A_165 : memref<1x128xf32, #tpu.memory_space<vmem>> -> memref<128xf32, #tpu.memory_space<vmem>>
      %dma_wait3A_167 = arith.constant 0 : i32
      %dma_wait3A_168 = tpu.memref_slice %arg7[%run_scoped3A_34, %dma_wait3A_167] : memref<2x128xi32, #tpu.memory_space<vmem>> -> memref<1x128xi32, #tpu.memory_space<vmem>>
      %dma_wait3A_169 = tpu.memref_squeeze %dma_wait3A_168 : memref<1x128xi32, #tpu.memory_space<vmem>> -> memref<128xi32, #tpu.memory_space<vmem>>
      %dma_wait3A_170 = arith.constant 0 : i32
      %dma_wait3A_171 = tpu.memref_slice %arg16[%dma_wait3A_170] : memref<5888xf32, #tpu.memory_space<vmem_shared>> -> memref<5888xf32, #tpu.memory_space<vmem_shared>>
      tpu.wait_indirect_dma semaphore(%run_scoped3A_155 : memref<!tpu.dma_semaphore, #tpu.memory_space<semaphore_mem>>) src(%dma_wait3A_166 : memref<128xf32, #tpu.memory_space<vmem>>) dst(%dma_wait3A_171 : memref<5888xf32, #tpu.memory_space<vmem_shared>>)
      tpu.yield
    }) : () -> ()
    %barrier3A_35 = arith.constant 0 : index
    tpu.barrier barrier_id(%barrier3A_35)
    %eq3A = arith.constant 0 : i32
    "tpu.trace_stop"() : () -> ()
    %eq3A_36 = arith.cmpi eq, %arg0, %eq3A : i32
    %convert_element_type3A = arith.extui %eq3A_36 : i1 to i32
    %cond3A = arith.constant 0 : i32
    %cond3A_37 = arith.cmpi ne, %convert_element_type3A, %cond3A : i32
    scf.if %cond3A_37 {
      "tpu.region"() ({
        %run_scoped3A_155 = tpu.sem_alloc : memref<!tpu.dma_semaphore, #tpu.memory_space<semaphore_mem>>
        %dma_start3A_156 = arith.constant 0 : i32
        %dma_start3A_157 = tpu.memref_slice %arg11[%dma_start3A_156] : memref<368xf32, #tpu.memory_space<vmem>> -> memref<368xf32, #tpu.memory_space<vmem>>
        %dma_start3A_158 = tpu.memref_slice %arg16[%mul3A_19] : memref<5888xf32, #tpu.memory_space<vmem_shared>> -> memref<368xf32, #tpu.memory_space<vmem_shared>>
        %dma_start3A_159 = arith.constant 0 : i32
        %dma_start3A_160 = tpu.memref_slice %arg11[%dma_start3A_159] : memref<368xf32, #tpu.memory_space<vmem>> -> memref<368xf32, #tpu.memory_space<vmem>>
        %dma_start3A_161 = tpu.memref_slice %arg16[%mul3A_19] : memref<5888xf32, #tpu.memory_space<vmem_shared>> -> memref<368xf32, #tpu.memory_space<vmem_shared>>
        tpu.enqueue_dma source(%dma_start3A_161 : memref<368xf32, #tpu.memory_space<vmem_shared>>) target(%dma_start3A_160 : memref<368xf32, #tpu.memory_space<vmem>>) target_semaphore(%run_scoped3A_155 : memref<!tpu.dma_semaphore, #tpu.memory_space<semaphore_mem>>)
        %dma_wait3A_162 = arith.constant 0 : i32
        %dma_wait3A_163 = tpu.memref_slice %arg11[%dma_wait3A_162] : memref<368xf32, #tpu.memory_space<vmem>> -> memref<368xf32, #tpu.memory_space<vmem>>
        %dma_wait3A_164 = tpu.memref_slice %arg16[%mul3A_19] : memref<5888xf32, #tpu.memory_space<vmem_shared>> -> memref<368xf32, #tpu.memory_space<vmem_shared>>
        %dma_wait3A_165 = arith.constant 0 : i32
        %dma_wait3A_166 = tpu.memref_slice %arg11[%dma_wait3A_165] : memref<368xf32, #tpu.memory_space<vmem>> -> memref<368xf32, #tpu.memory_space<vmem>>
        %dma_wait3A_167 = tpu.memref_slice %arg16[%mul3A_19] : memref<5888xf32, #tpu.memory_space<vmem_shared>> -> memref<368xf32, #tpu.memory_space<vmem_shared>>
        tpu.wait_dma2 semaphore(%run_scoped3A_155 : memref<!tpu.dma_semaphore, #tpu.memory_space<semaphore_mem>>) src(%dma_wait3A_167 : memref<368xf32, #tpu.memory_space<vmem_shared>>) dst(%dma_wait3A_166 : memref<368xf32, #tpu.memory_space<vmem>>)
        tpu.yield
      }) : () -> ()
      "tpu.region"() ({
        %run_scoped3A_155 = tpu.sem_alloc : memref<!tpu.dma_semaphore, #tpu.memory_space<semaphore_mem>>
        %dma_start3A_156 = arith.constant 0 : i32
        %dma_start3A_157 = tpu.memref_slice %arg11[%dma_start3A_156] : memref<368xf32, #tpu.memory_space<vmem>> -> memref<368xf32, #tpu.memory_space<vmem>>
        %dma_start3A_158 = tpu.memref_slice %arg6[%mul3A_19] : memref<5888xf32, #tpu.memory_space<hbm>> -> memref<368xf32, #tpu.memory_space<hbm>>
        %dma_start3A_159 = tpu.memref_slice %arg6[%mul3A_19] : memref<5888xf32, #tpu.memory_space<hbm>> -> memref<368xf32, #tpu.memory_space<hbm>>
        %dma_start3A_160 = arith.constant 0 : i32
        %dma_start3A_161 = tpu.memref_slice %arg11[%dma_start3A_160] : memref<368xf32, #tpu.memory_space<vmem>> -> memref<368xf32, #tpu.memory_space<vmem>>
        tpu.enqueue_dma source(%dma_start3A_161 : memref<368xf32, #tpu.memory_space<vmem>>) target(%dma_start3A_159 : memref<368xf32, #tpu.memory_space<hbm>>) target_semaphore(%run_scoped3A_155 : memref<!tpu.dma_semaphore, #tpu.memory_space<semaphore_mem>>)
        %dma_wait3A_162 = arith.constant 0 : i32
        %dma_wait3A_163 = tpu.memref_slice %arg11[%dma_wait3A_162] : memref<368xf32, #tpu.memory_space<vmem>> -> memref<368xf32, #tpu.memory_space<vmem>>
        %dma_wait3A_164 = tpu.memref_slice %arg6[%mul3A_19] : memref<5888xf32, #tpu.memory_space<hbm>> -> memref<368xf32, #tpu.memory_space<hbm>>
        %dma_wait3A_165 = tpu.memref_slice %arg6[%mul3A_19] : memref<5888xf32, #tpu.memory_space<hbm>> -> memref<368xf32, #tpu.memory_space<hbm>>
        %dma_wait3A_166 = arith.constant 0 : i32
        %dma_wait3A_167 = tpu.memref_slice %arg11[%dma_wait3A_166] : memref<368xf32, #tpu.memory_space<vmem>> -> memref<368xf32, #tpu.memory_space<vmem>>
        tpu.wait_dma2 semaphore(%run_scoped3A_155 : memref<!tpu.dma_semaphore, #tpu.memory_space<semaphore_mem>>) src(%dma_wait3A_167 : memref<368xf32, #tpu.memory_space<vmem>>) dst(%dma_wait3A_165 : memref<368xf32, #tpu.memory_space<hbm>>)
        tpu.yield
      }) : () -> ()
    } else {
    }
    "tpu.trace_start"() <{level = 10 : i32, message = "disp_gather"}> : () -> ()
    %mul3A_38 = arith.constant 16 : i32
    %mul3A_39 = arith.muli %arg0, %mul3A_38 : i32
    %add3A_40 = arith.addi %mul3A_39, %arg1 : i32
    %mul3A_41 = arith.constant 184 : i32
    %mul3A_42 = arith.muli %add3A_40, %mul3A_41 : i32
    "tpu.region"() ({
      %run_scoped3A_155 = tpu.sem_alloc : memref<!tpu.dma_semaphore, #tpu.memory_space<semaphore_mem>>
      %dma_start3A_156 = tpu.memref_slice %arg15[%mul3A_42] : memref<5888xi32, #tpu.memory_space<vmem_shared>> -> memref<184xi32, #tpu.memory_space<vmem_shared>>
      %dma_start3A_157 = tpu.memref_slice %arg15[%mul3A_42] : memref<5888xi32, #tpu.memory_space<vmem_shared>> -> memref<184xi32, #tpu.memory_space<vmem_shared>>
      tpu.enqueue_dma source(%dma_start3A_157 : memref<184xi32, #tpu.memory_space<vmem_shared>>) target(%arg12 : memref<184xi32, #tpu.memory_space<vmem>>) target_semaphore(%run_scoped3A_155 : memref<!tpu.dma_semaphore, #tpu.memory_space<semaphore_mem>>)
      %dma_wait3A_158 = tpu.memref_slice %arg15[%mul3A_42] : memref<5888xi32, #tpu.memory_space<vmem_shared>> -> memref<184xi32, #tpu.memory_space<vmem_shared>>
      %dma_wait3A_159 = tpu.memref_slice %arg15[%mul3A_42] : memref<5888xi32, #tpu.memory_space<vmem_shared>> -> memref<184xi32, #tpu.memory_space<vmem_shared>>
      tpu.wait_dma2 semaphore(%run_scoped3A_155 : memref<!tpu.dma_semaphore, #tpu.memory_space<semaphore_mem>>) src(%dma_wait3A_159 : memref<184xi32, #tpu.memory_space<vmem_shared>>) dst(%arg12 : memref<184xi32, #tpu.memory_space<vmem>>)
      tpu.yield
    }) : () -> ()
    %dma_start3A = arith.constant 0 : i32
    %dma_start3A_43 = arith.constant 0 : i32
    %dma_start3A_44 = tpu.memref_slice %arg13[%dma_start3A, %dma_start3A_43] : memref<64x768xf32, #tpu.memory_space<vmem>> -> memref<64x768xf32, #tpu.memory_space<vmem>>
    %dma_start3A_45 = arith.constant 0 : i32
    %dma_start3A_46 = tpu.memref_slice %arg12[%dma_start3A_45] : memref<184xi32, #tpu.memory_space<vmem>> -> memref<64xi32, #tpu.memory_space<vmem>>
    %dma_start3A_47 = arith.constant 0 : i32
    %dma_start3A_48 = arith.constant 0 : i32
    %dma_start3A_49 = tpu.memref_slice %arg4[%dma_start3A_47, %dma_start3A_48] : memref<2048x768xf32, #tpu.memory_space<hbm>> -> memref<2048x768xf32, #tpu.memory_space<hbm>>
    tpu.enqueue_indirect_dma source(%dma_start3A_49 : memref<2048x768xf32, #tpu.memory_space<hbm>>) target(%dma_start3A_44 : memref<64x768xf32, #tpu.memory_space<vmem>>) offsets(%dma_start3A_46 : memref<64xi32, #tpu.memory_space<vmem>>) semaphore(%arg17 : memref<!tpu.dma_semaphore, #tpu.memory_space<semaphore_mem>>)
    %dma_start3A_50 = arith.constant 0 : i32
    %dma_start3A_51 = arith.constant 0 : i32
    %dma_start3A_52 = tpu.memref_slice %arg14[%dma_start3A_50, %dma_start3A_51] : memref<64x768xf32, #tpu.memory_space<vmem>> -> memref<64x768xf32, #tpu.memory_space<vmem>>
    %dma_start3A_53 = arith.constant 64 : i32
    %dma_start3A_54 = tpu.memref_slice %arg12[%dma_start3A_53] : memref<184xi32, #tpu.memory_space<vmem>> -> memref<64xi32, #tpu.memory_space<vmem>>
    %dma_start3A_55 = arith.constant 0 : i32
    %dma_start3A_56 = arith.constant 0 : i32
    %dma_start3A_57 = tpu.memref_slice %arg4[%dma_start3A_55, %dma_start3A_56] : memref<2048x768xf32, #tpu.memory_space<hbm>> -> memref<2048x768xf32, #tpu.memory_space<hbm>>
    tpu.enqueue_indirect_dma source(%dma_start3A_57 : memref<2048x768xf32, #tpu.memory_space<hbm>>) target(%dma_start3A_52 : memref<64x768xf32, #tpu.memory_space<vmem>>) offsets(%dma_start3A_54 : memref<64xi32, #tpu.memory_space<vmem>>) semaphore(%arg18 : memref<!tpu.dma_semaphore, #tpu.memory_space<semaphore_mem>>)
    %dma_wait3A = arith.constant 0 : i32
    %dma_wait3A_58 = arith.constant 0 : i32
    %dma_wait3A_59 = tpu.memref_slice %arg13[%dma_wait3A, %dma_wait3A_58] : memref<64x768xf32, #tpu.memory_space<vmem>> -> memref<64x768xf32, #tpu.memory_space<vmem>>
    %dma_wait3A_60 = arith.constant 0 : i32
    %dma_wait3A_61 = tpu.memref_slice %arg12[%dma_wait3A_60] : memref<184xi32, #tpu.memory_space<vmem>> -> memref<64xi32, #tpu.memory_space<vmem>>
    %dma_wait3A_62 = arith.constant 0 : i32
    %dma_wait3A_63 = arith.constant 0 : i32
    %dma_wait3A_64 = tpu.memref_slice %arg4[%dma_wait3A_62, %dma_wait3A_63] : memref<2048x768xf32, #tpu.memory_space<hbm>> -> memref<2048x768xf32, #tpu.memory_space<hbm>>
    tpu.wait_indirect_dma semaphore(%arg17 : memref<!tpu.dma_semaphore, #tpu.memory_space<semaphore_mem>>) src(%dma_wait3A_64 : memref<2048x768xf32, #tpu.memory_space<hbm>>) dst(%dma_wait3A_59 : memref<64x768xf32, #tpu.memory_space<vmem>>)
    %add3A_65 = arith.constant 0 : i32
    %add3A_66 = arith.addi %mul3A_42, %add3A_65 : i32
    %dma_start3A_67 = arith.constant 0 : i32
    %dma_start3A_68 = arith.constant 0 : i32
    %dma_start3A_69 = tpu.memref_slice %arg13[%dma_start3A_67, %dma_start3A_68] : memref<64x768xf32, #tpu.memory_space<vmem>> -> memref<64x768xf32, #tpu.memory_space<vmem>>
    %dma_start3A_70 = arith.constant 0 : i32
    %dma_start3A_71 = tpu.memref_slice %arg5[%add3A_66, %dma_start3A_70] : memref<5888x768xf32, #tpu.memory_space<hbm>> -> memref<64x768xf32, #tpu.memory_space<hbm>>
    %dma_start3A_72 = arith.constant 0 : i32
    %dma_start3A_73 = tpu.memref_slice %arg5[%add3A_66, %dma_start3A_72] : memref<5888x768xf32, #tpu.memory_space<hbm>> -> memref<64x768xf32, #tpu.memory_space<hbm>>
    %dma_start3A_74 = arith.constant 0 : i32
    %dma_start3A_75 = arith.constant 0 : i32
    %dma_start3A_76 = tpu.memref_slice %arg13[%dma_start3A_74, %dma_start3A_75] : memref<64x768xf32, #tpu.memory_space<vmem>> -> memref<64x768xf32, #tpu.memory_space<vmem>>
    tpu.enqueue_dma source(%dma_start3A_76 : memref<64x768xf32, #tpu.memory_space<vmem>>) target(%dma_start3A_73 : memref<64x768xf32, #tpu.memory_space<hbm>>) target_semaphore(%arg19 : memref<!tpu.dma_semaphore, #tpu.memory_space<semaphore_mem>>)
    %dma_wait3A_77 = arith.constant 0 : i32
    %dma_wait3A_78 = arith.constant 0 : i32
    %dma_wait3A_79 = tpu.memref_slice %arg13[%dma_wait3A_77, %dma_wait3A_78] : memref<64x768xf32, #tpu.memory_space<vmem>> -> memref<64x768xf32, #tpu.memory_space<vmem>>
    %dma_wait3A_80 = arith.constant 0 : i32
    %dma_wait3A_81 = tpu.memref_slice %arg5[%add3A_66, %dma_wait3A_80] : memref<5888x768xf32, #tpu.memory_space<hbm>> -> memref<64x768xf32, #tpu.memory_space<hbm>>
    %dma_wait3A_82 = arith.constant 0 : i32
    %dma_wait3A_83 = tpu.memref_slice %arg5[%add3A_66, %dma_wait3A_82] : memref<5888x768xf32, #tpu.memory_space<hbm>> -> memref<64x768xf32, #tpu.memory_space<hbm>>
    %dma_wait3A_84 = arith.constant 0 : i32
    %dma_wait3A_85 = arith.constant 0 : i32
    %dma_wait3A_86 = tpu.memref_slice %arg13[%dma_wait3A_84, %dma_wait3A_85] : memref<64x768xf32, #tpu.memory_space<vmem>> -> memref<64x768xf32, #tpu.memory_space<vmem>>
    tpu.wait_dma2 semaphore(%arg19 : memref<!tpu.dma_semaphore, #tpu.memory_space<semaphore_mem>>) src(%dma_wait3A_86 : memref<64x768xf32, #tpu.memory_space<vmem>>) dst(%dma_wait3A_83 : memref<64x768xf32, #tpu.memory_space<hbm>>)
    %dma_start3A_87 = arith.constant 0 : i32
    %dma_start3A_88 = arith.constant 0 : i32
    %dma_start3A_89 = tpu.memref_slice %arg13[%dma_start3A_87, %dma_start3A_88] : memref<64x768xf32, #tpu.memory_space<vmem>> -> memref<56x768xf32, #tpu.memory_space<vmem>>
    %dma_start3A_90 = arith.constant 128 : i32
    %dma_start3A_91 = tpu.memref_slice %arg12[%dma_start3A_90] : memref<184xi32, #tpu.memory_space<vmem>> -> memref<56xi32, #tpu.memory_space<vmem>>
    %dma_start3A_92 = arith.constant 0 : i32
    %dma_start3A_93 = arith.constant 0 : i32
    %dma_start3A_94 = tpu.memref_slice %arg4[%dma_start3A_92, %dma_start3A_93] : memref<2048x768xf32, #tpu.memory_space<hbm>> -> memref<2048x768xf32, #tpu.memory_space<hbm>>
    tpu.enqueue_indirect_dma source(%dma_start3A_94 : memref<2048x768xf32, #tpu.memory_space<hbm>>) target(%dma_start3A_89 : memref<56x768xf32, #tpu.memory_space<vmem>>) offsets(%dma_start3A_91 : memref<56xi32, #tpu.memory_space<vmem>>) semaphore(%arg17 : memref<!tpu.dma_semaphore, #tpu.memory_space<semaphore_mem>>)
    %dma_wait3A_95 = arith.constant 0 : i32
    %dma_wait3A_96 = arith.constant 0 : i32
    %dma_wait3A_97 = tpu.memref_slice %arg14[%dma_wait3A_95, %dma_wait3A_96] : memref<64x768xf32, #tpu.memory_space<vmem>> -> memref<64x768xf32, #tpu.memory_space<vmem>>
    %dma_wait3A_98 = arith.constant 64 : i32
    %dma_wait3A_99 = tpu.memref_slice %arg12[%dma_wait3A_98] : memref<184xi32, #tpu.memory_space<vmem>> -> memref<64xi32, #tpu.memory_space<vmem>>
    %dma_wait3A_100 = arith.constant 0 : i32
    %dma_wait3A_101 = arith.constant 0 : i32
    %dma_wait3A_102 = tpu.memref_slice %arg4[%dma_wait3A_100, %dma_wait3A_101] : memref<2048x768xf32, #tpu.memory_space<hbm>> -> memref<2048x768xf32, #tpu.memory_space<hbm>>
    tpu.wait_indirect_dma semaphore(%arg18 : memref<!tpu.dma_semaphore, #tpu.memory_space<semaphore_mem>>) src(%dma_wait3A_102 : memref<2048x768xf32, #tpu.memory_space<hbm>>) dst(%dma_wait3A_97 : memref<64x768xf32, #tpu.memory_space<vmem>>)
    %add3A_103 = arith.constant 64 : i32
    %add3A_104 = arith.addi %mul3A_42, %add3A_103 : i32
    %dma_start3A_105 = arith.constant 0 : i32
    %dma_start3A_106 = arith.constant 0 : i32
    %dma_start3A_107 = tpu.memref_slice %arg14[%dma_start3A_105, %dma_start3A_106] : memref<64x768xf32, #tpu.memory_space<vmem>> -> memref<64x768xf32, #tpu.memory_space<vmem>>
    %dma_start3A_108 = arith.constant 0 : i32
    %dma_start3A_109 = tpu.memref_slice %arg5[%add3A_104, %dma_start3A_108] : memref<5888x768xf32, #tpu.memory_space<hbm>> -> memref<64x768xf32, #tpu.memory_space<hbm>>
    %dma_start3A_110 = arith.constant 0 : i32
    %dma_start3A_111 = tpu.memref_slice %arg5[%add3A_104, %dma_start3A_110] : memref<5888x768xf32, #tpu.memory_space<hbm>> -> memref<64x768xf32, #tpu.memory_space<hbm>>
    %dma_start3A_112 = arith.constant 0 : i32
    %dma_start3A_113 = arith.constant 0 : i32
    %dma_start3A_114 = tpu.memref_slice %arg14[%dma_start3A_112, %dma_start3A_113] : memref<64x768xf32, #tpu.memory_space<vmem>> -> memref<64x768xf32, #tpu.memory_space<vmem>>
    tpu.enqueue_dma source(%dma_start3A_114 : memref<64x768xf32, #tpu.memory_space<vmem>>) target(%dma_start3A_111 : memref<64x768xf32, #tpu.memory_space<hbm>>) target_semaphore(%arg20 : memref<!tpu.dma_semaphore, #tpu.memory_space<semaphore_mem>>)
    %dma_wait3A_115 = arith.constant 0 : i32
    %dma_wait3A_116 = arith.constant 0 : i32
    %dma_wait3A_117 = tpu.memref_slice %arg13[%dma_wait3A_115, %dma_wait3A_116] : memref<64x768xf32, #tpu.memory_space<vmem>> -> memref<56x768xf32, #tpu.memory_space<vmem>>
    %dma_wait3A_118 = arith.constant 128 : i32
    %dma_wait3A_119 = tpu.memref_slice %arg12[%dma_wait3A_118] : memref<184xi32, #tpu.memory_space<vmem>> -> memref<56xi32, #tpu.memory_space<vmem>>
    %dma_wait3A_120 = arith.constant 0 : i32
    %dma_wait3A_121 = arith.constant 0 : i32
    %dma_wait3A_122 = tpu.memref_slice %arg4[%dma_wait3A_120, %dma_wait3A_121] : memref<2048x768xf32, #tpu.memory_space<hbm>> -> memref<2048x768xf32, #tpu.memory_space<hbm>>
    tpu.wait_indirect_dma semaphore(%arg17 : memref<!tpu.dma_semaphore, #tpu.memory_space<semaphore_mem>>) src(%dma_wait3A_122 : memref<2048x768xf32, #tpu.memory_space<hbm>>) dst(%dma_wait3A_117 : memref<56x768xf32, #tpu.memory_space<vmem>>)
    %add3A_123 = arith.constant 128 : i32
    %add3A_124 = arith.addi %mul3A_42, %add3A_123 : i32
    %dma_start3A_125 = arith.constant 0 : i32
    %dma_start3A_126 = arith.constant 0 : i32
    %dma_start3A_127 = tpu.memref_slice %arg13[%dma_start3A_125, %dma_start3A_126] : memref<64x768xf32, #tpu.memory_space<vmem>> -> memref<56x768xf32, #tpu.memory_space<vmem>>
    %dma_start3A_128 = arith.constant 0 : i32
    %dma_start3A_129 = tpu.memref_slice %arg5[%add3A_124, %dma_start3A_128] : memref<5888x768xf32, #tpu.memory_space<hbm>> -> memref<56x768xf32, #tpu.memory_space<hbm>>
    %dma_start3A_130 = arith.constant 0 : i32
    %dma_start3A_131 = tpu.memref_slice %arg5[%add3A_124, %dma_start3A_130] : memref<5888x768xf32, #tpu.memory_space<hbm>> -> memref<56x768xf32, #tpu.memory_space<hbm>>
    %dma_start3A_132 = arith.constant 0 : i32
    %dma_start3A_133 = arith.constant 0 : i32
    %dma_start3A_134 = tpu.memref_slice %arg13[%dma_start3A_132, %dma_start3A_133] : memref<64x768xf32, #tpu.memory_space<vmem>> -> memref<56x768xf32, #tpu.memory_space<vmem>>
    tpu.enqueue_dma source(%dma_start3A_134 : memref<56x768xf32, #tpu.memory_space<vmem>>) target(%dma_start3A_131 : memref<56x768xf32, #tpu.memory_space<hbm>>) target_semaphore(%arg19 : memref<!tpu.dma_semaphore, #tpu.memory_space<semaphore_mem>>)
    %dma_wait3A_135 = arith.constant 0 : i32
    %dma_wait3A_136 = arith.constant 0 : i32
    %dma_wait3A_137 = tpu.memref_slice %arg14[%dma_wait3A_135, %dma_wait3A_136] : memref<64x768xf32, #tpu.memory_space<vmem>> -> memref<64x768xf32, #tpu.memory_space<vmem>>
    %dma_wait3A_138 = arith.constant 0 : i32
    %dma_wait3A_139 = tpu.memref_slice %arg5[%add3A_104, %dma_wait3A_138] : memref<5888x768xf32, #tpu.memory_space<hbm>> -> memref<64x768xf32, #tpu.memory_space<hbm>>
    %dma_wait3A_140 = arith.constant 0 : i32
    %dma_wait3A_141 = tpu.memref_slice %arg5[%add3A_104, %dma_wait3A_140] : memref<5888x768xf32, #tpu.memory_space<hbm>> -> memref<64x768xf32, #tpu.memory_space<hbm>>
    %dma_wait3A_142 = arith.constant 0 : i32
    %dma_wait3A_143 = arith.constant 0 : i32
    %dma_wait3A_144 = tpu.memref_slice %arg14[%dma_wait3A_142, %dma_wait3A_143] : memref<64x768xf32, #tpu.memory_space<vmem>> -> memref<64x768xf32, #tpu.memory_space<vmem>>
    tpu.wait_dma2 semaphore(%arg20 : memref<!tpu.dma_semaphore, #tpu.memory_space<semaphore_mem>>) src(%dma_wait3A_144 : memref<64x768xf32, #tpu.memory_space<vmem>>) dst(%dma_wait3A_141 : memref<64x768xf32, #tpu.memory_space<hbm>>)
    %dma_wait3A_145 = arith.constant 0 : i32
    %dma_wait3A_146 = arith.constant 0 : i32
    %dma_wait3A_147 = tpu.memref_slice %arg13[%dma_wait3A_145, %dma_wait3A_146] : memref<64x768xf32, #tpu.memory_space<vmem>> -> memref<56x768xf32, #tpu.memory_space<vmem>>
    %dma_wait3A_148 = arith.constant 0 : i32
    %dma_wait3A_149 = tpu.memref_slice %arg5[%add3A_124, %dma_wait3A_148] : memref<5888x768xf32, #tpu.memory_space<hbm>> -> memref<56x768xf32, #tpu.memory_space<hbm>>
    %dma_wait3A_150 = arith.constant 0 : i32
    %dma_wait3A_151 = tpu.memref_slice %arg5[%add3A_124, %dma_wait3A_150] : memref<5888x768xf32, #tpu.memory_space<hbm>> -> memref<56x768xf32, #tpu.memory_space<hbm>>
    %dma_wait3A_152 = arith.constant 0 : i32
    %dma_wait3A_153 = arith.constant 0 : i32
    %dma_wait3A_154 = tpu.memref_slice %arg13[%dma_wait3A_152, %dma_wait3A_153] : memref<64x768xf32, #tpu.memory_space<vmem>> -> memref<56x768xf32, #tpu.memory_space<vmem>>
    tpu.wait_dma2 semaphore(%arg19 : memref<!tpu.dma_semaphore, #tpu.memory_space<semaphore_mem>>) src(%dma_wait3A_154 : memref<56x768xf32, #tpu.memory_space<vmem>>) dst(%dma_wait3A_151 : memref<56x768xf32, #tpu.memory_space<hbm>>)
    "tpu.trace_stop"() : () -> ()
    return
  }
}

module attributes {stable_mosaic.version = 14 : i64} {
  func.func @_router_kernel(%arg0: memref<1x2048x768xf32, #tpu.memory_space<vmem>>, %arg1: memref<768x8xf32, #tpu.memory_space<vmem>>, %arg2: memref<1x8xf32, #tpu.memory_space<vmem>>, %arg3: memref<2048x8xf32, #tpu.memory_space<vmem>>, %arg4: memref<4096x1xi32, #tpu.memory_space<vmem>>, %arg5: memref<4096x1xf32, #tpu.memory_space<vmem>>, %arg6: memref<24x1xi32, #tpu.memory_space<vmem>>, %arg7: memref<4096x8xf32, #tpu.memory_space<vmem>>) attributes {dimension_semantics = [], scalar_prefetch = 0 : i64, scratch_operands = 1 : i64, tpu.core_type = #tpu.core_type<tc>} {
    %get3A = arith.constant 0 : index
    %get3A_0 = arith.constant 0 : index
    %get3A_1 = arith.constant 0 : index
    %get3A_2 = vector.load %arg0[%get3A, %get3A_0, %get3A_1] : memref<1x2048x768xf32, #tpu.memory_space<vmem>>, vector<1x2048x768xf32>
    %get3A_3 = vector.shape_cast %get3A_2 : vector<1x2048x768xf32> to vector<2048x768xf32>
    %get3A_4 = arith.constant 0 : index
    %get3A_5 = arith.constant 0 : index
    %get3A_6 = vector.load %arg1[%get3A_4, %get3A_5] : memref<768x8xf32, #tpu.memory_space<vmem>>, vector<768x8xf32>
    %dot_general3A = arith.constant dense<0.000000e+00> : vector<2048x8xf32>
    %dot_general3A_7 = tpu.matmul %get3A_3, %get3A_6, %dot_general3A {dimension_numbers = #tpu.dot_dimension_numbers<[1], [0], [0], [1], [0, 0, 1, 1], [], []>, transpose_lhs_hint = false} : vector<2048x768xf32>, vector<768x8xf32>, vector<2048x8xf32> -> vector<2048x8xf32>
    %get3A_8 = arith.constant 0 : index
    %get3A_9 = arith.constant 0 : index
    %get3A_10 = vector.load %arg2[%get3A_8, %get3A_9] : memref<1x8xf32, #tpu.memory_space<vmem>>, vector<1x8xf32>
    %add3A = vector.broadcast %get3A_10 : vector<1x8xf32> to vector<2048x8xf32>
    %add3A_11 = arith.addf %dot_general3A_7, %add3A : vector<2048x8xf32>
    %reduce_max3A = arith.constant dense<0xFF800000> : vector<2048xf32>
    %reduce_max3A_12 = vector.multi_reduction <maximumf>, %add3A_11, %reduce_max3A [1] : vector<2048x8xf32> to vector<2048xf32>
    %broadcast_in_dim3A = vector.shape_cast %reduce_max3A_12 : vector<2048xf32> to vector<2048x1xf32>
    %sub3A = vector.broadcast %broadcast_in_dim3A : vector<2048x1xf32> to vector<2048x8xf32>
    %sub3A_13 = arith.subf %add3A_11, %sub3A : vector<2048x8xf32>
    %exp3A = math.exp %sub3A_13 : vector<2048x8xf32>
    %reduce_sum3A = arith.constant dense<0.000000e+00> : vector<2048xf32>
    %reduce_sum3A_14 = vector.multi_reduction <add>, %exp3A, %reduce_sum3A [1] : vector<2048x8xf32> to vector<2048xf32>
    %broadcast_in_dim3A_15 = vector.shape_cast %reduce_sum3A_14 : vector<2048xf32> to vector<2048x1xf32>
    %div3A = vector.broadcast %broadcast_in_dim3A_15 : vector<2048x1xf32> to vector<2048x8xf32>
    %div3A_16 = arith.divf %exp3A, %div3A : vector<2048x8xf32>
    %swap3A = arith.constant 0 : index
    %swap3A_17 = arith.constant 0 : index
    %swap3A_18 = vector.load %arg3[%swap3A, %swap3A_17] : memref<2048x8xf32, #tpu.memory_space<vmem>>, vector<2048x8xf32>
    tpu.vector_store %arg3[%swap3A, %swap3A_17], %div3A_16 {strides = array<i32>} : memref<2048x8xf32, #tpu.memory_space<vmem>>, vector<2048x8xf32>,
    %iota3A = tpu.iota {dimensions = array<i32: 1>} : vector<2048x8xi32>
    %reduce_max3A_19 = arith.constant dense<0xFF800000> : vector<2048xf32>
    %reduce_max3A_20 = vector.multi_reduction <maximumf>, %div3A_16, %reduce_max3A_19 [1] : vector<2048x8xf32> to vector<2048xf32>
    %broadcast_in_dim3A_21 = vector.shape_cast %reduce_max3A_20 : vector<2048xf32> to vector<2048x1xf32>
    %eq3A = vector.broadcast %broadcast_in_dim3A_21 : vector<2048x1xf32> to vector<2048x8xf32>
    %eq3A_22 = arith.cmpf oeq, %div3A_16, %eq3A : vector<2048x8xf32>
    %jit3A = arith.constant 8 : i32
    %broadcast_in_dim3A_23 = vector.broadcast %jit3A : i32 to vector<2048x8xi32>
    %select_n3A = arith.select %eq3A_22, %iota3A, %broadcast_in_dim3A_23 : vector<2048x8xi1>, vector<2048x8xi32>
    %reduce_min3A = arith.constant dense<2147483647> : vector<2048xi32>
    %reduce_min3A_24 = vector.multi_reduction <minsi>, %select_n3A, %reduce_min3A [1] : vector<2048x8xi32> to vector<2048xi32>
    %broadcast_in_dim3A_25 = vector.shape_cast %reduce_min3A_24 : vector<2048xi32> to vector<2048x1xi32>
    %eq3A_26 = vector.broadcast %broadcast_in_dim3A_25 : vector<2048x1xi32> to vector<2048x8xi32>
    %eq3A_27 = arith.cmpi eq, %iota3A, %eq3A_26 : vector<2048x8xi32>
    %jit3A_28 = arith.constant 0xFF800000 : f32
    %broadcast_in_dim3A_29 = vector.broadcast %jit3A_28 : f32 to vector<2048x8xf32>
    %select_n3A_30 = arith.select %eq3A_27, %broadcast_in_dim3A_29, %div3A_16 : vector<2048x8xi1>, vector<2048x8xf32>
    %reduce_max3A_31 = arith.constant dense<0xFF800000> : vector<2048xf32>
    %reduce_max3A_32 = vector.multi_reduction <maximumf>, %select_n3A_30, %reduce_max3A_31 [1] : vector<2048x8xf32> to vector<2048xf32>
    %broadcast_in_dim3A_33 = vector.shape_cast %reduce_max3A_32 : vector<2048xf32> to vector<2048x1xf32>
    %eq3A_34 = vector.broadcast %broadcast_in_dim3A_33 : vector<2048x1xf32> to vector<2048x8xf32>
    %eq3A_35 = arith.cmpf oeq, %select_n3A_30, %eq3A_34 : vector<2048x8xf32>
    %jit3A_36 = arith.constant 8 : i32
    %broadcast_in_dim3A_37 = vector.broadcast %jit3A_36 : i32 to vector<2048x8xi32>
    %select_n3A_38 = arith.select %eq3A_35, %iota3A, %broadcast_in_dim3A_37 : vector<2048x8xi1>, vector<2048x8xi32>
    %reduce_min3A_39 = arith.constant dense<2147483647> : vector<2048xi32>
    %reduce_min3A_40 = vector.multi_reduction <minsi>, %select_n3A_38, %reduce_min3A_39 [1] : vector<2048x8xi32> to vector<2048xi32>
    %broadcast_in_dim3A_41 = vector.shape_cast %reduce_min3A_40 : vector<2048xi32> to vector<2048x1xi32>
    %sub3A_42 = arith.subf %broadcast_in_dim3A_33, %broadcast_in_dim3A_21 : vector<2048x1xf32>
    %exp3A_43 = math.exp %sub3A_42 : vector<2048x1xf32>
    %add3A_44 = arith.constant 1.000000e+00 : f32
    %add3A_45 = vector.broadcast %add3A_44 : f32 to vector<2048x1xf32>
    %add3A_46 = arith.addf %add3A_45, %exp3A_43 : vector<2048x1xf32>
    %div3A_47 = arith.constant 1.000000e+00 : f32
    %div3A_48 = vector.broadcast %div3A_47 : f32 to vector<2048x1xf32>
    %div3A_49 = arith.divf %div3A_48, %add3A_46 : vector<2048x1xf32>
    %add3A_50 = arith.constant 1.000000e+00 : f32
    %add3A_51 = vector.broadcast %add3A_50 : f32 to vector<2048x1xf32>
    %add3A_52 = arith.addf %add3A_51, %exp3A_43 : vector<2048x1xf32>
    %div3A_53 = arith.divf %exp3A_43, %add3A_52 : vector<2048x1xf32>
    %concatenate3A = tpu.concatenate %broadcast_in_dim3A_25, %broadcast_in_dim3A_41 in 0 : vector<2048x1xi32>, vector<2048x1xi32> -> vector<4096x1xi32>
    %concatenate3A_54 = tpu.concatenate %div3A_49, %div3A_53 in 0 : vector<2048x1xf32>, vector<2048x1xf32> -> vector<4096x1xf32>
    %swap3A_55 = arith.constant 0 : index
    %swap3A_56 = arith.constant 0 : index
    %swap3A_57 = vector.load %arg5[%swap3A_55, %swap3A_56] : memref<4096x1xf32, #tpu.memory_space<vmem>>, vector<4096x1xf32>
    tpu.vector_store %arg5[%swap3A_55, %swap3A_56], %concatenate3A_54 {strides = array<i32>} : memref<4096x1xf32, #tpu.memory_space<vmem>>, vector<4096x1xf32>,
    %iota3A_58 = tpu.iota {dimensions = array<i32: 1>} : vector<4096x8xi32>
    %eq3A_59 = vector.broadcast %concatenate3A : vector<4096x1xi32> to vector<4096x8xi32>
    %eq3A_60 = arith.cmpi eq, %eq3A_59, %iota3A_58 : vector<4096x8xi32>
    %convert_element_type3A = arith.extui %eq3A_60 : vector<4096x8xi1> to vector<4096x8xi32>
    %convert_element_type3A_61 = arith.sitofp %convert_element_type3A : vector<4096x8xi32> to vector<4096x8xf32>
    %swap3A_62 = arith.constant 0 : index
    %swap3A_63 = arith.constant 0 : index
    %swap3A_64 = vector.load %arg7[%swap3A_62, %swap3A_63] : memref<4096x8xf32, #tpu.memory_space<vmem>>, vector<4096x8xf32>
    tpu.vector_store %arg7[%swap3A_62, %swap3A_63], %convert_element_type3A_61 {strides = array<i32>} : memref<4096x8xf32, #tpu.memory_space<vmem>>, vector<4096x8xf32>,
    %reduce_sum3A_65 = arith.constant dense<0.000000e+00> : vector<8xf32>
    %reduce_sum3A_66 = vector.multi_reduction <add>, %convert_element_type3A_61, %reduce_sum3A_65 [0] : vector<4096x8xf32> to vector<8xf32>
    %broadcast_in_dim3A_67 = vector.shape_cast %reduce_sum3A_66 : vector<8xf32> to vector<1x8xf32>
    %div3A_68 = arith.constant 2.560000e+02 : f32
    %div3A_69 = vector.broadcast %div3A_68 : f32 to vector<1x8xf32>
    %div3A_70 = arith.divf %broadcast_in_dim3A_67, %div3A_69 : vector<1x8xf32>
    %ceil3A = math.ceil %div3A_70 : vector<1x8xf32>
    %mul3A = arith.constant 2.560000e+02 : f32
    %mul3A_71 = vector.broadcast %mul3A : f32 to vector<1x8xf32>
    %mul3A_72 = arith.mulf %ceil3A, %mul3A_71 : vector<1x8xf32>
    %iota3A_73 = tpu.iota {dimensions = array<i32: 0>} : vector<8x8xi32>
    %iota3A_74 = tpu.iota {dimensions = array<i32: 1>} : vector<8x8xi32>
    %lt3A = arith.cmpi slt, %iota3A_73, %iota3A_74 : vector<8x8xi32>
    %convert_element_type3A_75 = arith.extui %lt3A : vector<8x8xi1> to vector<8x8xi32>
    %convert_element_type3A_76 = arith.sitofp %convert_element_type3A_75 : vector<8x8xi32> to vector<8x8xf32>
    %dot_general3A_77 = arith.constant dense<0.000000e+00> : vector<1x8xf32>
    %dot_general3A_78 = tpu.matmul %mul3A_72, %convert_element_type3A_76, %dot_general3A_77 {dimension_numbers = #tpu.dot_dimension_numbers<[1], [0], [0], [1], [0, 0, 1, 1], [], []>, transpose_lhs_hint = false} : vector<1x8xf32>, vector<8x8xf32>, vector<1x8xf32> -> vector<1x8xf32>
    %iota3A_79 = tpu.iota {dimensions = array<i32: 0>} : vector<512x512xi32>
    %iota3A_80 = tpu.iota {dimensions = array<i32: 1>} : vector<512x512xi32>
    %gt3A = arith.cmpi sgt, %iota3A_79, %iota3A_80 : vector<512x512xi32>
    %convert_element_type3A_81 = arith.extui %gt3A : vector<512x512xi1> to vector<512x512xi32>
    %convert_element_type3A_82 = arith.sitofp %convert_element_type3A_81 : vector<512x512xi32> to vector<512x512xf32>
    %broadcast_in_dim3A_83 = arith.constant 0.000000e+00 : f32
    %broadcast_in_dim3A_84 = vector.broadcast %broadcast_in_dim3A_83 : f32 to vector<1x8xf32>
    %scan3A = arith.constant 0 : i32
    %scan3A_85 = arith.constant 8 : i32
    %scan3A_86 = arith.addi %scan3A, %scan3A_85 : i32
    %scan3A_87 = arith.constant 1 : i32
    %scan3A_88 = scf.for %scan3A_110 = %scan3A to %scan3A_86 step %scan3A_87 iter_args(%scan3A_111 = %broadcast_in_dim3A_84) -> (vector<1x8xf32>)  : i32 {
      %mul3A_112 = arith.constant 512 : i32
      %mul3A_113 = arith.muli %scan3A_110, %mul3A_112 : i32
      %get3A_114 = arith.index_cast %mul3A_113 : i32 to index
      %get3A_115 = arith.constant 0 : index
      %get3A_116 = vector.load %arg7[%get3A_114, %get3A_115] : memref<4096x8xf32, #tpu.memory_space<vmem>>, vector<512x8xf32>
      %dot_general3A_117 = arith.constant dense<0.000000e+00> : vector<512x8xf32>
      %dot_general3A_118 = tpu.matmul %convert_element_type3A_82, %get3A_116, %dot_general3A_117 {dimension_numbers = #tpu.dot_dimension_numbers<[1], [0], [0], [1], [0, 0, 1, 1], [], []>, transpose_lhs_hint = false} : vector<512x512xf32>, vector<512x8xf32>, vector<512x8xf32> -> vector<512x8xf32>
      %add3A_119 = vector.broadcast %scan3A_111 : vector<1x8xf32> to vector<512x8xf32>
      %add3A_120 = arith.addf %dot_general3A_118, %add3A_119 : vector<512x8xf32>
      %add3A_121 = vector.broadcast %dot_general3A_78 : vector<1x8xf32> to vector<512x8xf32>
      %add3A_122 = arith.addf %add3A_120, %add3A_121 : vector<512x8xf32>
      %mul3A_123 = arith.mulf %add3A_122, %get3A_116 : vector<512x8xf32>
      %reduce_sum3A_124 = arith.constant dense<0.000000e+00> : vector<512xf32>
      %reduce_sum3A_125 = vector.multi_reduction <add>, %mul3A_123, %reduce_sum3A_124 [1] : vector<512x8xf32> to vector<512xf32>
      %broadcast_in_dim3A_126 = vector.shape_cast %reduce_sum3A_125 : vector<512xf32> to vector<512x1xf32>
      %convert_element_type3A_127 = arith.fptosi %broadcast_in_dim3A_126 : vector<512x1xf32> to vector<512x1xi32>
      %mul3A_128 = arith.constant 512 : i32
      %mul3A_129 = arith.muli %scan3A_110, %mul3A_128 : i32
      %swap3A_130 = arith.index_cast %mul3A_129 : i32 to index
      %swap3A_131 = arith.constant 0 : index
      %swap3A_132 = vector.load %arg4[%swap3A_130, %swap3A_131] : memref<4096x1xi32, #tpu.memory_space<vmem>>, vector<512x1xi32>
      tpu.vector_store %arg4[%swap3A_130, %swap3A_131], %convert_element_type3A_127 {strides = array<i32>} : memref<4096x1xi32, #tpu.memory_space<vmem>>, vector<512x1xi32>,
      %reduce_sum3A_133 = arith.constant dense<0.000000e+00> : vector<8xf32>
      %reduce_sum3A_134 = vector.multi_reduction <add>, %get3A_116, %reduce_sum3A_133 [0] : vector<512x8xf32> to vector<8xf32>
      %broadcast_in_dim3A_135 = vector.shape_cast %reduce_sum3A_134 : vector<8xf32> to vector<1x8xf32>
      %add3A_136 = arith.addf %scan3A_111, %broadcast_in_dim3A_135 : vector<1x8xf32>
      scf.yield %add3A_136 : vector<1x8xf32>
    }
    %scan3A_89 = arith.constant 8 : i32
    %div3A_90 = arith.constant 2.560000e+02 : f32
    %div3A_91 = vector.broadcast %div3A_90 : f32 to vector<1x8xf32>
    %div3A_92 = arith.divf %mul3A_72, %div3A_91 : vector<1x8xf32>
    %dot_general3A_93 = arith.constant dense<0.000000e+00> : vector<1x8xf32>
    %dot_general3A_94 = tpu.matmul %div3A_92, %convert_element_type3A_76, %dot_general3A_93 {dimension_numbers = #tpu.dot_dimension_numbers<[1], [0], [0], [1], [0, 0, 1, 1], [], []>, transpose_lhs_hint = false} : vector<1x8xf32>, vector<8x8xf32>, vector<1x8xf32> -> vector<1x8xf32>
    %iota3A_95 = tpu.iota {dimensions = array<i32: 0>} : vector<24x8xi32>
    %convert_element_type3A_96 = arith.sitofp %iota3A_95 : vector<24x8xi32> to vector<24x8xf32>
    %ge3A = vector.broadcast %dot_general3A_94 : vector<1x8xf32> to vector<24x8xf32>
    %ge3A_97 = arith.cmpf oge, %convert_element_type3A_96, %ge3A : vector<24x8xf32>
    %convert_element_type3A_98 = arith.extui %ge3A_97 : vector<24x8xi1> to vector<24x8xi32>
    %convert_element_type3A_99 = arith.sitofp %convert_element_type3A_98 : vector<24x8xi32> to vector<24x8xf32>
    %reduce_sum3A_100 = arith.constant dense<0.000000e+00> : vector<24xf32>
    %reduce_sum3A_101 = vector.multi_reduction <add>, %convert_element_type3A_99, %reduce_sum3A_100 [1] : vector<24x8xf32> to vector<24xf32>
    %broadcast_in_dim3A_102 = vector.shape_cast %reduce_sum3A_101 : vector<24xf32> to vector<24x1xf32>
    %sub3A_103 = arith.constant 1.000000e+00 : f32
    %sub3A_104 = vector.broadcast %sub3A_103 : f32 to vector<24x1xf32>
    %sub3A_105 = arith.subf %broadcast_in_dim3A_102, %sub3A_104 : vector<24x1xf32>
    %convert_element_type3A_106 = arith.fptosi %sub3A_105 : vector<24x1xf32> to vector<24x1xi32>
    %swap3A_107 = arith.constant 0 : index
    %swap3A_108 = arith.constant 0 : index
    %swap3A_109 = vector.load %arg6[%swap3A_107, %swap3A_108] : memref<24x1xi32, #tpu.memory_space<vmem>>, vector<24x1xi32>
    tpu.vector_store %arg6[%swap3A_107, %swap3A_108], %convert_element_type3A_106 {strides = array<i32>} : memref<24x1xi32, #tpu.memory_space<vmem>>, vector<24x1xi32>,
    return
  }
}

module attributes {stable_mosaic.version = 14 : i64} {
  func.func @_gmm_kernel(%arg0: i32, %arg1: memref<24xi32, #tpu.memory_space<smem>>, %arg2: memref<256x768xf32, #tpu.memory_space<vmem>>, %arg3: memref<1x768x1536xf32, #tpu.memory_space<vmem>>, %arg4: memref<1x1x1536xf32, #tpu.memory_space<vmem>>, %arg5: memref<1x1536x768xf32, #tpu.memory_space<vmem>>, %arg6: memref<1x1x768xf32, #tpu.memory_space<vmem>>, %arg7: memref<256x1xf32, #tpu.memory_space<vmem>>, %arg8: memref<256x768xf32, #tpu.memory_space<vmem>>) attributes {dimension_semantics = [#tpu.dimension_semantics<arbitrary>], iteration_bounds = array<i64: 23>, scalar_prefetch = 1 : i64, scratch_operands = 0 : i64, tpu.core_type = #tpu.core_type<tc>, window_params = [{transform_indices = @transform_0, window_bounds = array<i64: 256, 768>}, {transform_indices = @transform_1, window_bounds = array<i64: 1, 768, 1536>}, {transform_indices = @transform_2, window_bounds = array<i64: 1, 1, 1536>}, {transform_indices = @transform_3, window_bounds = array<i64: 1, 1536, 768>}, {transform_indices = @transform_4, window_bounds = array<i64: 1, 1, 768>}, {transform_indices = @transform_5, window_bounds = array<i64: 256, 1>}, {transform_indices = @transform_6, window_bounds = array<i64: 256, 768>}]} {
    %get3A = arith.constant 0 : index
    %get3A_0 = arith.constant 0 : index
    %get3A_1 = vector.load %arg2[%get3A, %get3A_0] : memref<256x768xf32, #tpu.memory_space<vmem>>, vector<256x768xf32>
    %convert_element_type3A = arith.truncf %get3A_1 : vector<256x768xf32> to vector<256x768xbf16>
    %broadcast_in_dim3A = arith.constant 0.000000e+00 : f32
    %broadcast_in_dim3A_2 = vector.broadcast %broadcast_in_dim3A : f32 to vector<256x768xf32>
    %get3A_3 = arith.constant 0 : index
    %get3A_4 = arith.constant 0 : index
    %get3A_5 = arith.constant 0 : index
    %get3A_6 = vector.load %arg3[%get3A_3, %get3A_4, %get3A_5] : memref<1x768x1536xf32, #tpu.memory_space<vmem>>, vector<1x768x768xf32>
    %get3A_7 = vector.shape_cast %get3A_6 : vector<1x768x768xf32> to vector<768x768xf32>
    %convert_element_type3A_8 = arith.truncf %get3A_7 : vector<768x768xf32> to vector<768x768xbf16>
    %dot_general3A = arith.constant dense<0.000000e+00> : vector<256x768xf32>
    %dot_general3A_9 = tpu.matmul %convert_element_type3A, %convert_element_type3A_8, %dot_general3A {dimension_numbers = #tpu.dot_dimension_numbers<[1], [0], [0], [1], [0, 0, 1, 1], [], []>, transpose_lhs_hint = false} : vector<256x768xbf16>, vector<768x768xbf16>, vector<256x768xf32> -> vector<256x768xf32>
    %get3A_10 = arith.constant 0 : index
    %get3A_11 = arith.constant 0 : index
    %get3A_12 = arith.constant 0 : index
    %get3A_13 = vector.load %arg4[%get3A_10, %get3A_11, %get3A_12] : memref<1x1x1536xf32, #tpu.memory_space<vmem>>, vector<1x1x768xf32>
    %get3A_14 = vector.shape_cast %get3A_13 : vector<1x1x768xf32> to vector<1x768xf32>
    %add3A = vector.broadcast %get3A_14 : vector<1x768xf32> to vector<256x768xf32>
    %add3A_15 = arith.addf %dot_general3A_9, %add3A : vector<256x768xf32>
    %max3A = arith.constant 0.000000e+00 : f32
    %max3A_16 = vector.broadcast %max3A : f32 to vector<256x768xf32>
    %max3A_17 = arith.maximumf %add3A_15, %max3A_16 : vector<256x768xf32>
    %convert_element_type3A_18 = arith.truncf %max3A_17 : vector<256x768xf32> to vector<256x768xbf16>
    %get3A_19 = arith.constant 0 : index
    %get3A_20 = arith.constant 0 : index
    %get3A_21 = arith.constant 0 : index
    %get3A_22 = vector.load %arg5[%get3A_19, %get3A_20, %get3A_21] : memref<1x1536x768xf32, #tpu.memory_space<vmem>>, vector<1x768x768xf32>
    %get3A_23 = vector.shape_cast %get3A_22 : vector<1x768x768xf32> to vector<768x768xf32>
    %convert_element_type3A_24 = arith.truncf %get3A_23 : vector<768x768xf32> to vector<768x768xbf16>
    %dot_general3A_25 = arith.constant dense<0.000000e+00> : vector<256x768xf32>
    %dot_general3A_26 = tpu.matmul %convert_element_type3A_18, %convert_element_type3A_24, %dot_general3A_25 {dimension_numbers = #tpu.dot_dimension_numbers<[1], [0], [0], [1], [0, 0, 1, 1], [], []>, transpose_lhs_hint = false} : vector<256x768xbf16>, vector<768x768xbf16>, vector<256x768xf32> -> vector<256x768xf32>
    %add3A_27 = arith.addf %broadcast_in_dim3A_2, %dot_general3A_26 : vector<256x768xf32>
    %get3A_28 = arith.constant 0 : index
    %get3A_29 = arith.constant 0 : index
    %get3A_30 = arith.constant 768 : index
    %get3A_31 = vector.load %arg3[%get3A_28, %get3A_29, %get3A_30] : memref<1x768x1536xf32, #tpu.memory_space<vmem>>, vector<1x768x768xf32>
    %get3A_32 = vector.shape_cast %get3A_31 : vector<1x768x768xf32> to vector<768x768xf32>
    %convert_element_type3A_33 = arith.truncf %get3A_32 : vector<768x768xf32> to vector<768x768xbf16>
    %dot_general3A_34 = arith.constant dense<0.000000e+00> : vector<256x768xf32>
    %dot_general3A_35 = tpu.matmul %convert_element_type3A, %convert_element_type3A_33, %dot_general3A_34 {dimension_numbers = #tpu.dot_dimension_numbers<[1], [0], [0], [1], [0, 0, 1, 1], [], []>, transpose_lhs_hint = false} : vector<256x768xbf16>, vector<768x768xbf16>, vector<256x768xf32> -> vector<256x768xf32>
    %get3A_36 = arith.constant 0 : index
    %get3A_37 = arith.constant 0 : index
    %get3A_38 = arith.constant 768 : index
    %get3A_39 = vector.load %arg4[%get3A_36, %get3A_37, %get3A_38] : memref<1x1x1536xf32, #tpu.memory_space<vmem>>, vector<1x1x768xf32>
    %get3A_40 = vector.shape_cast %get3A_39 : vector<1x1x768xf32> to vector<1x768xf32>
    %add3A_41 = vector.broadcast %get3A_40 : vector<1x768xf32> to vector<256x768xf32>
    %add3A_42 = arith.addf %dot_general3A_35, %add3A_41 : vector<256x768xf32>
    %max3A_43 = arith.constant 0.000000e+00 : f32
    %max3A_44 = vector.broadcast %max3A_43 : f32 to vector<256x768xf32>
    %max3A_45 = arith.maximumf %add3A_42, %max3A_44 : vector<256x768xf32>
    %convert_element_type3A_46 = arith.truncf %max3A_45 : vector<256x768xf32> to vector<256x768xbf16>
    %get3A_47 = arith.constant 0 : index
    %get3A_48 = arith.constant 768 : index
    %get3A_49 = arith.constant 0 : index
    %get3A_50 = vector.load %arg5[%get3A_47, %get3A_48, %get3A_49] : memref<1x1536x768xf32, #tpu.memory_space<vmem>>, vector<1x768x768xf32>
    %get3A_51 = vector.shape_cast %get3A_50 : vector<1x768x768xf32> to vector<768x768xf32>
    %convert_element_type3A_52 = arith.truncf %get3A_51 : vector<768x768xf32> to vector<768x768xbf16>
    %dot_general3A_53 = arith.constant dense<0.000000e+00> : vector<256x768xf32>
    %dot_general3A_54 = tpu.matmul %convert_element_type3A_46, %convert_element_type3A_52, %dot_general3A_53 {dimension_numbers = #tpu.dot_dimension_numbers<[1], [0], [0], [1], [0, 0, 1, 1], [], []>, transpose_lhs_hint = false} : vector<256x768xbf16>, vector<768x768xbf16>, vector<256x768xf32> -> vector<256x768xf32>
    %add3A_55 = arith.addf %add3A_27, %dot_general3A_54 : vector<256x768xf32>
    %get3A_56 = arith.constant 0 : index
    %get3A_57 = arith.constant 0 : index
    %get3A_58 = arith.constant 0 : index
    %get3A_59 = vector.load %arg6[%get3A_56, %get3A_57, %get3A_58] : memref<1x1x768xf32, #tpu.memory_space<vmem>>, vector<1x1x768xf32>
    %get3A_60 = vector.shape_cast %get3A_59 : vector<1x1x768xf32> to vector<1x768xf32>
    %add3A_61 = vector.broadcast %get3A_60 : vector<1x768xf32> to vector<256x768xf32>
    %add3A_62 = arith.addf %add3A_55, %add3A_61 : vector<256x768xf32>
    %get3A_63 = arith.constant 0 : index
    %get3A_64 = arith.constant 0 : index
    %get3A_65 = vector.load %arg7[%get3A_63, %get3A_64] : memref<256x1xf32, #tpu.memory_space<vmem>>, vector<256x1xf32>
    %mul3A = vector.broadcast %get3A_65 : vector<256x1xf32> to vector<256x768xf32>
    %mul3A_66 = arith.mulf %add3A_62, %mul3A : vector<256x768xf32>
    %swap3A = arith.constant 0 : index
    %swap3A_67 = arith.constant 0 : index
    %swap3A_68 = vector.load %arg8[%swap3A, %swap3A_67] : memref<256x768xf32, #tpu.memory_space<vmem>>, vector<256x768xf32>
    tpu.vector_store %arg8[%swap3A, %swap3A_67], %mul3A_66 {strides = array<i32>} : memref<256x768xf32, #tpu.memory_space<vmem>>, vector<256x768xf32>,
    return
  }
  func.func @transform_0(%arg0: i32, %arg1: memref<24xi32, #tpu.memory_space<smem>>) -> (i32, i32) {
    %c0_i32 = arith.constant 0 : i32
    %c0_i32_0 = arith.constant 0 : i32
    return %arg0, %c0_i32 : i32, i32
  }
  func.func @transform_1(%arg0: i32, %arg1: memref<24xi32, #tpu.memory_space<smem>>) -> (i32, i32, i32) {
    %get3A = arith.index_cast %arg0 : i32 to index
    %get3A_0 = memref.load %arg1[%get3A] : memref<24xi32, #tpu.memory_space<smem>>
    %c0_i32 = arith.constant 0 : i32
    %c0_i32_1 = arith.constant 0 : i32
    %c0_i32_2 = arith.constant 0 : i32
    return %get3A_0, %c0_i32, %c0_i32_1 : i32, i32, i32
  }
  func.func @transform_2(%arg0: i32, %arg1: memref<24xi32, #tpu.memory_space<smem>>) -> (i32, i32, i32) {
    %get3A = arith.index_cast %arg0 : i32 to index
    %get3A_0 = memref.load %arg1[%get3A] : memref<24xi32, #tpu.memory_space<smem>>
    %c0_i32 = arith.constant 0 : i32
    %c0_i32_1 = arith.constant 0 : i32
    %c0_i32_2 = arith.constant 0 : i32
    return %get3A_0, %c0_i32, %c0_i32_1 : i32, i32, i32
  }
  func.func @transform_3(%arg0: i32, %arg1: memref<24xi32, #tpu.memory_space<smem>>) -> (i32, i32, i32) {
    %get3A = arith.index_cast %arg0 : i32 to index
    %get3A_0 = memref.load %arg1[%get3A] : memref<24xi32, #tpu.memory_space<smem>>
    %c0_i32 = arith.constant 0 : i32
    %c0_i32_1 = arith.constant 0 : i32
    %c0_i32_2 = arith.constant 0 : i32
    return %get3A_0, %c0_i32, %c0_i32_1 : i32, i32, i32
  }
  func.func @transform_4(%arg0: i32, %arg1: memref<24xi32, #tpu.memory_space<smem>>) -> (i32, i32, i32) {
    %get3A = arith.index_cast %arg0 : i32 to index
    %get3A_0 = memref.load %arg1[%get3A] : memref<24xi32, #tpu.memory_space<smem>>
    %c0_i32 = arith.constant 0 : i32
    %c0_i32_1 = arith.constant 0 : i32
    %c0_i32_2 = arith.constant 0 : i32
    return %get3A_0, %c0_i32, %c0_i32_1 : i32, i32, i32
  }
  func.func @transform_5(%arg0: i32, %arg1: memref<24xi32, #tpu.memory_space<smem>>) -> (i32, i32) {
    %c0_i32 = arith.constant 0 : i32
    %c0_i32_0 = arith.constant 0 : i32
    return %arg0, %c0_i32 : i32, i32
  }
  func.func @transform_6(%arg0: i32, %arg1: memref<24xi32, #tpu.memory_space<smem>>) -> (i32, i32) {
    %c0_i32 = arith.constant 0 : i32
    %c0_i32_0 = arith.constant 0 : i32
    return %arg0, %c0_i32 : i32, i32
  }
}

</mosaic_0001>

<sc_bundles>
// kernel: kernel.6.cloned.1.call-start
scs
__scs_entry_jumppad:
0x0: {  	(pc) =	sbr.rel $0x88, $3  }
0x1: {  	(tag) =	ssettag $0x0;
	lr =	simm.s32 $0x1  }
0x2: {  	[smem:$0x3F9A] =	sst lr;
	_ =	strace $0xD0000000  }
0x3: {  	_ = 	snop  }
0x4: {  	_ = 	snop  }
0x5: {  	_ = 	snop  }
0x6: {  	_ = 	snop  }
0x7: {  	_ = 	snop  }
__scs_overlays_trampoline_lowered:
0x8: {  	[smem:$0x3FA9] =	sst s0  }
0x9: {  	[smem:$0x3FAA] =	sst s1  }
0xa: {  	[smem:$0x3FAB] =	sst s2  }
0xb: {  	[smem:$0x3FAC] =	sst s3  }
0xc: {  	[smem:$0x3FAD] =	sst s4  }
0xd: {  	[smem:$0x3FAE] =	sst s5  }
0xe: {  	[smem:$0x3FAF] =	sst s6  }
0xf: {  	[smem:$0x3FB0] =	sst s7  }
0x10: {  	[smem:$0x3FB1] =	sst s8  }
0x11: {  	[smem:$0x3FB2] =	sst s9;
	s0 =	simm.s32 @!p0 $0x0  }
0x12: {  	s1 =	sld [smem:$0x3F98];
	s0 =	simm.s32 @p0 $0x1  }
0x13: {  	[smem:$0x3FB3] =	sst s0;
	s0 =	simm.s32 @!p1 $0x0  }
0x14: {  	s2 =	sld [smem:$0x3F97];
	s0 =	simm.s32 @p1 $0x1  }
0x15: {  	[smem:$0x3FB4] =	sst s0;
	s0 =	simm.s32 @!p2 $0x0  }
0x16: {  	s3 =	sld [smem:$0x3FDB];
	s0 =	simm.s32 @p2 $0x1  }
0x17: {  	s4 =	simm.s32 $0x1BF5;
	[smem:$0x3FB6] =	sst s0  }
0x18: {  	s0 =	sld [smem:$0x3F99];
	_ =	swait.ge [sflag:s4], $0x0  }
0x19: {  	s7 =	sld [smem:$0x3F9A]  }
0x1a: {  	s8 =	sadd.s32 $0xFFFFE003, lr  }
0x1b: {  	s9 =	sadd.s32 $0xFFFFFEF7, lr;
	s5 =	simm.s32 $0xFFFFFFFF;
	p2 =	slt.u32 s8, $0xFFFFF086  }
0x1c: {  	p1 =	slt.u32 s9, $0xF7A;
	s5 =	simm.s32 @!p2 $0x0  }
0x1d: {  	s5 =	simm.s32 @p1 $0x1;
	p0 =	seq.s32 s7, s2  }
0x1e: {  	s7 =	smul.u32 @!p0 $0xF7A, s2;
	p2 =	seq.s32 @!p0 s5, $0x0  }
0x1f: {  	s9 =	smul.u32 $0xF7A, s1;
	s8 =	simm.s32 @!p0 $0x1BF5;
	p2 =	por !p2, p0  }
0x20: {  	[sflag:s8] =	ssyncset.s32 @!p0 $0xFFFFF086;
	s6 =	sadd.s32 @!p0 s3, s7;
	s7 =	simm.s32 @!p0 $0x108  }
0x21: {  	s3 =	sadd.s32 s3, s9;
	s6 =	sadd.s32 @!p0 $0x88, s6;
	s7 =	simm.s32 @p2 $0x1082  }
0x22: {  	[simem:s7], [sflag:s8] =	dma.local @!p0 [hbm:s6], $0xF7A  }
0x23: {  	s9 =	sor.u32 $0xD0000000, s2;
	s6 =	simm.s32 $0x108;
	_ =	swait.ge @!p0 [sflag:s8], $0x0  }
0x24: {  	s3 =	sadd.s32 $0x88, s3;
	s6 =	simm.s32 @!p1 $0x1082;
	[sflag:s4] =	ssyncset.s32 $0xFFFFF086  }
0x25: {  	[simem:s6], [sflag:s4] =	dma.local [hbm:s3], $0xF7A  }
0x26: {  	[smem:$0x3F9A] =	sst s1;
	(tag) =	ssettag s2;
	_ =	strace s9  }
0x27: {  	s1 =	sld [smem:$0x3FAA]  }
0x28: {  	s2 =	sld [smem:$0x3FAB]  }
0x29: {  	s4 =	sld [smem:$0x3FAD]  }
0x2a: {  	p0 =	seq.s32 s5, $0x0;
	s5 =	sld [smem:$0x3FAE]  }
0x2b: {  	s6 =	sld [smem:$0x3FAF]  }
0x2c: {  	s7 =	sld [smem:$0x3FB0]  }
0x2d: {  	s3 =	simm.s32 $0x108;
	s8 =	sld [smem:$0x3FB1]  }
0x2e: {  	s3 =	simm.s32 @!p0 $0x1082;
	s9 =	sld [smem:$0x3FB2]  }
0x2f: {  	lr =	sadd.s32 s0, s3;
	s0 =	sld [smem:$0x3FA9]  }
0x30: {  	s3 =	sld [smem:$0x3FAC]  }
0x31: {  	[smem:$0x3FB5] =	sst s10  }
0x32: {  	s10 =	sld [smem:$0x3FB3];
	_ =	sdelay $0x3  }
0x33: {  	p0 =	seq.s32 s10, $0x1;
	s10 =	sld [smem:$0x3FB5];
	_ =	sdelay $0x3  }
0x34: {  	[smem:$0x3FB5] =	sst s10  }
0x35: {  	s10 =	sld [smem:$0x3FB4];
	_ =	sdelay $0x3  }
0x36: {  	p1 =	seq.s32 s10, $0x1;
	s10 =	sld [smem:$0x3FB5];
	_ =	sdelay $0x3  }
0x37: {  	[smem:$0x3FB5] =	sst s10  }
0x38: {  	s10 =	sld [smem:$0x3FB6]  }
0x39: {  	_ = 	snop;
	(pc) =	sbr.ind lr, $3  }
0x3a: {  	_ = 	snop  }
0x3b: {  	_ = 	snop  }
0x3c: {  	p2 =	seq.s32 s10, $0x1;
	s10 =	sld [smem:$0x3FB5]  }
0x3d: {  	_ =	shalt  }
0x3e: {  	_ =	shalt  }
0x3f: {  	_ =	shalt  }
0x40: {  	_ =	shalt  }
0x41: {  	_ =	shalt  }
0x42: {  	_ =	shalt  }
0x43: {  	_ =	shalt  }
0x44: {  	_ =	shalt  }
0x45: {  	_ =	shalt  }
0x46: {  	_ =	shalt  }
0x47: {  	_ =	shalt  }
0x48: {  	_ =	shalt  }
0x49: {  	_ =	shalt  }
0x4a: {  	_ =	shalt  }
0x4b: {  	_ =	shalt  }
0x4c: {  	_ =	shalt  }
0x4d: {  	_ =	shalt  }
0x4e: {  	_ =	shalt  }
0x4f: {  	_ =	shalt  }
0x50: {  	_ =	shalt  }
0x51: {  	_ =	shalt  }
0x52: {  	_ =	shalt  }
0x53: {  	_ =	shalt  }
0x54: {  	_ =	shalt  }
0x55: {  	_ =	shalt  }
0x56: {  	_ =	shalt  }
0x57: {  	_ =	shalt  }
0x58: {  	_ =	shalt  }
0x59: {  	_ =	shalt  }
0x5a: {  	_ =	shalt  }
0x5b: {  	_ =	shalt  }
0x5c: {  	_ =	shalt  }
0x5d: {  	_ =	shalt  }
0x5e: {  	_ =	shalt  }
0x5f: {  	_ =	shalt  }
0x60: {  	_ =	shalt  }
0x61: {  	_ =	shalt  }
0x62: {  	_ =	shalt  }
0x63: {  	_ =	shalt  }
0x64: {  	_ =	shalt  }
0x65: {  	_ =	shalt  }
0x66: {  	_ =	shalt  }
0x67: {  	_ =	shalt  }
0x68: {  	_ =	shalt  }
0x69: {  	_ =	shalt  }
0x6a: {  	_ =	shalt  }
0x6b: {  	_ =	shalt  }
0x6c: {  	_ =	shalt  }
0x6d: {  	_ =	shalt  }
0x6e: {  	_ =	shalt  }
0x6f: {  	_ =	shalt  }
0x70: {  	_ =	shalt  }
0x71: {  	_ =	shalt  }
0x72: {  	_ =	shalt  }
0x73: {  	_ =	shalt  }
0x74: {  	_ =	shalt  }
0x75: {  	_ =	shalt  }
0x76: {  	_ =	shalt  }
0x77: {  	_ =	shalt  }
0x78: {  	_ =	shalt  }
0x79: {  	_ =	shalt  }
0x7a: {  	_ =	shalt  }
0x7b: {  	_ =	shalt  }
0x7c: {  	_ =	shalt  }
0x7d: {  	_ =	shalt  }
0x7e: {  	_ =	shalt  }
0x7f: {  	_ =	shalt  }
0x80: {  	_ =	shalt  }
0x81: {  	_ =	shalt  }
0x82: {  	_ =	shalt  }
0x83: {  	_ =	shalt  }
0x84: {  	_ =	shalt  }
0x85: {  	_ =	shalt  }
0x86: {  	_ =	shalt  }
0x87: {  	_ =	shalt  }
.Lfunc_end0:
.L_simem_size_0:
called_computation_lowered:
.L_overlay_start_0:
0x88: {  	s2 =	sld [smem:$0x3FD9]  }
0x89: {  	s3 =	sld [smem:$0x3FFE];
	_ =	sdelay $0x1  }
0x8a: {  	s1 =	srdreg.scid  }
0x8b: {  	s0 =	sand.u32 $0x1, s1  }
0x8c: {  	s14 =	sshll.u32 s0, $0xA;
	s2 =	sadd.s32 s3, s2  }
0x8d: {  	s2 =	sadd.s32 s2, s14  }
0x8e: {  	[smem:$0x3FC1] =	sst s2  }
0x8f: {  	_ = 	snop  }
0x90: {  	s2 =	sld [smem:$0x3FD0];
	_ =	sdelay $0x2  }
0x91: {  	s4 =	simm.s32 $0xA;
	s5 =	simm.s32 $0x10;
	s15 =	sld [smem:$0x3FC9]  }
0x92: {  	[smem:s5], [sflag:s4] =	dma.local [hbm:s2], $0x1  }
0x93: {  	_ =	swait.eq [sflag:s4], $0x1  }
0x94: {  	[sflag:s4] =	ssyncset.done $0x0  }
0x95: {  	s16 =	sld [smem:$0x10];
	[sflag:s4] =	ssyncadd.s32 $0xFFFFFFFF  }
0x96: {  	s17 =	sld [smem:$0x11];
	(tm) =	ssettm $0x1  }
0x97: {  	s18 =	sld [smem:$0x3FFB];
	_ =	sdelay $0x3  }
0x98: {  	_ =	strace s18  }
0x99: {  	s5 =	sld [smem:$0x3FFC];
	_ =	sdelay $0x3  }
0x9a: {  	_ =	strace s5  }
0x9b: {  	s5 =	sld [smem:$0x3FFD];
	_ =	sdelay $0x3  }
0x9c: {  	_ =	strace s5  }
0x9d: {  	_ =	strace $0x8FFFFFFF  }
0x9e: {  	s19 =	sld [smem:$0x3FDB];
	_ =	sdelay $0x1  }
0x9f: {  	s6 =	simm.s32 $_scs_section_size  }
0xa0: {  	s7 =	simm.s32 $_size__tile_overlayer_lowered;
	s8 =	simm.s32 $_tile_overlayer_lowered  }
0xa1: {  	s22 =	simm.s32 $0x1BFF;
	s21 =	sshll.u32 s8, $0x1;
	s5 =	sadd.s32 s6, s19  }
0xa2: {  	s9 =	simm.s32 $0x0;
	s20 =	sshll.u32 s7, $0x1;
	s7 =	sadd.s32 s21, s5  }
0xa3: {  	[timem:s9], [sflag:s22] =	dma.local [hbm:s7], s20  }
0xa4: {  	_ =	swait.ge [sflag:s22], s20  }
0xa5: {  	s6 =	ssub.s32 $0x0, s20;
	[sflag:s22] =	ssyncset.done $0x0  }
0xa6: {  	[sflag:s22] =	ssyncadd.s32 s6;
	_ =	sdelay $0x1  }
0xa7: {  	s23 =	simm.s32 $0x1B8B  }
0xa8: {  	_ =	swait.ge [sflag:s23], $0x1  }
0xa9: {  	[sflag:s23] =	ssyncset.done $0x0  }
0xaa: {  	s25 =	simm.s32 $0x1B8E;
	s24 =	sld [smem:$0x3FFE];
	[sflag:s23] =	ssyncadd.s32 $0xFFFFFFFF  }
0xab: {  	s26 =	simm.s32 $execute0_lowered;
	[smem:$0x3FD2] =	sst s25  }
0xac: {  	s7 =	sshll.u32 s26, $0x1;
	_ =	strace $0x80000046;
	[dreg:$0x1] =	wrdreg $0xFFFFFFFF  }
0xad: {  	s28 =	simm.s32 $_size_execute0_lowered;
	s5 =	sadd.s32 s5, s7;
	[dreg:$0x0] =	wrdreg $0x0  }
0xae: {  	s7 =	sshll.u32 s28, $0x1;
	[dreg:$0x2] =	wrdreg s5  }
0xaf: {  	[dreg:$0x3] =	wrdreg s7  }
0xb0: {  	[dreg:$0x4] =	wrdreg $0xC0  }
0xb1: {  	_ =	task [dreg:s9], $0x5FFFF  }
0xb2: {  	[dreg:$0x1] =	wrdreg $0xFFFFFFFF  }
0xb3: {  	[dreg:$0x0] =	wrdreg $0x60  }
0xb4: {  	[dreg:$0x2] =	wrdreg s24  }
0xb5: {  	[dreg:$0x3] =	wrdreg s16  }
0xb6: {  	[dreg:$0x4] =	wrdreg s15  }
0xb7: {  	[dreg:$0x5] =	wrdreg s17  }
0xb8: {  	[dreg:$0x6] =	wrdreg $0x187000  }
0xb9: {  	[dreg:$0x7] =	wrdreg $0x188700  }
0xba: {  	[dreg:$0x8] =	wrdreg $0x9  }
0xbb: {  	_ =	task.clear_ibuf [dreg:s9], $0x9FFFF;
	_ =	strace $0x90000046  }
0xbc: {  	s29 =	simm.s32 $0x9;
	_ =	strace $0x8000004C  }
0xbd: {  	_ =	swait.ge [sflag:s29], $0x1  }
0xbe: {  	[sflag:s29] =	ssyncadd.s32 $0xFFFFFFFF  }
0xbf: {  	_ =	strace $0x9000004C  }
0xc0: {  	_ =	sfence  }
0xc1: {  	s30 =	sld [smem:$0x0];
	_ =	sdelay $0x2  }
0xc2: {  	s31 =	sshll.u32 s1, $0xD;
	s1 =	sshrl.u32 s1, $0x2  }
0xc3: {  	s3 =	sand.u32 $0x4000, s31;
	s1 =	sadd.s32 s1, s30  }
0xc4: {  	s0 =	sor.u32 s3, s0;
	s1 =	sshll.u32 s1, $0x11  }
0xc5: {  	s0 =	sor.u32 s1, s0  }
0xc6: {  	s0 =	sadd.s32 $0x8F2B, s0  }
0xc7: {  	[sflag:s0] =	ssyncadd.remote.s32 $0x1  }
0xc8: {  	_ =	sfence.sel $0xFFFF  }
0xc9: {  	[dreg:$0x0] =	wrdreg $0xFFFFFFFF;
	(pc) =	sbr.abs _section_cstart, $3  }
0xca: {  	[dreg:$0x1] =	wrdreg $0xFFFFFFFF  }
0xcb: {  	_ =	task.clear_ibuf [dreg:s9], $0x2FFFF;
	_ =	strace $0x9FFFFFFF  }
0xcc: {  	(tm) =	ssettm $0x7FFFFFFF  }
0xcd: {  	_ =	shalt  }
tec
execute0_lowered:
.L_overlay_start_1:
0x0: {  	(tag) =	ssettag $0x1  }
0x1: {  	s0 =	rddreg [dreg:$0x0]  }
0x2: {  	s2 =	rddreg [dreg:$0x1]  }
0x3: {  	s1 =	rddreg [dreg:$0x2]  }
0x4: {  	s3 =	srdreg.scid;
	s6 =	rddreg [dreg:$0x3]  }
0x5: {  	s13 =	stileid.u32;
	s14 =	rddreg [dreg:$0x4]  }
0x6: {  	s15 =	rddreg [dreg:$0x5];
	s5 =	simm.s32 $0x0;
	s31 =	simm.s32 $0x200  }
0x7: {  	s30 =	simm.s32 $0x0;
	s28 =	simm.s32 $0x7700;
	s29 =	simm.s32 $0x7F00  }
0x8: {  	s4 =	sand.u32 $0x1, s3;
	[smem:$0x7FF] =	sst s5;
	s9 =	sadd.s32 $0x800, s0  }
0x9: {  	s11 =	sshll.u32 s13, $0x8;
	s17 =	sshll.u32 s13, $0x5;
	s18 =	smul.u32 $0x170, s13  }
0xa: {  	s3 =	sshll.u32 s4, $0x4;
	_ =	strace $0x80000047;
	s7 =	ssub.s32 $0x2, s4  }
0xb: {  	s16 =	sor.u32 $0x80, s11;
	s19 =	sadd.s32 s9, s17;
	s11 =	sadd.s32 s2, s17  }
0xc: {  	s17 =	sadd.s32 $0x200, s1;
	p0 =	sne.s32 s4, $0x0;
	[dreg:$0x14] =	wrdreg s16  }
0xd: {  	s3 =	sor.u32 s13, s3;
	s10 =	sshrl.u32 s7, $0x1;
	[dreg:$0x7] =	wrdreg s19  }
0xe: {  	s12 =	sshrl.u32 s16, $0x3;
	[dreg:$0x8] =	wrdreg s11;
	s20 =	sadd.s32 s18, s14  }
0xf: {  	s21 =	sshrl.u32 s18, $0x3;
	[dreg:$0x13] =	wrdreg s18;
	s22 =	sadd.s32 s18, s15  }
0x10: {  	s16 =	sadd.s32 $0x100, s1;
	s11 =	simm.s32 $0x2700;
	s15 =	simm.s32 $0x3F00  }
0x11: {  	s18 =	simm.s32 $0x4F00;
	s19 =	simm.s32 $0x5700;
	s13 =	simm.s32 $0x8700  }
0x12: {  	s8 =	smul.u32 $0xB8, s3;
	s10 =	ssub.s32 s7, s10;
	[dreg:$0xb] =	wrdreg s20  }
0x13: {  	s9 =	sadd.s32 s9, s12;
	s2 =	sadd.s32 s2, s12;
	[dreg:$0x12] =	wrdreg s22  }
0x14: {  	s22 =	simm.s32 $0x5;
	s7 =	simm.s32 $0x700;
	[dreg:$0x9] =	wrdreg s9  }
0x15: {  	s12 =	simm.s32 $0x2F00;
	s20 =	simm.s32 $0x6700;
	[dreg:$0xa] =	wrdreg s2  }
0x16: {  	s2 =	sadd.s32 s6, s21;
	s26 =	smax.u32 s10, $0x1;
	s3 =	sshrl.u32 s8, $0x3  }
0x17: {  	s9 =	simm.s32 $0x280;
	s10 =	simm.s32 $0x1F00;
	s3 =	smul.u32 $0x300, s3  }
0x18: {  	s21 =	simm.s32 $0x6F00;
	[dreg:$0xc] =	wrdreg s2;
	s23 =	sadd.s32 s8, s14  }
0x19: {  	[dreg:$0x11] =	wrdreg s26;
	s2 =	simm.s32 $0x80;
	s0 =	sadd.s32 s3, s0  }
0x1a: {  	s14 =	simm.s32 $0x3700;
	[dreg:$0xd] =	wrdreg s23;
	s24 =	sadd.s32 $0xA00, s0  }
0x1b: {  	v0 =	vlaneseq.u32;
	s26 =	simm.s32 $0xC700;
	s25 =	sadd.s32 $0x2200, s0;
	[dreg:$0xe] =	wrdreg s24  }
0x1c: {  	v1 =	vimm.f32 $0.0e+00;
	vm0 =	vmmov $0xffff;
	v3 =	vshrl.u32 v0, $0x3;
	s23 =	simm.s32 $0x4700;
	s0 =	sadd.s32 $0x3A00, s0;
	[dreg:$0xf] =	wrdreg s25  }
0x1d: {  	v2 =	vand.u32 $0x7, v0;
	v4 =	vor.u32 $0x8, v0;
	v3 =	vmul.u32 $0x8, v3;
	[dreg:$0x10] =	wrdreg s0;
	s25 =	simm.s32 $0x5F00;
	s24 =	simm.s32 $0x9700  }
.LBB2_1:
0x1e: {  	_ =	strace $0x80000048  }
0x1f: {  	s4 =	rddreg [dreg:$0x7]  }
0x20: {  	[tilespmem:s5], [sflag:$0x5] =	stream.linear.gather [hbm4b:s4+s5], $0x80, $0x200038;
	[tilespmem:$0x189E0] =	vst v63  }
0x21: {  	_ =	swait.ge [sflag:s22], $0x80  }
0x22: {  	[sflag:s22] =	ssyncset.done $0x0  }
0x23: {  	s3 =	rddreg [dreg:$0x8];
	[sflag:s22] =	ssyncadd.s32 $0xFFFFFF80  }
0x24: {  	[tilespmem:s31], [sflag:$0x5] =	stream.linear.gather [hbm4b:s3+s5], $0x80, $0x200038;
	[tilespmem:$0x189E0] =	vst v63  }
0x25: {  	_ =	swait.ge [sflag:s22], $0x80  }
0x26: {  	[sflag:s22] =	ssyncset.done $0x0  }
0x27: {  	s6 =	rddreg [dreg:$0x9];
	[sflag:s22] =	ssyncadd.s32 $0xFFFFFF80  }
0x28: {  	[tilespmem:s2], [sflag:$0x5] =	stream.linear.gather [hbm4b:s6+s5], $0x80, $0x200038;
	[tilespmem:$0x189E0] =	vst v63  }
0x29: {  	_ =	swait.ge [sflag:s22], $0x80  }
0x2a: {  	[sflag:s22] =	ssyncset.done $0x0  }
0x2b: {  	s8 =	rddreg [dreg:$0xa];
	[sflag:s22] =	ssyncadd.s32 $0xFFFFFF80  }
0x2c: {  	[tilespmem:s9], [sflag:$0x5] =	stream.linear.gather [hbm4b:s8+s5], $0x80, $0x200038;
	[tilespmem:$0x189E0] =	vst v63  }
0x2d: {  	_ =	swait.ge [sflag:s22], $0x80  }
0x2e: {  	[sflag:s22] =	ssyncset.done $0x0  }
0x2f: {  	[sflag:s22] =	ssyncadd.s32 $0xFFFFFF80  }
0x30: {  	s31 =	simm.s32 $0x0;
	_ =	strace $0x90000048  }
0x31: {  	v5 =	vld [tilespmem:s31+$0x80]  }
0x32: {  	v6 =	vld [tilespmem:s31+$0x0];
	_ =	sdelay $0x1  }
0x33: {  	s6 =	rddreg [dreg:$0x14]  }
0x34: {  	s4 =	simm.s32 $0x40;
	s8 =	sadd.s32 $0xFFFFFF80, s6;
	v7 =	vor.u32 s6, v0  }
.LBB2_2:
0x35: {  	s9 =	sshra.s32 s4, $0x2;
	p1 =	sne.s32 s4, $0x1C0;
	s4 =	sadd.s32 $0x40, s4;
	v8 =	vor.u32 s8, v0;
	v7 =	vand.u32 $0x7FF, v7;
	v9 =	vand.u32 $0x7FF, v5  }
.Ltmp0:
0x36: {  	v5 =	vld [tilespmem:s9+$0x80];
	v8 =	vand.u32 $0x77F, v8;
	v10 =	vand.u32 $0x7FF, v6;
	v7 =	vsub.s32 v7, v9;
	(pc) =	sbr.rel @p1 .LBB2_2-.Ltmp0, $4  }
0x37: {  	v6 =	vld [tilespmem:s9+$0x0];
	v8 =	vsub.s32 v8, v10;
	[tilespmem:s31+$0x180] =	vst v7  }
0x38: {  	[tilespmem:s31+$0x100] =	vst v8;
	s31 =	smov.u32 s9  }
0x39: {  	s6 =	sadd.s32 $0x10, s6  }
0x3a: {  	s8 =	sadd.s32 $0xFFFFFF80, s6;
	v7 =	vor.u32 s6, v0  }
0x3b: {  	v8 =	vor.u32 s8, v0;
	v7 =	vand.u32 $0x7FF, v7;
	v5 =	vand.u32 $0x7FF, v5  }
0x3c: {  	v8 =	vand.u32 $0x77F, v8;
	v6 =	vand.u32 $0x7FF, v6;
	v5 =	vsub.s32 v7, v5  }
0x3d: {  	s6 =	rddreg [dreg:$0x13];
	v6 =	vsub.s32 v8, v6;
	[tilespmem:s31+$0x180] =	vst v5  }
0x3e: {  	v5 =	vor.u32 s6, v0;
	[tilespmem:s31+$0x100] =	vst v6  }
0x3f: {  	s4 =	simm.s32 $0x40;
	v5 =	vand.u32 $0x7FF, v5;
	s31 =	simm.s32 $0x0;
	_ =	strace $0x80000049  }
.LBB2_4:
0x40: {  	p1 =	sne.s32 s4, $0x580  }
0x41: {  	[tilespmem:s31+$0x300] =	vst v5;
	s6 =	sadd.s32 $0x10, s6;
	s8 =	smov.u32 s4;
	s4 =	sadd.s32 $0x40, s4  }
.Ltmp1:
0x42: {  	[tilespmem:s31+$0x480] =	vst v1;
	(pc) =	sbr.rel @p1 .LBB2_4-.Ltmp1, $3  }
0x43: {  	_ =	sdelay $0x1  }
0x44: {  	v5 =	vor.u32 s6, v0  }
0x45: {  	s31 =	sshra.s32 s8, $0x2;
	v5 =	vand.u32 $0x7FF, v5  }
0x46: {  	[tilespmem:s31+$0x300] =	vst v5  }
0x47: {  	[tilespmem:s31+$0x480] =	vst v1;
	s4 =	rddreg [dreg:$0xb];
	s6 =	simm.s32 $0x300  }
0x48: {  	[spmem:s4] =	stream.linear.scatter [tilespmem:s6], [sflag:$0x5], $0x170, $0x200038;
	[tilespmem:$0x189E0] =	vst v63  }
0x49: {  	_ =	swait.ge [sflag:s22], $0x170  }
0x4a: {  	[sflag:s22] =	ssyncset.done $0x0  }
0x4b: {  	s8 =	simm.s32 $0x480;
	s9 =	rddreg [dreg:$0x12];
	[sflag:s22] =	ssyncadd.s32 $0xFFFFFE90  }
0x4c: {  	[spmem:s9] =	stream.linear.scatter [tilespmem:s8], [sflag:$0x5], $0x170, $0x200038;
	[tilespmem:$0x189E0] =	vst v63  }
0x4d: {  	_ =	swait.ge [sflag:s22], $0x170  }
0x4e: {  	[sflag:s22] =	ssyncset.done $0x0  }
0x4f: {  	[sflag:s22] =	ssyncadd.s32 $0xFFFFFE90  }
0x50: {  	[bflag:$0x0] =	sbarrier.arrive $0xFFFF  }
0x51: {  	_ =	strace $0x90000049  }
0x52: {  	_ =	strace $0x8000004A  }
0x53: {  	s0 =	simm.s32 $0x100;
	s4 =	rddreg [dreg:$0x4]  }
0x54: {  	[spmem:s4] =	stream.indirect.scatter.add.s32 [tilespmem:s0], [sflag:$0x5], $0x1, s5, s2, $0x2000b8;
	[tilespmem:$0x189E0] =	vst v63  }
0x55: {  	_ =	swait.ge [sflag:s22], $0x80  }
0x56: {  	[sflag:s22] =	ssyncset.done $0x0  }
0x57: {  	[sflag:s22] =	ssyncadd.s32 $0xFFFFFF80  }
0x58: {  	s31 =	simm.s32 $0x200;
	s3 =	rddreg [dreg:$0x5]  }
0x59: {  	[spmem:s3] =	stream.indirect.scatter.add.f32 [tilespmem:s31], [sflag:$0x5], $0x1, s5, s2, $0x2000b8;
	[tilespmem:$0x189E0] =	vst v63  }
0x5a: {  	_ =	swait.ge [sflag:s22], $0x80  }
0x5b: {  	[sflag:s22] =	ssyncset.done $0x0  }
0x5c: {  	s8 =	simm.s32 $0x180;
	[sflag:s22] =	ssyncadd.s32 $0xFFFFFF80  }
0x5d: {  	[spmem:s4] =	stream.indirect.scatter.add.s32 [tilespmem:s8], [sflag:$0x5], $0x1, s2, s2, $0x2000b8;
	[tilespmem:$0x189E0] =	vst v63  }
0x5e: {  	_ =	swait.ge [sflag:s22], $0x80  }
0x5f: {  	[sflag:s22] =	ssyncset.done $0x0  }
0x60: {  	s0 =	simm.s32 $0x280;
	[sflag:s22] =	ssyncadd.s32 $0xFFFFFF80  }
0x61: {  	[spmem:s3] =	stream.indirect.scatter.add.f32 [tilespmem:s0], [sflag:$0x5], $0x1, s2, s2, $0x2000b8;
	[tilespmem:$0x189E0] =	vst v63  }
0x62: {  	_ =	swait.ge [sflag:s22], $0x80  }
0x63: {  	[sflag:s22] =	ssyncset.done $0x0  }
0x64: {  	[sflag:s22] =	ssyncadd.s32 $0xFFFFFF80  }
0x65: {  	[bflag:$0x0] =	sbarrier.arrive $0xFFFF  }
0x66: {  	s6 =	simm.s32 @!p0 $0x5;
	s4 =	simm.s32 @!p0 $0x480;
	_ =	strace $0x9000004A  }
0x67: {  	[tilespmem:s4], [sflag:$0x5] =	stream.linear.gather @!p0 [spmem:s9], $0x170, $0x38;
	[tilespmem:$0x189E0] =	vst v63  }
0x68: {  	_ =	swait.ge @!p0 [sflag:s6], $0x170  }
0x69: {  	[sflag:s6] =	ssyncset.done @!p0 $0x0  }
0x6a: {  	s8 =	simm.s32 @!p0 $0x0;
	s9 =	rddreg [dreg:$0xc];
	[sflag:s6] =	ssyncadd.s32 @!p0 $0xFFFFFE90  }
0x6b: {  	[hbm4b:s9+s8] =	stream.linear.scatter @!p0 [tilespmem:s4], [sflag:$0x5], $0x170, $0x38;
	[tilespmem:$0x189E0] =	vst v63  }
0x6c: {  	_ =	swait.ge @!p0 [sflag:s6], $0x170  }
0x6d: {  	[sflag:s6] =	ssyncset.done @!p0 $0x0  }
0x6e: {  	[sflag:s6] =	ssyncadd.s32 @!p0 $0xFFFFFE90  }
0x6f: {  	_ =	strace $0x8000004B  }
0x70: {  	s3 =	simm.s32 $0x600;
	s2 =	rddreg [dreg:$0xd]  }
0x71: {  	[tilespmem:s3], [sflag:$0x5] =	stream.linear.gather [spmem:s2], $0xB8, $0x200038;
	[tilespmem:$0x189E0] =	vst v63  }
0x72: {  	_ =	swait.ge [sflag:s22], $0xB8  }
0x73: {  	[sflag:s22] =	ssyncset.done $0x0  }
0x74: {  	[sflag:s22] =	ssyncadd.s32 $0xFFFFFF48  }
0x75: {  	v5 =	vld [tilespmem:$0x600];
	_ =	sdelay $0x4  }
0x76: {  	v6 =	vshrl.u32 v5, $0x3  }
0x77: {  	v6 =	vmul.u32 $0x30, v6  }
0x78: {  	v5 =	vand.u32 $0x7, v5  }
0x79: {  	v5 =	vor.u32 v5, v6  }
0x7a: {  	v6 =	vperm.xlane v5, v2;
	_ =	sdelay $0x1  }
0x7b: {  	v6 =	vadd.s32 v3, v6;
	_ =	sdelay $0x3  }
0x7c: {  	v5 =	vperm.xlane v5, v4  }
0x7d: {  	[tilespmem:s7], [sflag:$0x1] =	stream.indirect_vreg.gather [hbm4b:s1+s5], $0x80, v6, vm0, $0x2000b8;
	[tilespmem:$0x189E0] =	vst v63  }
0x7e: {  	s0 =	simm.s32 $0xF00;
	v5 =	vadd.s32 v3, v5  }
0x7f: {  	[tilespmem:s0], [sflag:$0x1] =	stream.indirect_vreg.gather [hbm4b:s16+s5], $0x80, v6, vm0, $0x2000b8;
	[tilespmem:$0x189E0] =	vst v63  }
0x80: {  	s4 =	simm.s32 $0x1700  }
0x81: {  	[tilespmem:s4], [sflag:$0x1] =	stream.indirect_vreg.gather [hbm4b:s17+s5], $0x80, v6, vm0, $0x2000b8;
	[tilespmem:$0x189E0] =	vst v63  }
0x82: {  	_ = 	snop  }
0x83: {  	[tilespmem:s10], [sflag:$0x1] =	stream.indirect_vreg.gather [hbm4b:s1+s5], $0x80, v5, vm0, $0x2000b8;
	[tilespmem:$0x189E0] =	vst v63  }
0x84: {  	_ = 	snop  }
0x85: {  	[tilespmem:s11], [sflag:$0x1] =	stream.indirect_vreg.gather [hbm4b:s16+s5], $0x80, v5, vm0, $0x2000b8;
	[tilespmem:$0x189E0] =	vst v63  }
0x86: {  	_ = 	snop  }
0x87: {  	[tilespmem:s12], [sflag:$0x1] =	stream.indirect_vreg.gather [hbm4b:s17+s5], $0x80, v5, vm0, $0x2000b8;
	[tilespmem:$0x189E0] =	vst v63  }
0x88: {  	v5 =	vld [tilespmem:$0x610];
	_ =	sdelay $0x4  }
0x89: {  	v6 =	vshrl.u32 v5, $0x3  }
0x8a: {  	v6 =	vmul.u32 $0x30, v6  }
0x8b: {  	v5 =	vand.u32 $0x7, v5  }
0x8c: {  	v5 =	vor.u32 v5, v6  }
0x8d: {  	v6 =	vperm.xlane v5, v2;
	_ =	sdelay $0x1  }
0x8e: {  	v6 =	vadd.s32 v3, v6;
	_ =	sdelay $0x3  }
0x8f: {  	v5 =	vperm.xlane v5, v4  }
0x90: {  	[tilespmem:s14], [sflag:$0x1] =	stream.indirect_vreg.gather [hbm4b:s1+s5], $0x80, v6, vm0, $0x2000b8;
	[tilespmem:$0x189E0] =	vst v63  }
0x91: {  	v5 =	vadd.s32 v3, v5  }
0x92: {  	[tilespmem:s15], [sflag:$0x1] =	stream.indirect_vreg.gather [hbm4b:s16+s5], $0x80, v6, vm0, $0x2000b8;
	[tilespmem:$0x189E0] =	vst v63  }
0x93: {  	_ = 	snop  }
0x94: {  	[tilespmem:s23], [sflag:$0x1] =	stream.indirect_vreg.gather [hbm4b:s17+s5], $0x80, v6, vm0, $0x2000b8;
	[tilespmem:$0x189E0] =	vst v63  }
0x95: {  	_ = 	snop  }
0x96: {  	[tilespmem:s18], [sflag:$0x1] =	stream.indirect_vreg.gather [hbm4b:s1+s5], $0x80, v5, vm0, $0x2000b8;
	[tilespmem:$0x189E0] =	vst v63  }
0x97: {  	_ = 	snop  }
0x98: {  	[tilespmem:s19], [sflag:$0x1] =	stream.indirect_vreg.gather [hbm4b:s16+s5], $0x80, v5, vm0, $0x2000b8;
	[tilespmem:$0x189E0] =	vst v63  }
0x99: {  	_ = 	snop  }
0x9a: {  	[tilespmem:s25], [sflag:$0x1] =	stream.indirect_vreg.gather [hbm4b:s17+s5], $0x80, v5, vm0, $0x2000b8;
	[tilespmem:$0x189E0] =	vst v63  }
0x9b: {  	v5 =	vld [tilespmem:$0x620];
	_ =	sdelay $0x4  }
0x9c: {  	v6 =	vshrl.u32 v5, $0x3  }
0x9d: {  	v6 =	vmul.u32 $0x30, v6  }
0x9e: {  	v5 =	vand.u32 $0x7, v5  }
0x9f: {  	v5 =	vor.u32 v5, v6  }
0xa0: {  	v6 =	vperm.xlane v5, v2;
	_ =	sdelay $0x1  }
0xa1: {  	v6 =	vadd.s32 v3, v6;
	_ =	sdelay $0x3  }
0xa2: {  	v5 =	vperm.xlane v5, v4  }
0xa3: {  	[tilespmem:s20], [sflag:$0x1] =	stream.indirect_vreg.gather [hbm4b:s1+s5], $0x80, v6, vm0, $0x2000b8;
	[tilespmem:$0x189E0] =	vst v63  }
0xa4: {  	v5 =	vadd.s32 v3, v5  }
0xa5: {  	[tilespmem:s21], [sflag:$0x1] =	stream.indirect_vreg.gather [hbm4b:s16+s5], $0x80, v6, vm0, $0x2000b8;
	[tilespmem:$0x189E0] =	vst v63  }
0xa6: {  	_ = 	snop  }
0xa7: {  	[tilespmem:s28], [sflag:$0x1] =	stream.indirect_vreg.gather [hbm4b:s17+s5], $0x80, v6, vm0, $0x2000b8;
	[tilespmem:$0x189E0] =	vst v63  }
0xa8: {  	_ = 	snop  }
0xa9: {  	[tilespmem:s29], [sflag:$0x1] =	stream.indirect_vreg.gather [hbm4b:s1+s5], $0x80, v5, vm0, $0x2000b8;
	[tilespmem:$0x189E0] =	vst v63  }
0xaa: {  	_ = 	snop  }
0xab: {  	[tilespmem:s13], [sflag:$0x1] =	stream.indirect_vreg.gather [hbm4b:s16+s5], $0x80, v5, vm0, $0x2000b8;
	[tilespmem:$0x189E0] =	vst v63  }
0xac: {  	s2 =	simm.s32 $0x8F00  }
0xad: {  	[tilespmem:s2], [sflag:$0x1] =	stream.indirect_vreg.gather [hbm4b:s17+s5], $0x80, v5, vm0, $0x2000b8;
	[tilespmem:$0x189E0] =	vst v63  }
0xae: {  	v5 =	vld [tilespmem:$0x630];
	_ =	sdelay $0x4  }
0xaf: {  	v6 =	vshrl.u32 v5, $0x3  }
0xb0: {  	v6 =	vmul.u32 $0x30, v6  }
0xb1: {  	v5 =	vand.u32 $0x7, v5  }
0xb2: {  	v5 =	vor.u32 v5, v6  }
0xb3: {  	v6 =	vperm.xlane v5, v2;
	_ =	sdelay $0x1  }
0xb4: {  	v6 =	vadd.s32 v3, v6;
	_ =	sdelay $0x3  }
0xb5: {  	v5 =	vperm.xlane v5, v4  }
0xb6: {  	[tilespmem:s24], [sflag:$0x1] =	stream.indirect_vreg.gather [hbm4b:s1+s5], $0x80, v6, vm0, $0x2000b8;
	[tilespmem:$0x189E0] =	vst v63  }
0xb7: {  	s3 =	simm.s32 $0x9F00;
	v5 =	vadd.s32 v3, v5  }
0xb8: {  	[tilespmem:s3], [sflag:$0x1] =	stream.indirect_vreg.gather [hbm4b:s16+s5], $0x80, v6, vm0, $0x2000b8;
	[tilespmem:$0x189E0] =	vst v63  }
0xb9: {  	s8 =	simm.s32 $0xA700  }
0xba: {  	[tilespmem:s8], [sflag:$0x1] =	stream.indirect_vreg.gather [hbm4b:s17+s5], $0x80, v6, vm0, $0x2000b8;
	[tilespmem:$0x189E0] =	vst v63  }
0xbb: {  	s6 =	simm.s32 $0xAF00  }
0xbc: {  	[tilespmem:s6], [sflag:$0x1] =	stream.indirect_vreg.gather [hbm4b:s1+s5], $0x80, v5, vm0, $0x2000b8;
	[tilespmem:$0x189E0] =	vst v63  }
0xbd: {  	s0 =	simm.s32 $0xB700  }
0xbe: {  	[tilespmem:s0], [sflag:$0x1] =	stream.indirect_vreg.gather [hbm4b:s16+s5], $0x80, v5, vm0, $0x2000b8;
	[tilespmem:$0x189E0] =	vst v63  }
0xbf: {  	s6 =	simm.s32 $0xBF00  }
0xc0: {  	[tilespmem:s6], [sflag:$0x1] =	stream.indirect_vreg.gather [hbm4b:s17+s5], $0x80, v5, vm0, $0x2000b8;
	[tilespmem:$0x189E0] =	vst v63  }
0xc1: {  	v5 =	vld [tilespmem:$0x640];
	_ =	sdelay $0x4  }
0xc2: {  	v6 =	vshrl.u32 v5, $0x3  }
0xc3: {  	v6 =	vmul.u32 $0x30, v6  }
0xc4: {  	v5 =	vand.u32 $0x7, v5  }
0xc5: {  	v5 =	vor.u32 v5, v6  }
0xc6: {  	v6 =	vperm.xlane v5, v2;
	_ =	sdelay $0x1  }
0xc7: {  	v6 =	vadd.s32 v3, v6;
	_ =	sdelay $0x3  }
0xc8: {  	v5 =	vperm.xlane v5, v4  }
0xc9: {  	[tilespmem:s26], [sflag:$0x2] =	stream.indirect_vreg.gather [hbm4b:s1+s5], $0x80, v6, vm0, $0x2000b8;
	[tilespmem:$0x189E0] =	vst v63  }
0xca: {  	s0 =	simm.s32 $0xCF00;
	v5 =	vadd.s32 v3, v5  }
0xcb: {  	[tilespmem:s0], [sflag:$0x2] =	stream.indirect_vreg.gather [hbm4b:s16+s5], $0x80, v6, vm0, $0x2000b8;
	[tilespmem:$0x189E0] =	vst v63  }
0xcc: {  	s6 =	simm.s32 $0xD700  }
0xcd: {  	[tilespmem:s6], [sflag:$0x2] =	stream.indirect_vreg.gather [hbm4b:s17+s5], $0x80, v6, vm0, $0x2000b8;
	[tilespmem:$0x189E0] =	vst v63  }
0xce: {  	s0 =	simm.s32 $0xDF00  }
0xcf: {  	[tilespmem:s0], [sflag:$0x2] =	stream.indirect_vreg.gather [hbm4b:s1+s5], $0x80, v5, vm0, $0x2000b8;
	[tilespmem:$0x189E0] =	vst v63  }
0xd0: {  	s6 =	simm.s32 $0xE700  }
0xd1: {  	[tilespmem:s6], [sflag:$0x2] =	stream.indirect_vreg.gather [hbm4b:s16+s5], $0x80, v5, vm0, $0x2000b8;
	[tilespmem:$0x189E0] =	vst v63  }
0xd2: {  	s0 =	simm.s32 $0xEF00  }
0xd3: {  	[tilespmem:s0], [sflag:$0x2] =	stream.indirect_vreg.gather [hbm4b:s17+s5], $0x80, v5, vm0, $0x2000b8;
	[tilespmem:$0x189E0] =	vst v63  }
0xd4: {  	v5 =	vld [tilespmem:$0x650];
	_ =	sdelay $0x4  }
0xd5: {  	v6 =	vshrl.u32 v5, $0x3  }
0xd6: {  	v6 =	vmul.u32 $0x30, v6  }
0xd7: {  	v5 =	vand.u32 $0x7, v5  }
0xd8: {  	v5 =	vor.u32 v5, v6  }
0xd9: {  	v6 =	vperm.xlane v5, v2;
	_ =	sdelay $0x1  }
0xda: {  	v6 =	vadd.s32 v3, v6;
	_ =	sdelay $0x3  }
0xdb: {  	s6 =	simm.s32 $0xF700;
	v5 =	vperm.xlane v5, v4  }
0xdc: {  	[tilespmem:s6], [sflag:$0x2] =	stream.indirect_vreg.gather [hbm4b:s1+s5], $0x80, v6, vm0, $0x2000b8;
	[tilespmem:$0x189E0] =	vst v63  }
0xdd: {  	s0 =	simm.s32 $0xFF00;
	v5 =	vadd.s32 v3, v5  }
0xde: {  	[tilespmem:s0], [sflag:$0x2] =	stream.indirect_vreg.gather [hbm4b:s16+s5], $0x80, v6, vm0, $0x2000b8;
	[tilespmem:$0x189E0] =	vst v63  }
0xdf: {  	s6 =	simm.s32 $0x10700  }
0xe0: {  	[tilespmem:s6], [sflag:$0x2] =	stream.indirect_vreg.gather [hbm4b:s17+s5], $0x80, v6, vm0, $0x2000b8;
	[tilespmem:$0x189E0] =	vst v63  }
0xe1: {  	s0 =	simm.s32 $0x10F00  }
0xe2: {  	[tilespmem:s0], [sflag:$0x2] =	stream.indirect_vreg.gather [hbm4b:s1+s5], $0x80, v5, vm0, $0x2000b8;
	[tilespmem:$0x189E0] =	vst v63  }
0xe3: {  	s6 =	simm.s32 $0x11700  }
0xe4: {  	[tilespmem:s6], [sflag:$0x2] =	stream.indirect_vreg.gather [hbm4b:s16+s5], $0x80, v5, vm0, $0x2000b8;
	[tilespmem:$0x189E0] =	vst v63  }
0xe5: {  	s0 =	simm.s32 $0x11F00  }
0xe6: {  	[tilespmem:s0], [sflag:$0x2] =	stream.indirect_vreg.gather [hbm4b:s17+s5], $0x80, v5, vm0, $0x2000b8;
	[tilespmem:$0x189E0] =	vst v63  }
0xe7: {  	v5 =	vld [tilespmem:$0x660];
	_ =	sdelay $0x4  }
0xe8: {  	v6 =	vshrl.u32 v5, $0x3  }
0xe9: {  	v6 =	vmul.u32 $0x30, v6  }
0xea: {  	v5 =	vand.u32 $0x7, v5  }
0xeb: {  	v5 =	vor.u32 v5, v6  }
0xec: {  	v6 =	vperm.xlane v5, v2;
	_ =	sdelay $0x1  }
0xed: {  	v6 =	vadd.s32 v3, v6;
	_ =	sdelay $0x3  }
0xee: {  	s6 =	simm.s32 $0x12700;
	v5 =	vperm.xlane v5, v4  }
0xef: {  	[tilespmem:s6], [sflag:$0x2] =	stream.indirect_vreg.gather [hbm4b:s1+s5], $0x80, v6, vm0, $0x2000b8;
	[tilespmem:$0x189E0] =	vst v63  }
0xf0: {  	s0 =	simm.s32 $0x12F00;
	v5 =	vadd.s32 v3, v5  }
0xf1: {  	[tilespmem:s0], [sflag:$0x2] =	stream.indirect_vreg.gather [hbm4b:s16+s5], $0x80, v6, vm0, $0x2000b8;
	[tilespmem:$0x189E0] =	vst v63  }
0xf2: {  	s6 =	simm.s32 $0x13700  }
0xf3: {  	[tilespmem:s6], [sflag:$0x2] =	stream.indirect_vreg.gather [hbm4b:s17+s5], $0x80, v6, vm0, $0x2000b8;
	[tilespmem:$0x189E0] =	vst v63  }
0xf4: {  	s0 =	simm.s32 $0x13F00  }
0xf5: {  	[tilespmem:s0], [sflag:$0x2] =	stream.indirect_vreg.gather [hbm4b:s1+s5], $0x80, v5, vm0, $0x2000b8;
	[tilespmem:$0x189E0] =	vst v63  }
0xf6: {  	s6 =	simm.s32 $0x14700  }
0xf7: {  	[tilespmem:s6], [sflag:$0x2] =	stream.indirect_vreg.gather [hbm4b:s16+s5], $0x80, v5, vm0, $0x2000b8;
	[tilespmem:$0x189E0] =	vst v63  }
0xf8: {  	s0 =	simm.s32 $0x14F00  }
0xf9: {  	[tilespmem:s0], [sflag:$0x2] =	stream.indirect_vreg.gather [hbm4b:s17+s5], $0x80, v5, vm0, $0x2000b8;
	[tilespmem:$0x189E0] =	vst v63  }
0xfa: {  	v5 =	vld [tilespmem:$0x670];
	_ =	sdelay $0x4  }
0xfb: {  	v6 =	vshrl.u32 v5, $0x3  }
0xfc: {  	v6 =	vmul.u32 $0x30, v6  }
0xfd: {  	v5 =	vand.u32 $0x7, v5  }
0xfe: {  	v5 =	vor.u32 v5, v6  }
0xff: {  	v6 =	vperm.xlane v5, v2;
	_ =	sdelay $0x1  }
0x100: {  	v6 =	vadd.s32 v3, v6;
	_ =	sdelay $0x3  }
0x101: {  	s6 =	simm.s32 $0x15700;
	v5 =	vperm.xlane v5, v4  }
0x102: {  	[tilespmem:s6], [sflag:$0x2] =	stream.indirect_vreg.gather [hbm4b:s1+s5], $0x80, v6, vm0, $0x2000b8;
	[tilespmem:$0x189E0] =	vst v63  }
0x103: {  	s0 =	simm.s32 $0x15F00;
	v5 =	vadd.s32 v3, v5  }
0x104: {  	[tilespmem:s0], [sflag:$0x2] =	stream.indirect_vreg.gather [hbm4b:s16+s5], $0x80, v6, vm0, $0x2000b8;
	[tilespmem:$0x189E0] =	vst v63  }
0x105: {  	s6 =	simm.s32 $0x16700  }
0x106: {  	[tilespmem:s6], [sflag:$0x2] =	stream.indirect_vreg.gather [hbm4b:s17+s5], $0x80, v6, vm0, $0x2000b8;
	[tilespmem:$0x189E0] =	vst v63  }
0x107: {  	s0 =	simm.s32 $0x16F00  }
0x108: {  	[tilespmem:s0], [sflag:$0x2] =	stream.indirect_vreg.gather [hbm4b:s1+s5], $0x80, v5, vm0, $0x2000b8;
	[tilespmem:$0x189E0] =	vst v63  }
0x109: {  	s6 =	simm.s32 $0x17700  }
0x10a: {  	[tilespmem:s6], [sflag:$0x2] =	stream.indirect_vreg.gather [hbm4b:s16+s5], $0x80, v5, vm0, $0x2000b8;
	[tilespmem:$0x189E0] =	vst v63  }
0x10b: {  	s0 =	simm.s32 $0x17F00  }
0x10c: {  	[tilespmem:s0], [sflag:$0x2] =	stream.indirect_vreg.gather [hbm4b:s17+s5], $0x80, v5, vm0, $0x2000b8;
	[tilespmem:$0x189E0] =	vst v63  }
0x10d: {  	s0 =	simm.s32 $0x1  }
0x10e: {  	_ =	swait.ge [sflag:s0], $0xC000  }
0x10f: {  	[sflag:s0] =	ssyncset.done $0x0  }
0x110: {  	s6 =	rddreg [dreg:$0xe];
	[sflag:s0] =	ssyncadd.s32 $0xFFFF4000  }
0x111: {  	[hbm4b:s6+s5] =	stream.linear.scatter [tilespmem:s7], [sflag:$0x3], $0xC000, $0x200038;
	[tilespmem:$0x189E0] =	vst v63  }
0x112: {  	s6 =	simm.s32 $0x3  }
0x113: {  	_ =	swait.ge [sflag:s6], $0xC000  }
0x114: {  	[sflag:s6] =	ssyncset.done $0x0  }
0x115: {  	[sflag:s6] =	ssyncadd.s32 $0xFFFF4000  }
0x116: {  	v5 =	vld [tilespmem:$0x680];
	_ =	sdelay $0x4  }
0x117: {  	v6 =	vshrl.u32 v5, $0x3  }
0x118: {  	v6 =	vmul.u32 $0x30, v6  }
0x119: {  	v5 =	vand.u32 $0x7, v5  }
0x11a: {  	v5 =	vor.u32 v5, v6  }
0x11b: {  	v6 =	vperm.xlane v5, v2;
	_ =	sdelay $0x1  }
0x11c: {  	v6 =	vadd.s32 v3, v6;
	_ =	sdelay $0x3  }
0x11d: {  	v5 =	vperm.xlane v5, v4  }
0x11e: {  	[tilespmem:s7], [sflag:$0x1] =	stream.indirect_vreg.gather [hbm4b:s1+s5], $0x80, v6, vm0, $0x2000b8;
	[tilespmem:$0x189E0] =	vst v63  }
0x11f: {  	s4 =	simm.s32 $0xF00;
	v5 =	vadd.s32 v3, v5  }
0x120: {  	[tilespmem:s4], [sflag:$0x1] =	stream.indirect_vreg.gather [hbm4b:s16+s5], $0x80, v6, vm0, $0x2000b8;
	[tilespmem:$0x189E0] =	vst v63  }
0x121: {  	s4 =	simm.s32 $0x1700  }
0x122: {  	[tilespmem:s4], [sflag:$0x1] =	stream.indirect_vreg.gather [hbm4b:s17+s5], $0x80, v6, vm0, $0x2000b8;
	[tilespmem:$0x189E0] =	vst v63  }
0x123: {  	_ = 	snop  }
0x124: {  	[tilespmem:s10], [sflag:$0x1] =	stream.indirect_vreg.gather [hbm4b:s1+s5], $0x80, v5, vm0, $0x2000b8;
	[tilespmem:$0x189E0] =	vst v63  }
0x125: {  	_ = 	snop  }
0x126: {  	[tilespmem:s11], [sflag:$0x1] =	stream.indirect_vreg.gather [hbm4b:s16+s5], $0x80, v5, vm0, $0x2000b8;
	[tilespmem:$0x189E0] =	vst v63  }
0x127: {  	_ = 	snop  }
0x128: {  	[tilespmem:s12], [sflag:$0x1] =	stream.indirect_vreg.gather [hbm4b:s17+s5], $0x80, v5, vm0, $0x2000b8;
	[tilespmem:$0x189E0] =	vst v63  }
0x129: {  	v5 =	vld [tilespmem:$0x690];
	_ =	sdelay $0x4  }
0x12a: {  	v6 =	vshrl.u32 v5, $0x3  }
0x12b: {  	v6 =	vmul.u32 $0x30, v6  }
0x12c: {  	v5 =	vand.u32 $0x7, v5  }
0x12d: {  	v5 =	vor.u32 v5, v6  }
0x12e: {  	v6 =	vperm.xlane v5, v2;
	_ =	sdelay $0x1  }
0x12f: {  	v6 =	vadd.s32 v3, v6;
	_ =	sdelay $0x3  }
0x130: {  	v5 =	vperm.xlane v5, v4  }
0x131: {  	[tilespmem:s14], [sflag:$0x1] =	stream.indirect_vreg.gather [hbm4b:s1+s5], $0x80, v6, vm0, $0x2000b8;
	[tilespmem:$0x189E0] =	vst v63  }
0x132: {  	v5 =	vadd.s32 v3, v5  }
0x133: {  	[tilespmem:s15], [sflag:$0x1] =	stream.indirect_vreg.gather [hbm4b:s16+s5], $0x80, v6, vm0, $0x2000b8;
	[tilespmem:$0x189E0] =	vst v63  }
0x134: {  	_ = 	snop  }
0x135: {  	[tilespmem:s23], [sflag:$0x1] =	stream.indirect_vreg.gather [hbm4b:s17+s5], $0x80, v6, vm0, $0x2000b8;
	[tilespmem:$0x189E0] =	vst v63  }
0x136: {  	_ = 	snop  }
0x137: {  	[tilespmem:s18], [sflag:$0x1] =	stream.indirect_vreg.gather [hbm4b:s1+s5], $0x80, v5, vm0, $0x2000b8;
	[tilespmem:$0x189E0] =	vst v63  }
0x138: {  	_ = 	snop  }
0x139: {  	[tilespmem:s19], [sflag:$0x1] =	stream.indirect_vreg.gather [hbm4b:s16+s5], $0x80, v5, vm0, $0x2000b8;
	[tilespmem:$0x189E0] =	vst v63  }
0x13a: {  	_ = 	snop  }
0x13b: {  	[tilespmem:s25], [sflag:$0x1] =	stream.indirect_vreg.gather [hbm4b:s17+s5], $0x80, v5, vm0, $0x2000b8;
	[tilespmem:$0x189E0] =	vst v63  }
0x13c: {  	v5 =	vld [tilespmem:$0x6A0];
	_ =	sdelay $0x4  }
0x13d: {  	v6 =	vshrl.u32 v5, $0x3  }
0x13e: {  	v6 =	vmul.u32 $0x30, v6  }
0x13f: {  	v5 =	vand.u32 $0x7, v5  }
0x140: {  	v5 =	vor.u32 v5, v6  }
0x141: {  	v6 =	vperm.xlane v5, v2;
	_ =	sdelay $0x1  }
0x142: {  	v6 =	vadd.s32 v3, v6;
	_ =	sdelay $0x3  }
0x143: {  	v5 =	vperm.xlane v5, v4  }
0x144: {  	[tilespmem:s20], [sflag:$0x1] =	stream.indirect_vreg.gather [hbm4b:s1+s5], $0x80, v6, vm0, $0x2000b8;
	[tilespmem:$0x189E0] =	vst v63  }
0x145: {  	v5 =	vadd.s32 v3, v5  }
0x146: {  	[tilespmem:s21], [sflag:$0x1] =	stream.indirect_vreg.gather [hbm4b:s16+s5], $0x80, v6, vm0, $0x2000b8;
	[tilespmem:$0x189E0] =	vst v63  }
0x147: {  	_ = 	snop  }
0x148: {  	[tilespmem:s28], [sflag:$0x1] =	stream.indirect_vreg.gather [hbm4b:s17+s5], $0x80, v6, vm0, $0x2000b8;
	[tilespmem:$0x189E0] =	vst v63  }
0x149: {  	_ = 	snop  }
0x14a: {  	[tilespmem:s29], [sflag:$0x1] =	stream.indirect_vreg.gather [hbm4b:s1+s5], $0x80, v5, vm0, $0x2000b8;
	[tilespmem:$0x189E0] =	vst v63  }
0x14b: {  	_ = 	snop  }
0x14c: {  	[tilespmem:s13], [sflag:$0x1] =	stream.indirect_vreg.gather [hbm4b:s16+s5], $0x80, v5, vm0, $0x2000b8;
	[tilespmem:$0x189E0] =	vst v63  }
0x14d: {  	_ = 	snop  }
0x14e: {  	[tilespmem:s2], [sflag:$0x1] =	stream.indirect_vreg.gather [hbm4b:s17+s5], $0x80, v5, vm0, $0x2000b8;
	[tilespmem:$0x189E0] =	vst v63  }
0x14f: {  	v5 =	vld.msk [tilespmem:$0x6B0], $0xff;
	_ =	sdelay $0x4  }
0x150: {  	v6 =	vshrl.u32 v5, $0x3  }
0x151: {  	v6 =	vmul.u32 $0x30, v6  }
0x152: {  	v5 =	vand.u32 $0x7, v5  }
0x153: {  	v5 =	vor.u32 v5, v6  }
0x154: {  	v5 =	vperm.xlane v5, v2;
	_ =	sdelay $0x1  }
0x155: {  	v5 =	vadd.s32 v3, v5;
	_ =	sdelay $0x4  }
0x156: {  	[tilespmem:s24], [sflag:$0x1] =	stream.indirect_vreg.gather [hbm4b:s1+s5], $0x80, v5, vm0, $0x2000b8;
	[tilespmem:$0x189E0] =	vst v63  }
0x157: {  	_ = 	snop  }
0x158: {  	[tilespmem:s3], [sflag:$0x1] =	stream.indirect_vreg.gather [hbm4b:s16+s5], $0x80, v5, vm0, $0x2000b8;
	[tilespmem:$0x189E0] =	vst v63  }
0x159: {  	s4 =	simm.s32 $0x2  }
0x15a: {  	[tilespmem:s8], [sflag:$0x1] =	stream.indirect_vreg.gather [hbm4b:s17+s5], $0x80, v5, vm0, $0x2000b8;
	[tilespmem:$0x189E0] =	vst v63  }
0x15b: {  	_ =	swait.ge [sflag:s4], $0xC000  }
0x15c: {  	[sflag:s4] =	ssyncset.done $0x0  }
0x15d: {  	s8 =	rddreg [dreg:$0xf];
	[sflag:s4] =	ssyncadd.s32 $0xFFFF4000  }
0x15e: {  	[hbm4b:s8+s5] =	stream.linear.scatter [tilespmem:s26], [sflag:$0x4], $0xC000, $0x200038;
	[tilespmem:$0x189E0] =	vst v63  }
0x15f: {  	_ =	swait.ge [sflag:s0], $0xA800  }
0x160: {  	[sflag:s0] =	ssyncset.done $0x0  }
0x161: {  	s4 =	simm.s32 $0x4;
	s3 =	rddreg [dreg:$0x10];
	[sflag:s0] =	ssyncadd.s32 $0xFFFF5800  }
0x162: {  	[hbm4b:s3+s5] =	stream.linear.scatter [tilespmem:s7], [sflag:$0x3], $0xA800, $0x200038;
	[tilespmem:$0x189E0] =	vst v63  }
0x163: {  	_ =	swait.ge [sflag:s4], $0xC000  }
0x164: {  	[sflag:s4] =	ssyncset.done $0x0  }
0x165: {  	[sflag:s4] =	ssyncadd.s32 $0xFFFF4000  }
0x166: {  	_ =	swait.ge [sflag:s6], $0xA800  }
0x167: {  	s30 =	sadd.s32 $0x1, s30;
	s8 =	rddreg [dreg:$0x11]  }
0x168: {  	p1 =	sne.s32 s30, s8  }
.Ltmp2:
0x169: {  	_ = 	snop;
	(pc) =	sbr.rel @p1 .LBB2_1-.Ltmp2, $4  }
0x16a: {  	_ = 	snop  }
0x16b: {  	[sflag:s6] =	ssyncset.done $0x0  }
0x16c: {  	[sflag:s6] =	ssyncadd.s32 $0xFFFF5800  }
0x16d: {  	s9 =	simm.s32 $0x280;
	s2 =	simm.s32 $0x80;
	_ =	strace $0x9000004B  }
0x16e: {  	_ =	sfence.sel $0x180000  }
0x16f: {  	[bflag:$0x0] =	sbarrier.arrive $0xFFFF  }
0x170: {  	_ =	strace $0x90000047  }
0x171: {  	s0 =	stileid.u32;
	[bflag:$0x2] =	sbarrier.arrive $0xFFFF  }
0x172: {  	p0 =	sne.s32 s0, $0x0;
	s0 =	rddreg [dreg:$0x6]  }
0x173: {  	s0 =	sadd.s32 @!p0 $0x100000, s0  }
0x174: {  	[sflag:s0] =	ssyncadd.tile.s32 @!p0 $0x1;
	_ =	shalt  }
.Lfunc_end2:
_tile_overlayer_lowered:
.L_overlay_start_2:
0x175: {  	(tag) =	ssettag $0x2  }
0x176: {  	s0 =	rddreg [dreg:$0x0];
	s2 =	stileid.u32  }
0x177: {  	s1 =	rddreg [dreg:$0x1];
	p0 =	sne.s32 s2, $0x0  }
0x178: {  	s3 =	rddreg [dreg:$0x2];
	[bflag:$0x3] =	sbarrier.arrive $0xFFFF;
	s2 =	simm.s32 @!p0 $0x1C05  }
0x179: {  	[timem:s3], [sflag:s2] =	dma.local @!p0 [hbm:s0], s1  }
0x17a: {  	s0 =	simm.s32 @!p0 $0x5  }
0x17b: {  	_ =	swait.ge @!p0 [sflag:s0], s1  }
0x17c: {  	s1 =	ssub.s32 @!p0 $0x0, s1;
	[sflag:s0] =	ssyncset.done @!p0 $0x0  }
0x17d: {  	[sflag:s0] =	ssyncadd.s32 @!p0 s1  }
0x17e: {  	[bflag:$0x3] =	sbarrier.arrive $0xFFFF  }
0x17f: {  	_ =	shalt  }

// kernel: kernel.9.cloned.1.call-start
scs
__scs_entry_jumppad:
0x0: {  	(pc) =	sbr.rel $0x88, $3  }
0x1: {  	(tag) =	ssettag $0x0;
	lr =	simm.s32 $0x1  }
0x2: {  	[smem:$0x3F9A] =	sst lr;
	_ =	strace $0xD0000000  }
0x3: {  	_ = 	snop  }
0x4: {  	_ = 	snop  }
0x5: {  	_ = 	snop  }
0x6: {  	_ = 	snop  }
0x7: {  	_ = 	snop  }
__scs_overlays_trampoline_lowered:
0x8: {  	[smem:$0x3FA9] =	sst s0  }
0x9: {  	[smem:$0x3FAA] =	sst s1  }
0xa: {  	[smem:$0x3FAB] =	sst s2  }
0xb: {  	[smem:$0x3FAC] =	sst s3  }
0xc: {  	[smem:$0x3FAD] =	sst s4  }
0xd: {  	[smem:$0x3FAE] =	sst s5  }
0xe: {  	[smem:$0x3FAF] =	sst s6  }
0xf: {  	[smem:$0x3FB0] =	sst s7  }
0x10: {  	[smem:$0x3FB1] =	sst s8  }
0x11: {  	[smem:$0x3FB2] =	sst s9;
	s0 =	simm.s32 @!p0 $0x0  }
0x12: {  	s1 =	sld [smem:$0x3F98];
	s0 =	simm.s32 @p0 $0x1  }
0x13: {  	[smem:$0x3FB3] =	sst s0;
	s0 =	simm.s32 @!p1 $0x0  }
0x14: {  	s2 =	sld [smem:$0x3F97];
	s0 =	simm.s32 @p1 $0x1  }
0x15: {  	[smem:$0x3FB4] =	sst s0;
	s0 =	simm.s32 @!p2 $0x0  }
0x16: {  	s3 =	sld [smem:$0x3FDB];
	s0 =	simm.s32 @p2 $0x1  }
0x17: {  	s4 =	simm.s32 $0x1BF5;
	[smem:$0x3FB6] =	sst s0  }
0x18: {  	s0 =	sld [smem:$0x3F99];
	_ =	swait.ge [sflag:s4], $0x0  }
0x19: {  	s7 =	sld [smem:$0x3F9A]  }
0x1a: {  	s8 =	sadd.s32 $0xFFFFE003, lr  }
0x1b: {  	s9 =	sadd.s32 $0xFFFFFEF7, lr;
	s5 =	simm.s32 $0xFFFFFFFF;
	p2 =	slt.u32 s8, $0xFFFFF086  }
0x1c: {  	p1 =	slt.u32 s9, $0xF7A;
	s5 =	simm.s32 @!p2 $0x0  }
0x1d: {  	s5 =	simm.s32 @p1 $0x1;
	p0 =	seq.s32 s7, s2  }
0x1e: {  	s7 =	smul.u32 @!p0 $0xF7A, s2;
	p2 =	seq.s32 @!p0 s5, $0x0  }
0x1f: {  	s9 =	smul.u32 $0xF7A, s1;
	s8 =	simm.s32 @!p0 $0x1BF5;
	p2 =	por !p2, p0  }
0x20: {  	[sflag:s8] =	ssyncset.s32 @!p0 $0xFFFFF086;
	s6 =	sadd.s32 @!p0 s3, s7;
	s7 =	simm.s32 @!p0 $0x108  }
0x21: {  	s3 =	sadd.s32 s3, s9;
	s6 =	sadd.s32 @!p0 $0x88, s6;
	s7 =	simm.s32 @p2 $0x1082  }
0x22: {  	[simem:s7], [sflag:s8] =	dma.local @!p0 [hbm:s6], $0xF7A  }
0x23: {  	s9 =	sor.u32 $0xD0000000, s2;
	s6 =	simm.s32 $0x108;
	_ =	swait.ge @!p0 [sflag:s8], $0x0  }
0x24: {  	s3 =	sadd.s32 $0x88, s3;
	s6 =	simm.s32 @!p1 $0x1082;
	[sflag:s4] =	ssyncset.s32 $0xFFFFF086  }
0x25: {  	[simem:s6], [sflag:s4] =	dma.local [hbm:s3], $0xF7A  }
0x26: {  	[smem:$0x3F9A] =	sst s1;
	(tag) =	ssettag s2;
	_ =	strace s9  }
0x27: {  	s1 =	sld [smem:$0x3FAA]  }
0x28: {  	s2 =	sld [smem:$0x3FAB]  }
0x29: {  	s4 =	sld [smem:$0x3FAD]  }
0x2a: {  	p0 =	seq.s32 s5, $0x0;
	s5 =	sld [smem:$0x3FAE]  }
0x2b: {  	s6 =	sld [smem:$0x3FAF]  }
0x2c: {  	s7 =	sld [smem:$0x3FB0]  }
0x2d: {  	s3 =	simm.s32 $0x108;
	s8 =	sld [smem:$0x3FB1]  }
0x2e: {  	s3 =	simm.s32 @!p0 $0x1082;
	s9 =	sld [smem:$0x3FB2]  }
0x2f: {  	lr =	sadd.s32 s0, s3;
	s0 =	sld [smem:$0x3FA9]  }
0x30: {  	s3 =	sld [smem:$0x3FAC]  }
0x31: {  	[smem:$0x3FB5] =	sst s10  }
0x32: {  	s10 =	sld [smem:$0x3FB3];
	_ =	sdelay $0x3  }
0x33: {  	p0 =	seq.s32 s10, $0x1;
	s10 =	sld [smem:$0x3FB5];
	_ =	sdelay $0x3  }
0x34: {  	[smem:$0x3FB5] =	sst s10  }
0x35: {  	s10 =	sld [smem:$0x3FB4];
	_ =	sdelay $0x3  }
0x36: {  	p1 =	seq.s32 s10, $0x1;
	s10 =	sld [smem:$0x3FB5];
	_ =	sdelay $0x3  }
0x37: {  	[smem:$0x3FB5] =	sst s10  }
0x38: {  	s10 =	sld [smem:$0x3FB6]  }
0x39: {  	_ = 	snop;
	(pc) =	sbr.ind lr, $3  }
0x3a: {  	_ = 	snop  }
0x3b: {  	_ = 	snop  }
0x3c: {  	p2 =	seq.s32 s10, $0x1;
	s10 =	sld [smem:$0x3FB5]  }
0x3d: {  	_ =	shalt  }
0x3e: {  	_ =	shalt  }
0x3f: {  	_ =	shalt  }
0x40: {  	_ =	shalt  }
0x41: {  	_ =	shalt  }
0x42: {  	_ =	shalt  }
0x43: {  	_ =	shalt  }
0x44: {  	_ =	shalt  }
0x45: {  	_ =	shalt  }
0x46: {  	_ =	shalt  }
0x47: {  	_ =	shalt  }
0x48: {  	_ =	shalt  }
0x49: {  	_ =	shalt  }
0x4a: {  	_ =	shalt  }
0x4b: {  	_ =	shalt  }
0x4c: {  	_ =	shalt  }
0x4d: {  	_ =	shalt  }
0x4e: {  	_ =	shalt  }
0x4f: {  	_ =	shalt  }
0x50: {  	_ =	shalt  }
0x51: {  	_ =	shalt  }
0x52: {  	_ =	shalt  }
0x53: {  	_ =	shalt  }
0x54: {  	_ =	shalt  }
0x55: {  	_ =	shalt  }
0x56: {  	_ =	shalt  }
0x57: {  	_ =	shalt  }
0x58: {  	_ =	shalt  }
0x59: {  	_ =	shalt  }
0x5a: {  	_ =	shalt  }
0x5b: {  	_ =	shalt  }
0x5c: {  	_ =	shalt  }
0x5d: {  	_ =	shalt  }
0x5e: {  	_ =	shalt  }
0x5f: {  	_ =	shalt  }
0x60: {  	_ =	shalt  }
0x61: {  	_ =	shalt  }
0x62: {  	_ =	shalt  }
0x63: {  	_ =	shalt  }
0x64: {  	_ =	shalt  }
0x65: {  	_ =	shalt  }
0x66: {  	_ =	shalt  }
0x67: {  	_ =	shalt  }
0x68: {  	_ =	shalt  }
0x69: {  	_ =	shalt  }
0x6a: {  	_ =	shalt  }
0x6b: {  	_ =	shalt  }
0x6c: {  	_ =	shalt  }
0x6d: {  	_ =	shalt  }
0x6e: {  	_ =	shalt  }
0x6f: {  	_ =	shalt  }
0x70: {  	_ =	shalt  }
0x71: {  	_ =	shalt  }
0x72: {  	_ =	shalt  }
0x73: {  	_ =	shalt  }
0x74: {  	_ =	shalt  }
0x75: {  	_ =	shalt  }
0x76: {  	_ =	shalt  }
0x77: {  	_ =	shalt  }
0x78: {  	_ =	shalt  }
0x79: {  	_ =	shalt  }
0x7a: {  	_ =	shalt  }
0x7b: {  	_ =	shalt  }
0x7c: {  	_ =	shalt  }
0x7d: {  	_ =	shalt  }
0x7e: {  	_ =	shalt  }
0x7f: {  	_ =	shalt  }
0x80: {  	_ =	shalt  }
0x81: {  	_ =	shalt  }
0x82: {  	_ =	shalt  }
0x83: {  	_ =	shalt  }
0x84: {  	_ =	shalt  }
0x85: {  	_ =	shalt  }
0x86: {  	_ =	shalt  }
0x87: {  	_ =	shalt  }
.Lfunc_end0:
.L_simem_size_0:
called_computation.1_lowered:
.L_overlay_start_0:
0x88: {  	s2 =	sld [smem:$0x3FD9]  }
0x89: {  	s3 =	sld [smem:$0x3FFE];
	_ =	sdelay $0x1  }
0x8a: {  	s1 =	srdreg.scid  }
0x8b: {  	s0 =	sand.u32 $0x1, s1  }
0x8c: {  	s14 =	sshll.u32 s0, $0xA;
	s2 =	sadd.s32 s3, s2  }
0x8d: {  	s2 =	sadd.s32 s2, s14  }
0x8e: {  	[smem:$0x3FC1] =	sst s2  }
0x8f: {  	_ = 	snop  }
0x90: {  	s2 =	sld [smem:$0x3FD0];
	_ =	sdelay $0x2  }
0x91: {  	s15 =	simm.s32 $0xA;
	s4 =	simm.s32 $0x10  }
0x92: {  	[smem:s4], [sflag:s15] =	dma.local [hbm:s2], $0x1  }
0x93: {  	_ =	swait.eq [sflag:s15], $0x1  }
0x94: {  	[sflag:s15] =	ssyncset.done $0x0  }
0x95: {  	[sflag:s15] =	ssyncadd.s32 $0xFFFFFFFF  }
0x96: {  	s16 =	sld [smem:$0x10];
	(tm) =	ssettm $0x1  }
0x97: {  	s17 =	sld [smem:$0x3FFB];
	_ =	sdelay $0x3  }
0x98: {  	_ =	strace s17  }
0x99: {  	s3 =	sld [smem:$0x3FFC];
	_ =	sdelay $0x3  }
0x9a: {  	_ =	strace s3  }
0x9b: {  	s3 =	sld [smem:$0x3FFD];
	_ =	sdelay $0x3  }
0x9c: {  	_ =	strace s3  }
0x9d: {  	_ =	strace $0x8FFFFFFF  }
0x9e: {  	s18 =	sld [smem:$0x3FDB];
	_ =	sdelay $0x1  }
0x9f: {  	s19 =	simm.s32 $_scs_section_size  }
0xa0: {  	s5 =	simm.s32 $_size__tile_overlayer_lowered;
	s6 =	simm.s32 $_tile_overlayer_lowered  }
0xa1: {  	s22 =	simm.s32 $0x1BFF;
	s21 =	sshll.u32 s6, $0x1;
	s3 =	sadd.s32 s19, s18  }
0xa2: {  	s7 =	simm.s32 $0x0;
	s20 =	sshll.u32 s5, $0x1;
	s5 =	sadd.s32 s21, s3  }
0xa3: {  	[timem:s7], [sflag:s22] =	dma.local [hbm:s5], s20  }
0xa4: {  	_ =	swait.ge [sflag:s22], s20  }
0xa5: {  	s4 =	ssub.s32 $0x0, s20;
	[sflag:s22] =	ssyncset.done $0x0  }
0xa6: {  	[sflag:s22] =	ssyncadd.s32 s4;
	_ =	sdelay $0x1  }
0xa7: {  	s23 =	simm.s32 $0x1B8B  }
0xa8: {  	_ =	swait.ge [sflag:s23], $0x1  }
0xa9: {  	[sflag:s23] =	ssyncset.done $0x0  }
0xaa: {  	s25 =	simm.s32 $0x1B8E;
	s24 =	sld [smem:$0x3FFE];
	[sflag:s23] =	ssyncadd.s32 $0xFFFFFFFF  }
0xab: {  	s26 =	simm.s32 $execute0_lowered;
	[smem:$0x3FD2] =	sst s25  }
0xac: {  	s5 =	sshll.u32 s26, $0x1;
	_ =	strace $0x8000004D;
	[dreg:$0x1] =	wrdreg $0xFFFFFFFF  }
0xad: {  	s28 =	simm.s32 $_size_execute0_lowered;
	s3 =	sadd.s32 s3, s5;
	[dreg:$0x0] =	wrdreg $0x0  }
0xae: {  	s5 =	sshll.u32 s28, $0x1;
	[dreg:$0x2] =	wrdreg s3  }
0xaf: {  	[dreg:$0x3] =	wrdreg s5  }
0xb0: {  	[dreg:$0x4] =	wrdreg $0xC0  }
0xb1: {  	_ =	task [dreg:s7], $0x5FFFF  }
0xb2: {  	[dreg:$0x1] =	wrdreg $0xFFFFFFFF  }
0xb3: {  	[dreg:$0x0] =	wrdreg $0x60  }
0xb4: {  	[dreg:$0x2] =	wrdreg s24  }
0xb5: {  	[dreg:$0x3] =	wrdreg s16  }
0xb6: {  	[dreg:$0x4] =	wrdreg $0x9  }
0xb7: {  	_ =	task.clear_ibuf [dreg:s7], $0x5FFFF;
	_ =	strace $0x9000004D  }
0xb8: {  	s29 =	simm.s32 $0x9;
	_ =	strace $0x8000004F  }
0xb9: {  	_ =	swait.ge [sflag:s29], $0x1  }
0xba: {  	[sflag:s29] =	ssyncadd.s32 $0xFFFFFFFF  }
0xbb: {  	_ =	strace $0x9000004F  }
0xbc: {  	_ =	sfence  }
0xbd: {  	s30 =	sld [smem:$0x0];
	_ =	sdelay $0x2  }
0xbe: {  	s31 =	sshll.u32 s1, $0xD;
	s1 =	sshrl.u32 s1, $0x2  }
0xbf: {  	s3 =	sand.u32 $0x4000, s31;
	s1 =	sadd.s32 s1, s30  }
0xc0: {  	s0 =	sor.u32 s3, s0;
	s1 =	sshll.u32 s1, $0x11  }
0xc1: {  	s0 =	sor.u32 s1, s0  }
0xc2: {  	s0 =	sadd.s32 $0x8F2B, s0  }
0xc3: {  	[sflag:s0] =	ssyncadd.remote.s32 $0x1  }
0xc4: {  	_ =	sfence.sel $0xFFFF  }
0xc5: {  	[dreg:$0x0] =	wrdreg $0xFFFFFFFF;
	(pc) =	sbr.abs _section_cstart, $3  }
0xc6: {  	[dreg:$0x1] =	wrdreg $0xFFFFFFFF  }
0xc7: {  	_ =	task.clear_ibuf [dreg:s7], $0x2FFFF;
	_ =	strace $0x9FFFFFFF  }
0xc8: {  	(tm) =	ssettm $0x7FFFFFFF  }
0xc9: {  	_ =	shalt  }
tec
execute0_lowered:
.L_overlay_start_1:
0x0: {  	(tag) =	ssettag $0x1  }
0x1: {  	s0 =	rddreg [dreg:$0x0]  }
0x2: {  	s1 =	rddreg [dreg:$0x1]  }
0x3: {  	s3 =	srdreg.scid;
	s2 =	simm.s32 $0x0;
	s5 =	stileid.u32  }
0x4: {  	s10 =	simm.s32 $0x2;
	s12 =	simm.s32 $0x100;
	s25 =	simm.s32 $0x11100  }
0x5: {  	s28 =	simm.s32 $0x12100;
	s29 =	simm.s32 $0x12900;
	s30 =	simm.s32 $0x13100  }
0x6: {  	s31 =	simm.s32 $0x13900;
	s11 =	simm.s32 $0x15100;
	s13 =	simm.s32 $0x15900  }
0x7: {  	s14 =	simm.s32 $0x16100;
	s15 =	simm.s32 $0x16900;
	s16 =	simm.s32 $0x17100  }
0x8: {  	s17 =	simm.s32 $0x17900;
	s18 =	simm.s32 $0x1;
	s19 =	simm.s32 $0x0  }
0x9: {  	s3 =	sand.u32 $0x1, s3;
	[smem:$0x7FF] =	sst s2;
	s5 =	sshll.u32 s5, $0x3  }
0xa: {  	s4 =	sshll.u32 s3, $0x7;
	_ =	strace $0x8000004E;
	s26 =	ssub.s32 $0x2, s3  }
0xb: {  	s3 =	sadd.s32 $0xA00, s0;
	s5 =	sor.u32 s5, s4;
	s7 =	sshrl.u32 s26, $0x1  }
0xc: {  	s6 =	sadd.s32 s5, s0;
	s9 =	ssub.s32 s26, s7;
	s8 =	smul.u32 $0x300, s5  }
0xd: {  	v2 =	vlaneseq.u32;
	s7 =	sadd.s32 $0xC00, s0;
	s26 =	simm.s32 $0x11900;
	s4 =	sadd.s32 $0x800, s6  }
0xe: {  	vm0 =	vmmov $0xffff;
	v1 =	vshrl.u32 v2, $0x3;
	s5 =	sadd.s32 $0x900, s6;
	s6 =	sadd.s32 $0xB00, s0;
	s9 =	smax.u32 s9, $0x1  }
0xf: {  	v0 =	vand.u32 $0x7, v2;
	v2 =	vor.u32 $0x8, v2;
	v1 =	vmul.u32 $0x8, v1;
	s0 =	simm.s32 $0x14100;
	s8 =	sadd.s32 s1, s8;
	s1 =	simm.s32 $0x14900  }
.LBB2_1:
0x10: {  	[tilespmem:s2], [sflag:$0x2] =	stream.linear.gather [hbm4b:s4+s2], $0x40, $0x38;
	[tilespmem:$0x18100] =	vst v63  }
0x11: {  	_ =	swait.ge [sflag:s10], $0x40  }
0x12: {  	[sflag:s10] =	ssyncset.done $0x0  }
0x13: {  	s20 =	simm.s32 $0x80;
	[sflag:s10] =	ssyncadd.s32 $0xFFFFFFC0  }
0x14: {  	[tilespmem:s20], [sflag:$0x2] =	stream.linear.gather [hbm4b:s5+s2], $0x40, $0x38;
	[tilespmem:$0x18100] =	vst v63  }
0x15: {  	_ =	swait.ge [sflag:s10], $0x40  }
0x16: {  	[sflag:s10] =	ssyncset.done $0x0  }
0x17: {  	[sflag:s10] =	ssyncadd.s32 $0xFFFFFFC0  }
0x18: {  	v3 =	vld [tilespmem:$0x0];
	_ =	sdelay $0x4  }
0x19: {  	v4 =	vshrl.u32 v3, $0x3  }
0x1a: {  	v4 =	vmul.u32 $0x30, v4  }
0x1b: {  	v3 =	vand.u32 $0x7, v3  }
0x1c: {  	v3 =	vor.u32 v3, v4  }
0x1d: {  	v4 =	vperm.xlane v3, v0;
	_ =	sdelay $0x1  }
0x1e: {  	v4 =	vadd.s32 v1, v4;
	_ =	sdelay $0x3  }
0x1f: {  	v3 =	vperm.xlane v3, v2  }
0x20: {  	[tilespmem:s12], [sflag:$0x1] =	stream.indirect_vreg.gather [hbm4b:s3+s2], $0x80, v4, vm0, $0xb8;
	[tilespmem:$0x18100] =	vst v63  }
0x21: {  	s23 =	simm.s32 $0x900;
	v3 =	vadd.s32 v1, v3  }
0x22: {  	[tilespmem:s23], [sflag:$0x1] =	stream.indirect_vreg.gather [hbm4b:s6+s2], $0x80, v4, vm0, $0xb8;
	[tilespmem:$0x18100] =	vst v63  }
0x23: {  	s24 =	simm.s32 $0x1100  }
0x24: {  	[tilespmem:s24], [sflag:$0x1] =	stream.indirect_vreg.gather [hbm4b:s7+s2], $0x80, v4, vm0, $0xb8;
	[tilespmem:$0x18100] =	vst v63  }
0x25: {  	s21 =	simm.s32 $0x1900  }
0x26: {  	[tilespmem:s21], [sflag:$0x1] =	stream.indirect_vreg.gather [hbm4b:s3+s2], $0x80, v3, vm0, $0xb8;
	[tilespmem:$0x18100] =	vst v63  }
0x27: {  	s22 =	simm.s32 $0x2100  }
0x28: {  	[tilespmem:s22], [sflag:$0x1] =	stream.indirect_vreg.gather [hbm4b:s6+s2], $0x80, v3, vm0, $0xb8;
	[tilespmem:$0x18100] =	vst v63  }
0x29: {  	s23 =	simm.s32 $0x2900  }
0x2a: {  	[tilespmem:s23], [sflag:$0x1] =	stream.indirect_vreg.gather [hbm4b:s7+s2], $0x80, v3, vm0, $0xb8;
	[tilespmem:$0x18100] =	vst v63  }
0x2b: {  	v3 =	vld [tilespmem:$0x10];
	_ =	sdelay $0x4  }
0x2c: {  	v4 =	vshrl.u32 v3, $0x3  }
0x2d: {  	v4 =	vmul.u32 $0x30, v4  }
0x2e: {  	v3 =	vand.u32 $0x7, v3  }
0x2f: {  	v3 =	vor.u32 v3, v4  }
0x30: {  	v4 =	vperm.xlane v3, v0;
	_ =	sdelay $0x1  }
0x31: {  	v4 =	vadd.s32 v1, v4;
	_ =	sdelay $0x3  }
0x32: {  	s24 =	simm.s32 $0x3100;
	v3 =	vperm.xlane v3, v2  }
0x33: {  	[tilespmem:s24], [sflag:$0x1] =	stream.indirect_vreg.gather [hbm4b:s3+s2], $0x80, v4, vm0, $0xb8;
	[tilespmem:$0x18100] =	vst v63  }
0x34: {  	s21 =	simm.s32 $0x3900;
	v3 =	vadd.s32 v1, v3  }
0x35: {  	[tilespmem:s21], [sflag:$0x1] =	stream.indirect_vreg.gather [hbm4b:s6+s2], $0x80, v4, vm0, $0xb8;
	[tilespmem:$0x18100] =	vst v63  }
0x36: {  	s22 =	simm.s32 $0x4100  }
0x37: {  	[tilespmem:s22], [sflag:$0x1] =	stream.indirect_vreg.gather [hbm4b:s7+s2], $0x80, v4, vm0, $0xb8;
	[tilespmem:$0x18100] =	vst v63  }
0x38: {  	s23 =	simm.s32 $0x4900  }
0x39: {  	[tilespmem:s23], [sflag:$0x1] =	stream.indirect_vreg.gather [hbm4b:s3+s2], $0x80, v3, vm0, $0xb8;
	[tilespmem:$0x18100] =	vst v63  }
0x3a: {  	s24 =	simm.s32 $0x5100  }
0x3b: {  	[tilespmem:s24], [sflag:$0x1] =	stream.indirect_vreg.gather [hbm4b:s6+s2], $0x80, v3, vm0, $0xb8;
	[tilespmem:$0x18100] =	vst v63  }
0x3c: {  	s21 =	simm.s32 $0x5900  }
0x3d: {  	[tilespmem:s21], [sflag:$0x1] =	stream.indirect_vreg.gather [hbm4b:s7+s2], $0x80, v3, vm0, $0xb8;
	[tilespmem:$0x18100] =	vst v63  }
0x3e: {  	v3 =	vld [tilespmem:$0x20];
	_ =	sdelay $0x4  }
0x3f: {  	v4 =	vshrl.u32 v3, $0x3  }
0x40: {  	v4 =	vmul.u32 $0x30, v4  }
0x41: {  	v3 =	vand.u32 $0x7, v3  }
0x42: {  	v3 =	vor.u32 v3, v4  }
0x43: {  	v4 =	vperm.xlane v3, v0;
	_ =	sdelay $0x1  }
0x44: {  	v4 =	vadd.s32 v1, v4;
	_ =	sdelay $0x3  }
0x45: {  	s22 =	simm.s32 $0x6100;
	v3 =	vperm.xlane v3, v2  }
0x46: {  	[tilespmem:s22], [sflag:$0x1] =	stream.indirect_vreg.gather [hbm4b:s3+s2], $0x80, v4, vm0, $0xb8;
	[tilespmem:$0x18100] =	vst v63  }
0x47: {  	s23 =	simm.s32 $0x6900;
	v3 =	vadd.s32 v1, v3  }
0x48: {  	[tilespmem:s23], [sflag:$0x1] =	stream.indirect_vreg.gather [hbm4b:s6+s2], $0x80, v4, vm0, $0xb8;
	[tilespmem:$0x18100] =	vst v63  }
0x49: {  	s24 =	simm.s32 $0x7100  }
0x4a: {  	[tilespmem:s24], [sflag:$0x1] =	stream.indirect_vreg.gather [hbm4b:s7+s2], $0x80, v4, vm0, $0xb8;
	[tilespmem:$0x18100] =	vst v63  }
0x4b: {  	s21 =	simm.s32 $0x7900  }
0x4c: {  	[tilespmem:s21], [sflag:$0x1] =	stream.indirect_vreg.gather [hbm4b:s3+s2], $0x80, v3, vm0, $0xb8;
	[tilespmem:$0x18100] =	vst v63  }
0x4d: {  	s22 =	simm.s32 $0x8100  }
0x4e: {  	[tilespmem:s22], [sflag:$0x1] =	stream.indirect_vreg.gather [hbm4b:s6+s2], $0x80, v3, vm0, $0xb8;
	[tilespmem:$0x18100] =	vst v63  }
0x4f: {  	s23 =	simm.s32 $0x8900  }
0x50: {  	[tilespmem:s23], [sflag:$0x1] =	stream.indirect_vreg.gather [hbm4b:s7+s2], $0x80, v3, vm0, $0xb8;
	[tilespmem:$0x18100] =	vst v63  }
0x51: {  	v3 =	vld [tilespmem:$0x30];
	_ =	sdelay $0x4  }
0x52: {  	v4 =	vshrl.u32 v3, $0x3  }
0x53: {  	v4 =	vmul.u32 $0x30, v4  }
0x54: {  	v3 =	vand.u32 $0x7, v3  }
0x55: {  	v3 =	vor.u32 v3, v4  }
0x56: {  	v4 =	vperm.xlane v3, v0;
	_ =	sdelay $0x1  }
0x57: {  	v4 =	vadd.s32 v1, v4;
	_ =	sdelay $0x3  }
0x58: {  	s24 =	simm.s32 $0x9100;
	v3 =	vperm.xlane v3, v2  }
0x59: {  	[tilespmem:s24], [sflag:$0x1] =	stream.indirect_vreg.gather [hbm4b:s3+s2], $0x80, v4, vm0, $0xb8;
	[tilespmem:$0x18100] =	vst v63  }
0x5a: {  	s21 =	simm.s32 $0x9900;
	v3 =	vadd.s32 v1, v3  }
0x5b: {  	[tilespmem:s21], [sflag:$0x1] =	stream.indirect_vreg.gather [hbm4b:s6+s2], $0x80, v4, vm0, $0xb8;
	[tilespmem:$0x18100] =	vst v63  }
0x5c: {  	s22 =	simm.s32 $0xA100  }
0x5d: {  	[tilespmem:s22], [sflag:$0x1] =	stream.indirect_vreg.gather [hbm4b:s7+s2], $0x80, v4, vm0, $0xb8;
	[tilespmem:$0x18100] =	vst v63  }
0x5e: {  	s23 =	simm.s32 $0xA900  }
0x5f: {  	[tilespmem:s23], [sflag:$0x1] =	stream.indirect_vreg.gather [hbm4b:s3+s2], $0x80, v3, vm0, $0xb8;
	[tilespmem:$0x18100] =	vst v63  }
0x60: {  	s24 =	simm.s32 $0xB100  }
0x61: {  	[tilespmem:s24], [sflag:$0x1] =	stream.indirect_vreg.gather [hbm4b:s6+s2], $0x80, v3, vm0, $0xb8;
	[tilespmem:$0x18100] =	vst v63  }
0x62: {  	s21 =	simm.s32 $0xB900  }
0x63: {  	[tilespmem:s21], [sflag:$0x1] =	stream.indirect_vreg.gather [hbm4b:s7+s2], $0x80, v3, vm0, $0xb8;
	[tilespmem:$0x18100] =	vst v63  }
0x64: {  	v3 =	vld [tilespmem:$0x80];
	_ =	sdelay $0x4  }
0x65: {  	v4 =	vshrl.u32 v3, $0x3  }
0x66: {  	v4 =	vmul.u32 $0x30, v4  }
0x67: {  	v3 =	vand.u32 $0x7, v3  }
0x68: {  	v3 =	vor.u32 v3, v4  }
0x69: {  	v4 =	vperm.xlane v3, v0;
	_ =	sdelay $0x1  }
0x6a: {  	v4 =	vadd.s32 v1, v4;
	_ =	sdelay $0x3  }
0x6b: {  	s22 =	simm.s32 $0xC100;
	v3 =	vperm.xlane v3, v2  }
0x6c: {  	[tilespmem:s22], [sflag:$0x1] =	stream.indirect_vreg.gather [hbm4b:s3+s2], $0x80, v4, vm0, $0xb8;
	[tilespmem:$0x18100] =	vst v63  }
0x6d: {  	s23 =	simm.s32 $0xC900;
	v3 =	vadd.s32 v1, v3  }
0x6e: {  	[tilespmem:s23], [sflag:$0x1] =	stream.indirect_vreg.gather [hbm4b:s6+s2], $0x80, v4, vm0, $0xb8;
	[tilespmem:$0x18100] =	vst v63  }
0x6f: {  	s24 =	simm.s32 $0xD100  }
0x70: {  	[tilespmem:s24], [sflag:$0x1] =	stream.indirect_vreg.gather [hbm4b:s7+s2], $0x80, v4, vm0, $0xb8;
	[tilespmem:$0x18100] =	vst v63  }
0x71: {  	s21 =	simm.s32 $0xD900  }
0x72: {  	[tilespmem:s21], [sflag:$0x1] =	stream.indirect_vreg.gather [hbm4b:s3+s2], $0x80, v3, vm0, $0xb8;
	[tilespmem:$0x18100] =	vst v63  }
0x73: {  	s22 =	simm.s32 $0xE100  }
0x74: {  	[tilespmem:s22], [sflag:$0x1] =	stream.indirect_vreg.gather [hbm4b:s6+s2], $0x80, v3, vm0, $0xb8;
	[tilespmem:$0x18100] =	vst v63  }
0x75: {  	s23 =	simm.s32 $0xE900  }
0x76: {  	[tilespmem:s23], [sflag:$0x1] =	stream.indirect_vreg.gather [hbm4b:s7+s2], $0x80, v3, vm0, $0xb8;
	[tilespmem:$0x18100] =	vst v63  }
0x77: {  	v3 =	vld [tilespmem:$0x90];
	_ =	sdelay $0x4  }
0x78: {  	v4 =	vshrl.u32 v3, $0x3  }
0x79: {  	v4 =	vmul.u32 $0x30, v4  }
0x7a: {  	v3 =	vand.u32 $0x7, v3  }
0x7b: {  	v3 =	vor.u32 v3, v4  }
0x7c: {  	v4 =	vperm.xlane v3, v0;
	_ =	sdelay $0x1  }
0x7d: {  	v4 =	vadd.s32 v1, v4;
	_ =	sdelay $0x3  }
0x7e: {  	s24 =	simm.s32 $0xF100;
	v3 =	vperm.xlane v3, v2  }
0x7f: {  	[tilespmem:s24], [sflag:$0x1] =	stream.indirect_vreg.gather [hbm4b:s3+s2], $0x80, v4, vm0, $0xb8;
	[tilespmem:$0x18100] =	vst v63  }
0x80: {  	s21 =	simm.s32 $0xF900;
	v3 =	vadd.s32 v1, v3  }
0x81: {  	[tilespmem:s21], [sflag:$0x1] =	stream.indirect_vreg.gather [hbm4b:s6+s2], $0x80, v4, vm0, $0xb8;
	[tilespmem:$0x18100] =	vst v63  }
0x82: {  	s22 =	simm.s32 $0x10100  }
0x83: {  	[tilespmem:s22], [sflag:$0x1] =	stream.indirect_vreg.gather [hbm4b:s7+s2], $0x80, v4, vm0, $0xb8;
	[tilespmem:$0x18100] =	vst v63  }
0x84: {  	s23 =	simm.s32 $0x10900  }
0x85: {  	[tilespmem:s23], [sflag:$0x1] =	stream.indirect_vreg.gather [hbm4b:s3+s2], $0x80, v3, vm0, $0xb8;
	[tilespmem:$0x18100] =	vst v63  }
0x86: {  	_ = 	snop  }
0x87: {  	[tilespmem:s25], [sflag:$0x1] =	stream.indirect_vreg.gather [hbm4b:s6+s2], $0x80, v3, vm0, $0xb8;
	[tilespmem:$0x18100] =	vst v63  }
0x88: {  	_ = 	snop  }
0x89: {  	[tilespmem:s26], [sflag:$0x1] =	stream.indirect_vreg.gather [hbm4b:s7+s2], $0x80, v3, vm0, $0xb8;
	[tilespmem:$0x18100] =	vst v63  }
0x8a: {  	v3 =	vld [tilespmem:$0xA0];
	_ =	sdelay $0x4  }
0x8b: {  	v4 =	vshrl.u32 v3, $0x3  }
0x8c: {  	v4 =	vmul.u32 $0x30, v4  }
0x8d: {  	v3 =	vand.u32 $0x7, v3  }
0x8e: {  	v3 =	vor.u32 v3, v4  }
0x8f: {  	v4 =	vperm.xlane v3, v0;
	_ =	sdelay $0x1  }
0x90: {  	v4 =	vadd.s32 v1, v4;
	_ =	sdelay $0x3  }
0x91: {  	v3 =	vperm.xlane v3, v2  }
0x92: {  	[tilespmem:s28], [sflag:$0x1] =	stream.indirect_vreg.gather [hbm4b:s3+s2], $0x80, v4, vm0, $0xb8;
	[tilespmem:$0x18100] =	vst v63  }
0x93: {  	v3 =	vadd.s32 v1, v3  }
0x94: {  	[tilespmem:s29], [sflag:$0x1] =	stream.indirect_vreg.gather [hbm4b:s6+s2], $0x80, v4, vm0, $0xb8;
	[tilespmem:$0x18100] =	vst v63  }
0x95: {  	_ = 	snop  }
0x96: {  	[tilespmem:s30], [sflag:$0x1] =	stream.indirect_vreg.gather [hbm4b:s7+s2], $0x80, v4, vm0, $0xb8;
	[tilespmem:$0x18100] =	vst v63  }
0x97: {  	_ = 	snop  }
0x98: {  	[tilespmem:s31], [sflag:$0x1] =	stream.indirect_vreg.gather [hbm4b:s3+s2], $0x80, v3, vm0, $0xb8;
	[tilespmem:$0x18100] =	vst v63  }
0x99: {  	_ = 	snop  }
0x9a: {  	[tilespmem:s0], [sflag:$0x1] =	stream.indirect_vreg.gather [hbm4b:s6+s2], $0x80, v3, vm0, $0xb8;
	[tilespmem:$0x18100] =	vst v63  }
0x9b: {  	_ = 	snop  }
0x9c: {  	[tilespmem:s1], [sflag:$0x1] =	stream.indirect_vreg.gather [hbm4b:s7+s2], $0x80, v3, vm0, $0xb8;
	[tilespmem:$0x18100] =	vst v63  }
0x9d: {  	v3 =	vld [tilespmem:$0xB0];
	_ =	sdelay $0x4  }
0x9e: {  	v4 =	vshrl.u32 v3, $0x3  }
0x9f: {  	v4 =	vmul.u32 $0x30, v4  }
0xa0: {  	v3 =	vand.u32 $0x7, v3  }
0xa1: {  	v3 =	vor.u32 v3, v4  }
0xa2: {  	v4 =	vperm.xlane v3, v0;
	_ =	sdelay $0x1  }
0xa3: {  	v4 =	vadd.s32 v1, v4;
	_ =	sdelay $0x3  }
0xa4: {  	v3 =	vperm.xlane v3, v2  }
0xa5: {  	[tilespmem:s11], [sflag:$0x1] =	stream.indirect_vreg.gather [hbm4b:s3+s2], $0x80, v4, vm0, $0xb8;
	[tilespmem:$0x18100] =	vst v63  }
0xa6: {  	v3 =	vadd.s32 v1, v3  }
0xa7: {  	[tilespmem:s13], [sflag:$0x1] =	stream.indirect_vreg.gather [hbm4b:s6+s2], $0x80, v4, vm0, $0xb8;
	[tilespmem:$0x18100] =	vst v63  }
0xa8: {  	_ = 	snop  }
0xa9: {  	[tilespmem:s14], [sflag:$0x1] =	stream.indirect_vreg.gather [hbm4b:s7+s2], $0x80, v4, vm0, $0xb8;
	[tilespmem:$0x18100] =	vst v63  }
0xaa: {  	_ = 	snop  }
0xab: {  	[tilespmem:s15], [sflag:$0x1] =	stream.indirect_vreg.gather [hbm4b:s3+s2], $0x80, v3, vm0, $0xb8;
	[tilespmem:$0x18100] =	vst v63  }
0xac: {  	_ = 	snop  }
0xad: {  	[tilespmem:s16], [sflag:$0x1] =	stream.indirect_vreg.gather [hbm4b:s6+s2], $0x80, v3, vm0, $0xb8;
	[tilespmem:$0x18100] =	vst v63  }
0xae: {  	_ = 	snop  }
0xaf: {  	[tilespmem:s17], [sflag:$0x1] =	stream.indirect_vreg.gather [hbm4b:s7+s2], $0x80, v3, vm0, $0xb8;
	[tilespmem:$0x18100] =	vst v63  }
0xb0: {  	_ =	swait.ge [sflag:s18], $0xC000  }
0xb1: {  	[sflag:s18] =	ssyncset.done $0x0  }
0xb2: {  	s24 =	simm.s32 $0x0;
	[sflag:s18] =	ssyncadd.s32 $0xFFFF4000  }
0xb3: {  	s20 =	smul.u32 $0x1800, s24;
	_ =	swait.ge [sflag:s18], $0xC000  }
0xb4: {  	s21 =	sand.u32 $0x380, s2;
	[sflag:s18] =	ssyncset.done $0x0  }
0xb5: {  	s20 =	sor.u32 s21, s20;
	[sflag:s18] =	ssyncadd.s32 $0xFFFF4000  }
0xb6: {  	v12 =	vld [tilespmem:s20+$0xC100]  }
0xb7: {  	v13 =	vld [tilespmem:s20+$0xC110]  }
0xb8: {  	v14 =	vld [tilespmem:s20+$0xC120]  }
0xb9: {  	v15 =	vld [tilespmem:s20+$0xC130]  }
0xba: {  	v16 =	vld [tilespmem:s20+$0xC140]  }
0xbb: {  	v17 =	vld [tilespmem:s20+$0xC150]  }
0xbc: {  	v18 =	vld [tilespmem:s20+$0xC160]  }
0xbd: {  	v19 =	vld [tilespmem:s20+$0xC170]  }
0xbe: {  	v20 =	vld [tilespmem:s20+$0xC500]  }
0xbf: {  	v21 =	vld [tilespmem:s20+$0xC510]  }
0xc0: {  	v22 =	vld [tilespmem:s20+$0xC520]  }
0xc1: {  	v23 =	vld [tilespmem:s20+$0xC530]  }
0xc2: {  	v24 =	vld [tilespmem:s20+$0xC540]  }
0xc3: {  	v25 =	vld [tilespmem:s20+$0xC550]  }
0xc4: {  	v26 =	vld [tilespmem:s20+$0xC560]  }
0xc5: {  	v27 =	vld [tilespmem:s20+$0xC570]  }
0xc6: {  	v28 =	vld [tilespmem:s20+$0xC900]  }
0xc7: {  	v29 =	vld [tilespmem:s20+$0xC910]  }
0xc8: {  	v30 =	vld [tilespmem:s20+$0xC920]  }
0xc9: {  	v31 =	vld [tilespmem:s20+$0xC930]  }
0xca: {  	v32 =	vld [tilespmem:s20+$0xC940]  }
0xcb: {  	v33 =	vld [tilespmem:s20+$0xC950]  }
0xcc: {  	v34 =	vld [tilespmem:s20+$0xC960]  }
0xcd: {  	v35 =	vld [tilespmem:s20+$0xC970]  }
0xce: {  	v36 =	vld [tilespmem:s20+$0xCD00]  }
0xcf: {  	v37 =	vld [tilespmem:s20+$0xCD10]  }
0xd0: {  	v38 =	vld [tilespmem:s20+$0xCD20]  }
0xd1: {  	v39 =	vld [tilespmem:s20+$0xCD30]  }
0xd2: {  	v40 =	vld [tilespmem:s20+$0xCD40]  }
0xd3: {  	v41 =	vld [tilespmem:s20+$0xCD50]  }
0xd4: {  	v42 =	vld [tilespmem:s20+$0xCD60]  }
0xd5: {  	v43 =	vld [tilespmem:s20+$0xCD70]  }
0xd6: {  	v44 =	vld [tilespmem:s20+$0xD100]  }
0xd7: {  	v45 =	vld [tilespmem:s20+$0xD110]  }
0xd8: {  	v46 =	vld [tilespmem:s20+$0xD120]  }
0xd9: {  	v47 =	vld [tilespmem:s20+$0xD130]  }
0xda: {  	v48 =	vld [tilespmem:s20+$0xD140]  }
0xdb: {  	v49 =	vld [tilespmem:s20+$0xD150]  }
0xdc: {  	v50 =	vld [tilespmem:s20+$0xD160]  }
0xdd: {  	v11 =	vld [tilespmem:s20+$0xD170]  }
0xde: {  	v10 =	vld [tilespmem:s20+$0xD500]  }
0xdf: {  	v9 =	vld [tilespmem:s20+$0xD510]  }
0xe0: {  	v8 =	vld [tilespmem:s20+$0xD520]  }
0xe1: {  	v7 =	vld [tilespmem:s20+$0xD530]  }
0xe2: {  	v6 =	vld [tilespmem:s20+$0xD540]  }
0xe3: {  	v51 =	vld [tilespmem:s20+$0x100]  }
0xe4: {  	v52 =	vld [tilespmem:s20+$0x110]  }
0xe5: {  	v53 =	vld [tilespmem:s20+$0x120]  }
0xe6: {  	v54 =	vld [tilespmem:s20+$0x130]  }
0xe7: {  	v55 =	vld [tilespmem:s20+$0x140]  }
0xe8: {  	v62 =	vld [tilespmem:s20+$0x150];
	v12 =	vadd.f32 v12, v51  }
0xe9: {  	v63 =	vld [tilespmem:s20+$0x160];
	v13 =	vadd.f32 v13, v52  }
0xea: {  	[tilespmem:s20+$0x100] =	vst v12;
	v12 =	vadd.f32 v14, v53;
	v14 =	vld [tilespmem:s20+$0x170]  }
0xeb: {  	[tilespmem:s20+$0x110] =	vst v13;
	v13 =	vadd.f32 v15, v54;
	v15 =	vld [tilespmem:s20+$0x500]  }
0xec: {  	[tilespmem:s20+$0x120] =	vst v12;
	v12 =	vadd.f32 v16, v55;
	v16 =	vld [tilespmem:s20+$0x510]  }
0xed: {  	[tilespmem:s20+$0x130] =	vst v13;
	v13 =	vadd.f32 v17, v62;
	v17 =	vld [tilespmem:s20+$0x520]  }
0xee: {  	v5 =	vld [tilespmem:s20+$0xD550]  }
0xef: {  	[tilespmem:s20+$0x140] =	vst v12;
	v12 =	vadd.f32 v18, v63;
	v18 =	vld [tilespmem:s20+$0x570]  }
0xf0: {  	[tilespmem:s20+$0x150] =	vst v13;
	v13 =	vadd.f32 v19, v14;
	v14 =	vld [tilespmem:s20+$0x530]  }
0xf1: {  	[tilespmem:s20+$0x160] =	vst v12;
	v12 =	vadd.f32 v20, v15;
	v15 =	vld [tilespmem:s20+$0x540]  }
0xf2: {  	[tilespmem:s20+$0x170] =	vst v13;
	v13 =	vadd.f32 v21, v16;
	v16 =	vadd.f32 v22, v17;
	v17 =	vld [tilespmem:s20+$0x560]  }
0xf3: {  	[tilespmem:s20+$0x500] =	vst v12;
	v12 =	vld [tilespmem:s20+$0x550]  }
0xf4: {  	[tilespmem:s20+$0x510] =	vst v13;
	v13 =	vld [tilespmem:s20+$0x900];
	v18 =	vadd.f32 v27, v18  }
0xf5: {  	[tilespmem:s20+$0x520] =	vst v16;
	v16 =	vld [tilespmem:s20+$0x910];
	v14 =	vadd.f32 v23, v14  }
0xf6: {  	v4 =	vld [tilespmem:s20+$0xD560];
	v15 =	vadd.f32 v24, v15;
	[tilespmem:s20+$0x570] =	vst v18  }
0xf7: {  	[tilespmem:s20+$0x530] =	vst v14;
	v14 =	vld [tilespmem:s20+$0x920];
	v17 =	vadd.f32 v26, v17  }
0xf8: {  	v12 =	vadd.f32 v25, v12;
	[tilespmem:s20+$0x540] =	vst v15;
	v15 =	vld [tilespmem:s20+$0x930]  }
0xf9: {  	v18 =	vld [tilespmem:s20+$0x970];
	[tilespmem:s20+$0x560] =	vst v17;
	v13 =	vadd.f32 v28, v13  }
0xfa: {  	v16 =	vadd.f32 v29, v16;
	[tilespmem:s20+$0x550] =	vst v12;
	v12 =	vld [tilespmem:s20+$0x940]  }
0xfb: {  	v17 =	vld [tilespmem:s20+$0x950];
	[tilespmem:s20+$0x900] =	vst v13  }
0xfc: {  	[tilespmem:s20+$0x910] =	vst v16;
	v16 =	vld [tilespmem:s20+$0x960];
	v13 =	vadd.f32 v30, v14  }
0xfd: {  	v14 =	vld [tilespmem:s20+$0xD00];
	v15 =	vadd.f32 v31, v15  }
0xfe: {  	[tilespmem:s20+$0x920] =	vst v13;
	v13 =	vld [tilespmem:s20+$0xD10]  }
0xff: {  	v12 =	vadd.f32 v32, v12;
	[tilespmem:s20+$0x930] =	vst v15;
	v15 =	vld [tilespmem:s20+$0xD20]  }
0x100: {  	v3 =	vld [tilespmem:s20+$0xD570];
	v17 =	vadd.f32 v33, v17  }
0x101: {  	v16 =	vadd.f32 v34, v16;
	[tilespmem:s20+$0x940] =	vst v12;
	v12 =	vld [tilespmem:s20+$0xD30]  }
0x102: {  	[tilespmem:s20+$0x950] =	vst v17;
	v17 =	vld [tilespmem:s20+$0xD40];
	v14 =	vadd.f32 v36, v14  }
0x103: {  	v18 =	vadd.f32 v35, v18;
	[tilespmem:s20+$0x960] =	vst v16;
	v16 =	vld [tilespmem:s20+$0xD50]  }
0x104: {  	v13 =	vadd.f32 v37, v13;
	[tilespmem:s20+$0xD00] =	vst v14;
	v14 =	vadd.f32 v38, v15;
	v15 =	vld [tilespmem:s20+$0xD60]  }
0x105: {  	[tilespmem:s20+$0x970] =	vst v18;
	v18 =	vld [tilespmem:s20+$0xD70]  }
0x106: {  	[tilespmem:s20+$0xD10] =	vst v13;
	v13 =	vld [tilespmem:s20+$0x1100];
	v12 =	vadd.f32 v39, v12  }
0x107: {  	v17 =	vadd.f32 v40, v17;
	[tilespmem:s20+$0xD20] =	vst v14;
	v14 =	vld [tilespmem:s20+$0x1110]  }
0x108: {  	v16 =	vadd.f32 v41, v16;
	[tilespmem:s20+$0xD30] =	vst v12;
	v12 =	vld [tilespmem:s20+$0x1120]  }
0x109: {  	[tilespmem:s20+$0xD40] =	vst v17;
	v17 =	vld [tilespmem:s20+$0x1130];
	v15 =	vadd.f32 v42, v15  }
0x10a: {  	v19 =	vld [tilespmem:s20+$0x1140];
	[tilespmem:s20+$0xD50] =	vst v16;
	v16 =	vadd.f32 v43, v18  }
0x10b: {  	v18 =	vld [tilespmem:s20+$0x1150];
	v13 =	vadd.f32 v44, v13;
	[tilespmem:s20+$0xD60] =	vst v15  }
0x10c: {  	v20 =	vld [tilespmem:s20+$0x1160];
	[tilespmem:s20+$0xD70] =	vst v16;
	v14 =	vadd.f32 v45, v14  }
0x10d: {  	v16 =	vld [tilespmem:s20+$0x1170];
	[tilespmem:s20+$0x1100] =	vst v13;
	v12 =	vadd.f32 v46, v12  }
0x10e: {  	v15 =	vld [tilespmem:s20+$0x1500];
	v13 =	vadd.f32 v47, v17;
	[tilespmem:s20+$0x1110] =	vst v14  }
0x10f: {  	v14 =	vld [tilespmem:s20+$0x1510];
	[tilespmem:s20+$0x1120] =	vst v12;
	v12 =	vadd.f32 v48, v19  }
0x110: {  	[tilespmem:s20+$0x1130] =	vst v13;
	v13 =	vld [tilespmem:s20+$0x1520];
	v18 =	vadd.f32 v49, v18  }
0x111: {  	s21 =	simm.s32 $0x1;
	s22 =	simm.s32 $0x0;
	v17 =	vadd.f32 v50, v20;
	[tilespmem:s20+$0x1140] =	vst v12;
	v12 =	vld [tilespmem:s20+$0x1530]  }
.LBB2_2:
0x112: {  	s23 =	sshrl.u32 s21, $0x3;
	p0 =	sne.s32 s21, $0x3F;
	[tilespmem:s20+$0x1150] =	vst v18;
	v11 =	vadd.f32 v11, v16;
	v16 =	vld [tilespmem:s20+$0x1540]  }
0x113: {  	s22 =	sadd.s32 $0x80, s22;
	s23 =	smul.u32 $0x1800, s23;
	[tilespmem:s20+$0x1160] =	vst v17;
	v10 =	vadd.f32 v10, v15;
	v15 =	vld [tilespmem:s20+$0x1550]  }
0x114: {  	s24 =	sand.u32 $0x380, s22;
	[tilespmem:s20+$0x1170] =	vst v11;
	v9 =	vadd.f32 v9, v14;
	v11 =	vld [tilespmem:s20+$0x1560]  }
0x115: {  	s23 =	sor.u32 s24, s23;
	[tilespmem:s20+$0x1500] =	vst v10;
	v8 =	vadd.f32 v8, v13;
	v10 =	vld [tilespmem:s20+$0x1570]  }
0x116: {  	v39 =	vld [tilespmem:s23+$0xC100];
	[tilespmem:s20+$0x1510] =	vst v9;
	v7 =	vadd.f32 v7, v12  }
0x117: {  	v40 =	vld [tilespmem:s23+$0xC110];
	[tilespmem:s20+$0x1520] =	vst v8;
	v6 =	vadd.f32 v6, v16  }
0x118: {  	v41 =	vld [tilespmem:s23+$0xC120];
	[tilespmem:s20+$0x1530] =	vst v7;
	v5 =	vadd.f32 v5, v15  }
0x119: {  	v42 =	vld [tilespmem:s23+$0xC130];
	[tilespmem:s20+$0x1540] =	vst v6;
	v4 =	vadd.f32 v4, v11  }
0x11a: {  	v43 =	vld [tilespmem:s23+$0xC140];
	[tilespmem:s20+$0x1550] =	vst v5;
	v3 =	vadd.f32 v3, v10  }
0x11b: {  	v44 =	vld [tilespmem:s23+$0xC150];
	[tilespmem:s20+$0x1560] =	vst v4  }
0x11c: {  	v45 =	vld [tilespmem:s23+$0xC160];
	[tilespmem:s20+$0x1570] =	vst v3;
	s20 =	smov.u32 s23  }
0x11d: {  	v46 =	vld [tilespmem:s20+$0xC170]  }
0x11e: {  	v47 =	vld [tilespmem:s20+$0xC500]  }
0x11f: {  	v48 =	vld [tilespmem:s20+$0xC510]  }
0x120: {  	v49 =	vld [tilespmem:s20+$0xC520]  }
0x121: {  	v50 =	vld [tilespmem:s20+$0xC530]  }
0x122: {  	v38 =	vld [tilespmem:s20+$0xC540]  }
0x123: {  	v37 =	vld [tilespmem:s20+$0xC550]  }
0x124: {  	v36 =	vld [tilespmem:s20+$0xC560]  }
0x125: {  	v35 =	vld [tilespmem:s20+$0xC570]  }
0x126: {  	v34 =	vld [tilespmem:s20+$0xC900]  }
0x127: {  	v33 =	vld [tilespmem:s20+$0xC910]  }
0x128: {  	v32 =	vld [tilespmem:s20+$0xC920]  }
0x129: {  	v31 =	vld [tilespmem:s20+$0xC930]  }
0x12a: {  	v30 =	vld [tilespmem:s20+$0xC940]  }
0x12b: {  	v29 =	vld [tilespmem:s20+$0xC950]  }
0x12c: {  	v28 =	vld [tilespmem:s20+$0xC960]  }
0x12d: {  	v27 =	vld [tilespmem:s20+$0xC970]  }
0x12e: {  	v26 =	vld [tilespmem:s20+$0xCD00]  }
0x12f: {  	v25 =	vld [tilespmem:s20+$0xCD10]  }
0x130: {  	v24 =	vld [tilespmem:s20+$0xCD20]  }
0x131: {  	v23 =	vld [tilespmem:s20+$0xCD30]  }
0x132: {  	v22 =	vld [tilespmem:s20+$0xCD40]  }
0x133: {  	v21 =	vld [tilespmem:s20+$0xCD50]  }
0x134: {  	v20 =	vld [tilespmem:s20+$0xCD60]  }
0x135: {  	v19 =	vld [tilespmem:s20+$0xCD70]  }
0x136: {  	v18 =	vld [tilespmem:s20+$0xD100]  }
0x137: {  	v17 =	vld [tilespmem:s20+$0xD110]  }
0x138: {  	v16 =	vld [tilespmem:s20+$0xD120]  }
0x139: {  	v15 =	vld [tilespmem:s20+$0xD130]  }
0x13a: {  	v14 =	vld [tilespmem:s20+$0xD140]  }
0x13b: {  	v13 =	vld [tilespmem:s20+$0xD150]  }
0x13c: {  	v12 =	vld [tilespmem:s20+$0xD160]  }
0x13d: {  	v11 =	vld [tilespmem:s20+$0xD170]  }
0x13e: {  	v10 =	vld [tilespmem:s20+$0xD500]  }
0x13f: {  	v9 =	vld [tilespmem:s20+$0xD510]  }
0x140: {  	v8 =	vld [tilespmem:s20+$0xD520]  }
0x141: {  	v7 =	vld [tilespmem:s20+$0xD530]  }
0x142: {  	v6 =	vld [tilespmem:s20+$0xD540]  }
0x143: {  	v5 =	vld [tilespmem:s20+$0xD550]  }
0x144: {  	v4 =	vld [tilespmem:s20+$0xD560]  }
0x145: {  	v3 =	vld [tilespmem:s20+$0xD570]  }
0x146: {  	v51 =	vld [tilespmem:s20+$0x100]  }
0x147: {  	v52 =	vld [tilespmem:s20+$0x110]  }
0x148: {  	v53 =	vld [tilespmem:s20+$0x120]  }
0x149: {  	v54 =	vld [tilespmem:s20+$0x130]  }
0x14a: {  	v55 =	vld [tilespmem:s20+$0x140]  }
0x14b: {  	v39 =	vadd.f32 v39, v51;
	v51 =	vld [tilespmem:s20+$0x150]  }
0x14c: {  	v40 =	vadd.f32 v40, v52;
	v52 =	vld [tilespmem:s20+$0x160]  }
0x14d: {  	[tilespmem:s20+$0x100] =	vst v39;
	v39 =	vadd.f32 v41, v53;
	v41 =	vld [tilespmem:s20+$0x170]  }
0x14e: {  	[tilespmem:s20+$0x110] =	vst v40;
	v40 =	vadd.f32 v42, v54;
	v42 =	vld [tilespmem:s20+$0x500]  }
0x14f: {  	[tilespmem:s20+$0x120] =	vst v39;
	v39 =	vadd.f32 v43, v55;
	v43 =	vld [tilespmem:s20+$0x510]  }
0x150: {  	[tilespmem:s20+$0x130] =	vst v40;
	v40 =	vadd.f32 v44, v51;
	v44 =	vld [tilespmem:s20+$0x520]  }
0x151: {  	[tilespmem:s20+$0x140] =	vst v39;
	v39 =	vadd.f32 v45, v52;
	v45 =	vld [tilespmem:s20+$0x530]  }
0x152: {  	[tilespmem:s20+$0x150] =	vst v40;
	v40 =	vadd.f32 v46, v41;
	v41 =	vld [tilespmem:s20+$0x540]  }
0x153: {  	[tilespmem:s20+$0x160] =	vst v39;
	v39 =	vadd.f32 v47, v42;
	v42 =	vld [tilespmem:s20+$0x550]  }
0x154: {  	[tilespmem:s20+$0x170] =	vst v40;
	v40 =	vadd.f32 v48, v43;
	v43 =	vld [tilespmem:s20+$0x560]  }
0x155: {  	[tilespmem:s20+$0x500] =	vst v39;
	v39 =	vadd.f32 v49, v44;
	v44 =	vld [tilespmem:s20+$0x570]  }
0x156: {  	[tilespmem:s20+$0x510] =	vst v40;
	v40 =	vadd.f32 v50, v45;
	v45 =	vld [tilespmem:s20+$0x900]  }
0x157: {  	[tilespmem:s20+$0x520] =	vst v39;
	v38 =	vadd.f32 v38, v41;
	v39 =	vld [tilespmem:s20+$0x910]  }
0x158: {  	[tilespmem:s20+$0x530] =	vst v40;
	v37 =	vadd.f32 v37, v42;
	v40 =	vld [tilespmem:s20+$0x920]  }
0x159: {  	[tilespmem:s20+$0x540] =	vst v38;
	v36 =	vadd.f32 v36, v43;
	v38 =	vld [tilespmem:s20+$0x930]  }
0x15a: {  	[tilespmem:s20+$0x550] =	vst v37;
	v35 =	vadd.f32 v35, v44;
	v37 =	vld [tilespmem:s20+$0x940]  }
0x15b: {  	[tilespmem:s20+$0x560] =	vst v36;
	v34 =	vadd.f32 v34, v45;
	v36 =	vld [tilespmem:s20+$0x950]  }
0x15c: {  	[tilespmem:s20+$0x570] =	vst v35;
	v33 =	vadd.f32 v33, v39;
	v35 =	vld [tilespmem:s20+$0x960]  }
0x15d: {  	[tilespmem:s20+$0x900] =	vst v34;
	v32 =	vadd.f32 v32, v40;
	v34 =	vld [tilespmem:s20+$0x970]  }
0x15e: {  	[tilespmem:s20+$0x910] =	vst v33;
	v31 =	vadd.f32 v31, v38;
	v33 =	vld [tilespmem:s20+$0xD00]  }
0x15f: {  	[tilespmem:s20+$0x920] =	vst v32;
	v30 =	vadd.f32 v30, v37;
	v32 =	vld [tilespmem:s20+$0xD10]  }
0x160: {  	[tilespmem:s20+$0x930] =	vst v31;
	v29 =	vadd.f32 v29, v36;
	v31 =	vld [tilespmem:s20+$0xD20]  }
0x161: {  	[tilespmem:s20+$0x940] =	vst v30;
	v28 =	vadd.f32 v28, v35;
	v30 =	vld [tilespmem:s20+$0xD30]  }
0x162: {  	[tilespmem:s20+$0x950] =	vst v29;
	v27 =	vadd.f32 v27, v34;
	v29 =	vld [tilespmem:s20+$0xD40]  }
0x163: {  	[tilespmem:s20+$0x960] =	vst v28;
	v26 =	vadd.f32 v26, v33;
	v28 =	vld [tilespmem:s20+$0xD50]  }
0x164: {  	[tilespmem:s20+$0x970] =	vst v27;
	v25 =	vadd.f32 v25, v32;
	v27 =	vld [tilespmem:s20+$0xD60]  }
0x165: {  	[tilespmem:s20+$0xD00] =	vst v26;
	v24 =	vadd.f32 v24, v31;
	v26 =	vld [tilespmem:s20+$0xD70]  }
0x166: {  	[tilespmem:s20+$0xD10] =	vst v25;
	v23 =	vadd.f32 v23, v30;
	v25 =	vld [tilespmem:s20+$0x1100]  }
0x167: {  	[tilespmem:s20+$0xD20] =	vst v24;
	v22 =	vadd.f32 v22, v29;
	v24 =	vld [tilespmem:s20+$0x1110]  }
0x168: {  	[tilespmem:s20+$0xD30] =	vst v23;
	v21 =	vadd.f32 v21, v28;
	v23 =	vld [tilespmem:s20+$0x1120]  }
0x169: {  	[tilespmem:s20+$0xD40] =	vst v22;
	v20 =	vadd.f32 v20, v27;
	v22 =	vld [tilespmem:s20+$0x1130]  }
0x16a: {  	[tilespmem:s20+$0xD50] =	vst v21;
	v19 =	vadd.f32 v19, v26;
	v21 =	vld [tilespmem:s20+$0x1140]  }
0x16b: {  	[tilespmem:s20+$0xD60] =	vst v20;
	v18 =	vadd.f32 v18, v25;
	v20 =	vld [tilespmem:s20+$0x1150]  }
0x16c: {  	[tilespmem:s20+$0xD70] =	vst v19;
	v17 =	vadd.f32 v17, v24;
	v19 =	vld [tilespmem:s20+$0x1160]  }
.Ltmp0:
0x16d: {  	[tilespmem:s20+$0x1100] =	vst v18;
	v18 =	vadd.f32 v16, v23;
	v16 =	vld [tilespmem:s20+$0x1170];
	(pc) =	sbr.rel @p0 .LBB2_2-.Ltmp0, $4  }
0x16e: {  	[tilespmem:s20+$0x1110] =	vst v17;
	v17 =	vadd.f32 v15, v22;
	v15 =	vld [tilespmem:s20+$0x1500]  }
0x16f: {  	[tilespmem:s20+$0x1120] =	vst v18;
	v21 =	vadd.f32 v14, v21;
	v14 =	vld [tilespmem:s20+$0x1510]  }
0x170: {  	[tilespmem:s20+$0x1130] =	vst v17;
	v18 =	vadd.f32 v13, v20;
	v13 =	vld [tilespmem:s20+$0x1520]  }
0x171: {  	s21 =	sadd.s32 $0x1, s21;
	[tilespmem:s20+$0x1140] =	vst v21;
	v17 =	vadd.f32 v12, v19;
	v12 =	vld [tilespmem:s20+$0x1530]  }
0x172: {  	[tilespmem:s20+$0x1150] =	vst v18;
	v60 =	vld [tilespmem:s20+$0x1540];
	v11 =	vadd.f32 v11, v16  }
0x173: {  	v61 =	vld [tilespmem:s20+$0x1550];
	[tilespmem:s20+$0x1160] =	vst v17;
	v10 =	vadd.f32 v10, v15  }
0x174: {  	v62 =	vld [tilespmem:s20+$0x1560];
	[tilespmem:s20+$0x1170] =	vst v11;
	v9 =	vadd.f32 v9, v14  }
0x175: {  	v63 =	vld [tilespmem:s20+$0x1570];
	[tilespmem:s20+$0x1500] =	vst v10;
	v8 =	vadd.f32 v8, v13  }
0x176: {  	[tilespmem:s20+$0x1510] =	vst v9;
	v7 =	vadd.f32 v7, v12  }
0x177: {  	[tilespmem:s20+$0x1520] =	vst v8;
	v6 =	vadd.f32 v6, v60  }
0x178: {  	v5 =	vadd.f32 v5, v61;
	[tilespmem:s20+$0x1530] =	vst v7  }
0x179: {  	v4 =	vadd.f32 v4, v62;
	[tilespmem:s20+$0x1540] =	vst v6  }
0x17a: {  	s19 =	sadd.s32 $0x1, s19;
	v3 =	vadd.f32 v3, v63;
	[tilespmem:s20+$0x1550] =	vst v5  }
0x17b: {  	p0 =	sne.s32 s19, s9;
	[tilespmem:s20+$0x1560] =	vst v4  }
.Ltmp1:
0x17c: {  	[tilespmem:s20+$0x1570] =	vst v3;
	(pc) =	sbr.rel @p0 .LBB2_1-.Ltmp1, $4  }
0x17d: {  	[hbm4b:s8+s2] =	stream.linear.scatter [tilespmem:s12], [sflag:$0x2], $0xC000, $0x38;
	[tilespmem:$0x18100] =	vst v63  }
0x17e: {  	_ =	swait.ge [sflag:s10], $0xC000  }
0x17f: {  	[sflag:s10] =	ssyncset.done $0x0  }
0x180: {  	[sflag:s10] =	ssyncadd.s32 $0xFFFF4000  }
0x181: {  	_ =	sfence.sel $0x180000  }
0x182: {  	[bflag:$0x0] =	sbarrier.arrive $0xFFFF  }
0x183: {  	_ =	strace $0x9000004E  }
0x184: {  	s0 =	stileid.u32;
	[bflag:$0x2] =	sbarrier.arrive $0xFFFF  }
0x185: {  	p0 =	sne.s32 s0, $0x0;
	s0 =	rddreg [dreg:$0x2]  }
0x186: {  	s0 =	sadd.s32 @!p0 $0x100000, s0  }
0x187: {  	[sflag:s0] =	ssyncadd.tile.s32 @!p0 $0x1;
	_ =	shalt  }
.Lfunc_end2:
_tile_overlayer_lowered:
.L_overlay_start_2:
0x188: {  	(tag) =	ssettag $0x2  }
0x189: {  	s0 =	rddreg [dreg:$0x0];
	s2 =	stileid.u32  }
0x18a: {  	s1 =	rddreg [dreg:$0x1];
	p0 =	sne.s32 s2, $0x0  }
0x18b: {  	s3 =	rddreg [dreg:$0x2];
	[bflag:$0x3] =	sbarrier.arrive $0xFFFF;
	s2 =	simm.s32 @!p0 $0x1C02  }
0x18c: {  	[timem:s3], [sflag:s2] =	dma.local @!p0 [hbm:s0], s1  }
0x18d: {  	s0 =	simm.s32 @!p0 $0x2  }
0x18e: {  	_ =	swait.ge @!p0 [sflag:s0], s1  }
0x18f: {  	s1 =	ssub.s32 @!p0 $0x0, s1;
	[sflag:s0] =	ssyncset.done @!p0 $0x0  }
0x190: {  	[sflag:s0] =	ssyncadd.s32 @!p0 s1  }
0x191: {  	[bflag:$0x3] =	sbarrier.arrive $0xFFFF  }
0x192: {  	_ =	shalt  }

</sc_bundles>
